<compile_context>
chip_gen: v7x
topology: tpu7x:2x2x1
jax: 0.10.2.dev20260603
libtpu: 0.0.44.dev20260713+nightly
codegen_flags: <defaults>
</compile_context>

<pallas_src>
import functools

import jax
import jax.numpy as jnp
from jax import lax
from jax.experimental import pallas as pl
from jax.experimental.pallas import tpu as pltpu
from jax.experimental.pallas import tpu_sc as plsc

NC = 2
NS = 16
NW = NC * NS
LANES = 16

VOCAB = 1000000
B = 4096
S = 200
D = 32
H = 128
OUT = 2

CH = 5
CHN = S // CH
BPW = B // NW
RB = 4
OUTP = 8


def _sc_embed_mean(x, table):
    mesh = plsc.VectorSubcoreMesh(core_axis_name="c", subcore_axis_name="s")

    @functools.partial(
        pl.kernel,
        out_type=jax.ShapeDtypeStruct((B, D), jnp.float32),
        mesh=mesh,
        compiler_params=pltpu.CompilerParams(use_tc_tiling_on_sc=False,
                                             needs_layout_passes=False),
        scratch_types=[
            pltpu.VMEM((BPW, CH, CHN), jnp.int32),
            pltpu.VMEM((RB, S, WPR), jnp.float32),
            pltpu.VMEM((BPW, D), jnp.float32),
            pltpu.SemaphoreType.DMA,
        ],
    )
    def k(x_hbm, table_hbm, out_hbm, idx_v, buf, out_v, sem):
        wid = lax.axis_index("s") * NC + lax.axis_index("c")
        base = wid * BPW
        for c in range(CH):
            pltpu.sync_copy(
                x_hbm.at[pl.ds(base, BPW), pl.ds(c * CHN, CHN)],
                idx_v.at[:, c, :],
            )

        def fire(i, slot):
            for c in range(CH):
                pltpu.async_copy(
                    table_hbm.at[idx_v.at[i, c]],
                    buf.at[slot, pl.ds(c * CHN, CHN)],
                    sem,
                )

        for s0 in range(RB):
            fire(s0, s0)

        zero = jnp.zeros((LANES,), jnp.float32)
        inv = jnp.float32(1.0 / S)

        def group(g, _):
            for ph in range(RB):
                i = g * RB + ph
                for c in range(CH):
                    pltpu.make_async_copy(
                        table_hbm.at[idx_v.at[i, c]],
                        buf.at[ph, pl.ds(c * CHN, CHN)],
                        sem,
                    ).wait()

                def acc(j, carry):
                    a0, a1 = carry
                    row = plsc.bitcast(buf[ph, j, pl.ds(0, WPR)],
                                       jnp.bfloat16)
                    lo, hi = plsc.unpack(row,
                                         format=plsc.PackFormat.INTERLEAVED)
                    return (a0 + lo, a1 + hi)

                a0, a1 = lax.fori_loop(0, S, acc, (zero, zero), unroll=8)
                out_v[i, pl.ds(0, LANES)] = a0 * inv
                out_v[i, pl.ds(LANES, LANES)] = a1 * inv

                @pl.when(i + RB < BPW)
                def _():
                    fire(i + RB, ph)
            return 0

        lax.fori_loop(0, BPW // RB, group, 0)
        pltpu.sync_copy(out_v, out_hbm.at[pl.ds(base, BPW)])

    return k(x, table)


PACK_VB = 16384
PACK_Q = PACK_VB // 8
PACK_GRID = (VOCAB + PACK_VB - 1) // PACK_VB
TAB_ROWS = PACK_GRID * PACK_VB
WPR = D // 2


def _tc_pack_table(tableT):

    def body(in_ref, out_ref):
        half = jnp.uint32(0x8000)
        himask = jnp.uint32(0xFFFF0000)
        CW = PACK_VB // 4
        for ci in range(4):
            u = jax.lax.bitcast_convert_type(
                in_ref[:, ci * CW:(ci + 1) * CW], jnp.uint32)
            lo = (u[:WPR] + half) >> 16
            hi = (u[WPR:] + half) & himask
            wf = jax.lax.bitcast_convert_type(lo | hi, jnp.float32)
            tt = wf.T
            for jj in range(2):
                j = 2 * ci + jj
                out_ref[:, j * WPR:(j + 1) * WPR] = \
                    tt[jj * PACK_Q:(jj + 1) * PACK_Q]

    return pl.pallas_call(
        body,
        grid=(PACK_GRID,),
        in_specs=[pl.BlockSpec((D, PACK_VB), lambda i: (0, i))],
        out_specs=pl.BlockSpec((PACK_Q, 8 * WPR), lambda i: (i, 0)),
        out_shape=jax.ShapeDtypeStruct((PACK_GRID * PACK_Q, 8 * WPR),
                                       jnp.float32),
    )(tableT)


def _tc_mlp(av, w1t, b1r, w2t, b2r):
    BLK = 512

    def mlp(av_ref, w1_ref, b1_ref, w2_ref, b2_ref, out_ref):
        h = jnp.dot(av_ref[...], w1_ref[...],
                    preferred_element_type=jnp.float32,
                    precision=jax.lax.Precision.HIGHEST) + b1_ref[...]
        h = jnp.maximum(h, 0.0)
        out_ref[...] = jnp.dot(h, w2_ref[...],
                               preferred_element_type=jnp.float32,
                               precision=jax.lax.Precision.HIGHEST) + b2_ref[...]

    return pl.pallas_call(
        mlp,
        grid=(B // BLK,),
        in_specs=[
            pl.BlockSpec((BLK, D), lambda i: (i, 0)),
            pl.BlockSpec((D, H), lambda i: (0, 0)),
            pl.BlockSpec((1, H), lambda i: (0, 0)),
            pl.BlockSpec((H, OUTP), lambda i: (0, 0)),
            pl.BlockSpec((1, OUTP), lambda i: (0, 0)),
        ],
        out_specs=pl.BlockSpec((BLK, OUTP), lambda i: (i, 0)),
        out_shape=jax.ShapeDtypeStruct((B, OUTP), jnp.float32),
    )(av, w1t, b1r, w2t, b2r)


def kernel(x, table, W1, b1, W2, b2):
    packed = _tc_pack_table(table.T)
    table_lin = packed.reshape(TAB_ROWS, WPR)
    q_bits = PACK_Q.bit_length() - 1
    xk = (x & ~(PACK_VB - 1)) | ((x & (PACK_Q - 1)) << 3) \
        | ((x & (PACK_VB - 1)) >> q_bits)
    av = _sc_embed_mean(xk, table_lin)
    w1t = W1.T
    b1r = b1.reshape(1, H)
    w2t = jnp.zeros((H, OUTP), jnp.float32).at[:, :OUT].set(W2.T)
    b2r = jnp.zeros((1, OUTP), jnp.float32).at[:, :OUT].set(b2)
    logits = _tc_mlp(av, w1t, b1r, w2t, b2r)
    return logits[:, :OUT]

# --- scband reference (transcript-rebuilt; emitter-appended) ---
"""Pipeline reference for scband-dan-bpe-21260088115763 (READ-ONLY COPY).

The authoritative reference and input builder live on the scoring server;
editing this copy changes nothing except your own understanding.
"""

import jax, jax.numpy as jnp
import numpy as np

VOCAB = 1000000
EMBED_DIM = 32
HIDDEN_DIM = 128
OUTPUT_DIM = 2
BATCH = 4096
SEQ = 200


def setup_inputs(seed: int = 0) -> dict:
    key = jax.random.key(seed)
    k1, k2, k3, k4, k5, k6 = jax.random.split(key, 6)
    x = jax.random.randint(k1, (BATCH, SEQ), 0, VOCAB, dtype=jnp.int64 if jax.config.read('jax_enable_x64') else jnp.int32)
    table = jax.random.normal(k2, (VOCAB, EMBED_DIM), dtype=jnp.float32)
    # fc1: Linear(embedding_dim, hidden_dim)
    lim1 = 1.0 / np.sqrt(EMBED_DIM)
    W1 = jax.random.uniform(k3, (HIDDEN_DIM, EMBED_DIM), minval=-lim1, maxval=lim1, dtype=jnp.float32)
    b1 = jax.random.uniform(k4, (HIDDEN_DIM,), minval=-lim1, maxval=lim1, dtype=jnp.float32)
    # fc2: Linear(hidden_dim, output_dim)
    lim2 = 1.0 / np.sqrt(HIDDEN_DIM)
    W2 = jax.random.uniform(k5, (OUTPUT_DIM, HIDDEN_DIM), minval=-lim2, maxval=lim2, dtype=jnp.float32)
    b2 = jax.random.uniform(k6, (OUTPUT_DIM,), minval=-lim2, maxval=lim2, dtype=jnp.float32)
    return {"x": x, "table": table, "W1": W1, "b1": b1, "W2": W2, "b2": b2}


def reference(x, table, W1, b1, W2, b2):
    # x = x.long(); embedded = self.embedding(x)
    embedded = jnp.take(table, x, axis=0)              # [B, S, D]
    # averaged_embeds = torch.mean(embedded, dim=1)
    averaged = jnp.mean(embedded, axis=1)              # [B, D]
    # hidden = relu(fc1(averaged))
    hidden = jax.nn.relu(averaged @ W1.T + b1)         # [B, H]
    # logits = fc2(hidden)
    logits = hidden @ W2.T + b2                        # [B, OUT]
    return logits

if __name__ == "__main__":
    import jax
    _d = setup_inputs()
    print(jax.jit(kernel)(*tuple(_d.values())))

</pallas_src>

<mosaic_0001>
#map = affine_map<(d0, d1) -> (0, 0)>
module attributes {stable_mosaic.version = 14 : i64} {
  func.func @k(%arg0: i32, %arg1: i32, %arg2: memref<4096x200xi32, #tpu.memory_space<hbm>>, %arg3: memref<1015808x16xf32, #tpu.memory_space<hbm>>, %arg4: memref<4096x32xf32, #tpu.memory_space<hbm>>, %arg5: memref<128x5x40xi32, #tpu.memory_space<vmem>>, %arg6: memref<4x200x16xf32, #tpu.memory_space<vmem>>, %arg7: memref<128x32xf32, #tpu.memory_space<vmem>>, %arg8: memref<!tpu.dma_semaphore, #tpu.memory_space<semaphore_mem>>) attributes {dimension_semantics = [#tpu.dimension_semantics<core_parallel>, #tpu.dimension_semantics<subcore_parallel>], iteration_bounds = array<i64: 2, 16>, scalar_prefetch = 0 : i64, scratch_operands = 4 : i64, tpu.core_type = #tpu.core_type<sc_vector_subcore>, window_params = [{transform_indices = #map}, {transform_indices = #map}, {transform_indices = #map}]} {
    %mul3A = arith.constant 2 : i32
    %mul3A_0 = arith.muli %arg1, %mul3A : i32
    %add3A = arith.addi %mul3A_0, %arg0 : i32
    %mul3A_1 = arith.constant 128 : i32
    %mul3A_2 = arith.muli %add3A, %mul3A_1 : i32
    %run_scoped3A = arith.constant 0 : i32
    "tpu.region"() ({
      %run_scoped3A_274 = tpu.sem_alloc : memref<!tpu.dma_semaphore, #tpu.memory_space<semaphore_mem>>
      %dma_start3A_275 = arith.constant 0 : i32
      %dma_start3A_276 = arith.constant 0 : i32
      %dma_start3A_277 = tpu.memref_slice %arg5[%dma_start3A_275, %run_scoped3A, %dma_start3A_276] : memref<128x5x40xi32, #tpu.memory_space<vmem>> -> memref<128x1x40xi32, #tpu.memory_space<vmem>>
      %dma_start3A_278 = tpu.memref_squeeze %dma_start3A_277 : memref<128x1x40xi32, #tpu.memory_space<vmem>> -> memref<128x40xi32, #tpu.memory_space<vmem>>
      %dma_start3A_279 = arith.constant 0 : i32
      %dma_start3A_280 = tpu.memref_slice %arg2[%mul3A_2, %dma_start3A_279] : memref<4096x200xi32, #tpu.memory_space<hbm>> -> memref<128x40xi32, #tpu.memory_space<hbm>>
      %dma_start3A_281 = arith.constant 0 : i32
      %dma_start3A_282 = arith.constant 0 : i32
      %dma_start3A_283 = tpu.memref_slice %arg5[%dma_start3A_281, %run_scoped3A, %dma_start3A_282] : memref<128x5x40xi32, #tpu.memory_space<vmem>> -> memref<128x1x40xi32, #tpu.memory_space<vmem>>
      %dma_start3A_284 = tpu.memref_squeeze %dma_start3A_283 : memref<128x1x40xi32, #tpu.memory_space<vmem>> -> memref<128x40xi32, #tpu.memory_space<vmem>>
      %dma_start3A_285 = arith.constant 0 : i32
      %dma_start3A_286 = tpu.memref_slice %arg2[%mul3A_2, %dma_start3A_285] : memref<4096x200xi32, #tpu.memory_space<hbm>> -> memref<128x40xi32, #tpu.memory_space<hbm>>
      tpu.enqueue_dma source(%dma_start3A_286 : memref<128x40xi32, #tpu.memory_space<hbm>>) target(%dma_start3A_284 : memref<128x40xi32, #tpu.memory_space<vmem>>) target_semaphore(%run_scoped3A_274 : memref<!tpu.dma_semaphore, #tpu.memory_space<semaphore_mem>>)
      %dma_wait3A = arith.constant 0 : i32
      %dma_wait3A_287 = arith.constant 0 : i32
      %dma_wait3A_288 = tpu.memref_slice %arg5[%dma_wait3A, %run_scoped3A, %dma_wait3A_287] : memref<128x5x40xi32, #tpu.memory_space<vmem>> -> memref<128x1x40xi32, #tpu.memory_space<vmem>>
      %dma_wait3A_289 = tpu.memref_squeeze %dma_wait3A_288 : memref<128x1x40xi32, #tpu.memory_space<vmem>> -> memref<128x40xi32, #tpu.memory_space<vmem>>
      %dma_wait3A_290 = arith.constant 0 : i32
      %dma_wait3A_291 = tpu.memref_slice %arg2[%mul3A_2, %dma_wait3A_290] : memref<4096x200xi32, #tpu.memory_space<hbm>> -> memref<128x40xi32, #tpu.memory_space<hbm>>
      %dma_wait3A_292 = arith.constant 0 : i32
      %dma_wait3A_293 = arith.constant 0 : i32
      %dma_wait3A_294 = tpu.memref_slice %arg5[%dma_wait3A_292, %run_scoped3A, %dma_wait3A_293] : memref<128x5x40xi32, #tpu.memory_space<vmem>> -> memref<128x1x40xi32, #tpu.memory_space<vmem>>
      %dma_wait3A_295 = tpu.memref_squeeze %dma_wait3A_294 : memref<128x1x40xi32, #tpu.memory_space<vmem>> -> memref<128x40xi32, #tpu.memory_space<vmem>>
      %dma_wait3A_296 = arith.constant 0 : i32
      %dma_wait3A_297 = tpu.memref_slice %arg2[%mul3A_2, %dma_wait3A_296] : memref<4096x200xi32, #tpu.memory_space<hbm>> -> memref<128x40xi32, #tpu.memory_space<hbm>>
      tpu.wait_dma2 semaphore(%run_scoped3A_274 : memref<!tpu.dma_semaphore, #tpu.memory_space<semaphore_mem>>) src(%dma_wait3A_297 : memref<128x40xi32, #tpu.memory_space<hbm>>) dst(%dma_wait3A_295 : memref<128x40xi32, #tpu.memory_space<vmem>>)
      tpu.yield
    }) : () -> ()
    %run_scoped3A_3 = arith.constant 1 : i32
    "tpu.region"() ({
      %run_scoped3A_274 = tpu.sem_alloc : memref<!tpu.dma_semaphore, #tpu.memory_space<semaphore_mem>>
      %dma_start3A_275 = arith.constant 0 : i32
      %dma_start3A_276 = arith.constant 0 : i32
      %dma_start3A_277 = tpu.memref_slice %arg5[%dma_start3A_275, %run_scoped3A_3, %dma_start3A_276] : memref<128x5x40xi32, #tpu.memory_space<vmem>> -> memref<128x1x40xi32, #tpu.memory_space<vmem>>
      %dma_start3A_278 = tpu.memref_squeeze %dma_start3A_277 : memref<128x1x40xi32, #tpu.memory_space<vmem>> -> memref<128x40xi32, #tpu.memory_space<vmem>>
      %dma_start3A_279 = arith.constant 40 : i32
      %dma_start3A_280 = tpu.memref_slice %arg2[%mul3A_2, %dma_start3A_279] : memref<4096x200xi32, #tpu.memory_space<hbm>> -> memref<128x40xi32, #tpu.memory_space<hbm>>
      %dma_start3A_281 = arith.constant 0 : i32
      %dma_start3A_282 = arith.constant 0 : i32
      %dma_start3A_283 = tpu.memref_slice %arg5[%dma_start3A_281, %run_scoped3A_3, %dma_start3A_282] : memref<128x5x40xi32, #tpu.memory_space<vmem>> -> memref<128x1x40xi32, #tpu.memory_space<vmem>>
      %dma_start3A_284 = tpu.memref_squeeze %dma_start3A_283 : memref<128x1x40xi32, #tpu.memory_space<vmem>> -> memref<128x40xi32, #tpu.memory_space<vmem>>
      %dma_start3A_285 = arith.constant 40 : i32
      %dma_start3A_286 = tpu.memref_slice %arg2[%mul3A_2, %dma_start3A_285] : memref<4096x200xi32, #tpu.memory_space<hbm>> -> memref<128x40xi32, #tpu.memory_space<hbm>>
      tpu.enqueue_dma source(%dma_start3A_286 : memref<128x40xi32, #tpu.memory_space<hbm>>) target(%dma_start3A_284 : memref<128x40xi32, #tpu.memory_space<vmem>>) target_semaphore(%run_scoped3A_274 : memref<!tpu.dma_semaphore, #tpu.memory_space<semaphore_mem>>)
      %dma_wait3A = arith.constant 0 : i32
      %dma_wait3A_287 = arith.constant 0 : i32
      %dma_wait3A_288 = tpu.memref_slice %arg5[%dma_wait3A, %run_scoped3A_3, %dma_wait3A_287] : memref<128x5x40xi32, #tpu.memory_space<vmem>> -> memref<128x1x40xi32, #tpu.memory_space<vmem>>
      %dma_wait3A_289 = tpu.memref_squeeze %dma_wait3A_288 : memref<128x1x40xi32, #tpu.memory_space<vmem>> -> memref<128x40xi32, #tpu.memory_space<vmem>>
      %dma_wait3A_290 = arith.constant 40 : i32
      %dma_wait3A_291 = tpu.memref_slice %arg2[%mul3A_2, %dma_wait3A_290] : memref<4096x200xi32, #tpu.memory_space<hbm>> -> memref<128x40xi32, #tpu.memory_space<hbm>>
      %dma_wait3A_292 = arith.constant 0 : i32
      %dma_wait3A_293 = arith.constant 0 : i32
      %dma_wait3A_294 = tpu.memref_slice %arg5[%dma_wait3A_292, %run_scoped3A_3, %dma_wait3A_293] : memref<128x5x40xi32, #tpu.memory_space<vmem>> -> memref<128x1x40xi32, #tpu.memory_space<vmem>>
      %dma_wait3A_295 = tpu.memref_squeeze %dma_wait3A_294 : memref<128x1x40xi32, #tpu.memory_space<vmem>> -> memref<128x40xi32, #tpu.memory_space<vmem>>
      %dma_wait3A_296 = arith.constant 40 : i32
      %dma_wait3A_297 = tpu.memref_slice %arg2[%mul3A_2, %dma_wait3A_296] : memref<4096x200xi32, #tpu.memory_space<hbm>> -> memref<128x40xi32, #tpu.memory_space<hbm>>
      tpu.wait_dma2 semaphore(%run_scoped3A_274 : memref<!tpu.dma_semaphore, #tpu.memory_space<semaphore_mem>>) src(%dma_wait3A_297 : memref<128x40xi32, #tpu.memory_space<hbm>>) dst(%dma_wait3A_295 : memref<128x40xi32, #tpu.memory_space<vmem>>)
      tpu.yield
    }) : () -> ()
    %run_scoped3A_4 = arith.constant 2 : i32
    "tpu.region"() ({
      %run_scoped3A_274 = tpu.sem_alloc : memref<!tpu.dma_semaphore, #tpu.memory_space<semaphore_mem>>
      %dma_start3A_275 = arith.constant 0 : i32
      %dma_start3A_276 = arith.constant 0 : i32
      %dma_start3A_277 = tpu.memref_slice %arg5[%dma_start3A_275, %run_scoped3A_4, %dma_start3A_276] : memref<128x5x40xi32, #tpu.memory_space<vmem>> -> memref<128x1x40xi32, #tpu.memory_space<vmem>>
      %dma_start3A_278 = tpu.memref_squeeze %dma_start3A_277 : memref<128x1x40xi32, #tpu.memory_space<vmem>> -> memref<128x40xi32, #tpu.memory_space<vmem>>
      %dma_start3A_279 = arith.constant 80 : i32
      %dma_start3A_280 = tpu.memref_slice %arg2[%mul3A_2, %dma_start3A_279] : memref<4096x200xi32, #tpu.memory_space<hbm>> -> memref<128x40xi32, #tpu.memory_space<hbm>>
      %dma_start3A_281 = arith.constant 0 : i32
      %dma_start3A_282 = arith.constant 0 : i32
      %dma_start3A_283 = tpu.memref_slice %arg5[%dma_start3A_281, %run_scoped3A_4, %dma_start3A_282] : memref<128x5x40xi32, #tpu.memory_space<vmem>> -> memref<128x1x40xi32, #tpu.memory_space<vmem>>
      %dma_start3A_284 = tpu.memref_squeeze %dma_start3A_283 : memref<128x1x40xi32, #tpu.memory_space<vmem>> -> memref<128x40xi32, #tpu.memory_space<vmem>>
      %dma_start3A_285 = arith.constant 80 : i32
      %dma_start3A_286 = tpu.memref_slice %arg2[%mul3A_2, %dma_start3A_285] : memref<4096x200xi32, #tpu.memory_space<hbm>> -> memref<128x40xi32, #tpu.memory_space<hbm>>
      tpu.enqueue_dma source(%dma_start3A_286 : memref<128x40xi32, #tpu.memory_space<hbm>>) target(%dma_start3A_284 : memref<128x40xi32, #tpu.memory_space<vmem>>) target_semaphore(%run_scoped3A_274 : memref<!tpu.dma_semaphore, #tpu.memory_space<semaphore_mem>>)
      %dma_wait3A = arith.constant 0 : i32
      %dma_wait3A_287 = arith.constant 0 : i32
      %dma_wait3A_288 = tpu.memref_slice %arg5[%dma_wait3A, %run_scoped3A_4, %dma_wait3A_287] : memref<128x5x40xi32, #tpu.memory_space<vmem>> -> memref<128x1x40xi32, #tpu.memory_space<vmem>>
      %dma_wait3A_289 = tpu.memref_squeeze %dma_wait3A_288 : memref<128x1x40xi32, #tpu.memory_space<vmem>> -> memref<128x40xi32, #tpu.memory_space<vmem>>
      %dma_wait3A_290 = arith.constant 80 : i32
      %dma_wait3A_291 = tpu.memref_slice %arg2[%mul3A_2, %dma_wait3A_290] : memref<4096x200xi32, #tpu.memory_space<hbm>> -> memref<128x40xi32, #tpu.memory_space<hbm>>
      %dma_wait3A_292 = arith.constant 0 : i32
      %dma_wait3A_293 = arith.constant 0 : i32
      %dma_wait3A_294 = tpu.memref_slice %arg5[%dma_wait3A_292, %run_scoped3A_4, %dma_wait3A_293] : memref<128x5x40xi32, #tpu.memory_space<vmem>> -> memref<128x1x40xi32, #tpu.memory_space<vmem>>
      %dma_wait3A_295 = tpu.memref_squeeze %dma_wait3A_294 : memref<128x1x40xi32, #tpu.memory_space<vmem>> -> memref<128x40xi32, #tpu.memory_space<vmem>>
      %dma_wait3A_296 = arith.constant 80 : i32
      %dma_wait3A_297 = tpu.memref_slice %arg2[%mul3A_2, %dma_wait3A_296] : memref<4096x200xi32, #tpu.memory_space<hbm>> -> memref<128x40xi32, #tpu.memory_space<hbm>>
      tpu.wait_dma2 semaphore(%run_scoped3A_274 : memref<!tpu.dma_semaphore, #tpu.memory_space<semaphore_mem>>) src(%dma_wait3A_297 : memref<128x40xi32, #tpu.memory_space<hbm>>) dst(%dma_wait3A_295 : memref<128x40xi32, #tpu.memory_space<vmem>>)
      tpu.yield
    }) : () -> ()
    %run_scoped3A_5 = arith.constant 3 : i32
    "tpu.region"() ({
      %run_scoped3A_274 = tpu.sem_alloc : memref<!tpu.dma_semaphore, #tpu.memory_space<semaphore_mem>>
      %dma_start3A_275 = arith.constant 0 : i32
      %dma_start3A_276 = arith.constant 0 : i32
      %dma_start3A_277 = tpu.memref_slice %arg5[%dma_start3A_275, %run_scoped3A_5, %dma_start3A_276] : memref<128x5x40xi32, #tpu.memory_space<vmem>> -> memref<128x1x40xi32, #tpu.memory_space<vmem>>
      %dma_start3A_278 = tpu.memref_squeeze %dma_start3A_277 : memref<128x1x40xi32, #tpu.memory_space<vmem>> -> memref<128x40xi32, #tpu.memory_space<vmem>>
      %dma_start3A_279 = arith.constant 120 : i32
      %dma_start3A_280 = tpu.memref_slice %arg2[%mul3A_2, %dma_start3A_279] : memref<4096x200xi32, #tpu.memory_space<hbm>> -> memref<128x40xi32, #tpu.memory_space<hbm>>
      %dma_start3A_281 = arith.constant 0 : i32
      %dma_start3A_282 = arith.constant 0 : i32
      %dma_start3A_283 = tpu.memref_slice %arg5[%dma_start3A_281, %run_scoped3A_5, %dma_start3A_282] : memref<128x5x40xi32, #tpu.memory_space<vmem>> -> memref<128x1x40xi32, #tpu.memory_space<vmem>>
      %dma_start3A_284 = tpu.memref_squeeze %dma_start3A_283 : memref<128x1x40xi32, #tpu.memory_space<vmem>> -> memref<128x40xi32, #tpu.memory_space<vmem>>
      %dma_start3A_285 = arith.constant 120 : i32
      %dma_start3A_286 = tpu.memref_slice %arg2[%mul3A_2, %dma_start3A_285] : memref<4096x200xi32, #tpu.memory_space<hbm>> -> memref<128x40xi32, #tpu.memory_space<hbm>>
      tpu.enqueue_dma source(%dma_start3A_286 : memref<128x40xi32, #tpu.memory_space<hbm>>) target(%dma_start3A_284 : memref<128x40xi32, #tpu.memory_space<vmem>>) target_semaphore(%run_scoped3A_274 : memref<!tpu.dma_semaphore, #tpu.memory_space<semaphore_mem>>)
      %dma_wait3A = arith.constant 0 : i32
      %dma_wait3A_287 = arith.constant 0 : i32
      %dma_wait3A_288 = tpu.memref_slice %arg5[%dma_wait3A, %run_scoped3A_5, %dma_wait3A_287] : memref<128x5x40xi32, #tpu.memory_space<vmem>> -> memref<128x1x40xi32, #tpu.memory_space<vmem>>
      %dma_wait3A_289 = tpu.memref_squeeze %dma_wait3A_288 : memref<128x1x40xi32, #tpu.memory_space<vmem>> -> memref<128x40xi32, #tpu.memory_space<vmem>>
      %dma_wait3A_290 = arith.constant 120 : i32
      %dma_wait3A_291 = tpu.memref_slice %arg2[%mul3A_2, %dma_wait3A_290] : memref<4096x200xi32, #tpu.memory_space<hbm>> -> memref<128x40xi32, #tpu.memory_space<hbm>>
      %dma_wait3A_292 = arith.constant 0 : i32
      %dma_wait3A_293 = arith.constant 0 : i32
      %dma_wait3A_294 = tpu.memref_slice %arg5[%dma_wait3A_292, %run_scoped3A_5, %dma_wait3A_293] : memref<128x5x40xi32, #tpu.memory_space<vmem>> -> memref<128x1x40xi32, #tpu.memory_space<vmem>>
      %dma_wait3A_295 = tpu.memref_squeeze %dma_wait3A_294 : memref<128x1x40xi32, #tpu.memory_space<vmem>> -> memref<128x40xi32, #tpu.memory_space<vmem>>
      %dma_wait3A_296 = arith.constant 120 : i32
      %dma_wait3A_297 = tpu.memref_slice %arg2[%mul3A_2, %dma_wait3A_296] : memref<4096x200xi32, #tpu.memory_space<hbm>> -> memref<128x40xi32, #tpu.memory_space<hbm>>
      tpu.wait_dma2 semaphore(%run_scoped3A_274 : memref<!tpu.dma_semaphore, #tpu.memory_space<semaphore_mem>>) src(%dma_wait3A_297 : memref<128x40xi32, #tpu.memory_space<hbm>>) dst(%dma_wait3A_295 : memref<128x40xi32, #tpu.memory_space<vmem>>)
      tpu.yield
    }) : () -> ()
    %run_scoped3A_6 = arith.constant 4 : i32
    "tpu.region"() ({
      %run_scoped3A_274 = tpu.sem_alloc : memref<!tpu.dma_semaphore, #tpu.memory_space<semaphore_mem>>
      %dma_start3A_275 = arith.constant 0 : i32
      %dma_start3A_276 = arith.constant 0 : i32
      %dma_start3A_277 = tpu.memref_slice %arg5[%dma_start3A_275, %run_scoped3A_6, %dma_start3A_276] : memref<128x5x40xi32, #tpu.memory_space<vmem>> -> memref<128x1x40xi32, #tpu.memory_space<vmem>>
      %dma_start3A_278 = tpu.memref_squeeze %dma_start3A_277 : memref<128x1x40xi32, #tpu.memory_space<vmem>> -> memref<128x40xi32, #tpu.memory_space<vmem>>
      %dma_start3A_279 = arith.constant 160 : i32
      %dma_start3A_280 = tpu.memref_slice %arg2[%mul3A_2, %dma_start3A_279] : memref<4096x200xi32, #tpu.memory_space<hbm>> -> memref<128x40xi32, #tpu.memory_space<hbm>>
      %dma_start3A_281 = arith.constant 0 : i32
      %dma_start3A_282 = arith.constant 0 : i32
      %dma_start3A_283 = tpu.memref_slice %arg5[%dma_start3A_281, %run_scoped3A_6, %dma_start3A_282] : memref<128x5x40xi32, #tpu.memory_space<vmem>> -> memref<128x1x40xi32, #tpu.memory_space<vmem>>
      %dma_start3A_284 = tpu.memref_squeeze %dma_start3A_283 : memref<128x1x40xi32, #tpu.memory_space<vmem>> -> memref<128x40xi32, #tpu.memory_space<vmem>>
      %dma_start3A_285 = arith.constant 160 : i32
      %dma_start3A_286 = tpu.memref_slice %arg2[%mul3A_2, %dma_start3A_285] : memref<4096x200xi32, #tpu.memory_space<hbm>> -> memref<128x40xi32, #tpu.memory_space<hbm>>
      tpu.enqueue_dma source(%dma_start3A_286 : memref<128x40xi32, #tpu.memory_space<hbm>>) target(%dma_start3A_284 : memref<128x40xi32, #tpu.memory_space<vmem>>) target_semaphore(%run_scoped3A_274 : memref<!tpu.dma_semaphore, #tpu.memory_space<semaphore_mem>>)
      %dma_wait3A = arith.constant 0 : i32
      %dma_wait3A_287 = arith.constant 0 : i32
      %dma_wait3A_288 = tpu.memref_slice %arg5[%dma_wait3A, %run_scoped3A_6, %dma_wait3A_287] : memref<128x5x40xi32, #tpu.memory_space<vmem>> -> memref<128x1x40xi32, #tpu.memory_space<vmem>>
      %dma_wait3A_289 = tpu.memref_squeeze %dma_wait3A_288 : memref<128x1x40xi32, #tpu.memory_space<vmem>> -> memref<128x40xi32, #tpu.memory_space<vmem>>
      %dma_wait3A_290 = arith.constant 160 : i32
      %dma_wait3A_291 = tpu.memref_slice %arg2[%mul3A_2, %dma_wait3A_290] : memref<4096x200xi32, #tpu.memory_space<hbm>> -> memref<128x40xi32, #tpu.memory_space<hbm>>
      %dma_wait3A_292 = arith.constant 0 : i32
      %dma_wait3A_293 = arith.constant 0 : i32
      %dma_wait3A_294 = tpu.memref_slice %arg5[%dma_wait3A_292, %run_scoped3A_6, %dma_wait3A_293] : memref<128x5x40xi32, #tpu.memory_space<vmem>> -> memref<128x1x40xi32, #tpu.memory_space<vmem>>
      %dma_wait3A_295 = tpu.memref_squeeze %dma_wait3A_294 : memref<128x1x40xi32, #tpu.memory_space<vmem>> -> memref<128x40xi32, #tpu.memory_space<vmem>>
      %dma_wait3A_296 = arith.constant 160 : i32
      %dma_wait3A_297 = tpu.memref_slice %arg2[%mul3A_2, %dma_wait3A_296] : memref<4096x200xi32, #tpu.memory_space<hbm>> -> memref<128x40xi32, #tpu.memory_space<hbm>>
      tpu.wait_dma2 semaphore(%run_scoped3A_274 : memref<!tpu.dma_semaphore, #tpu.memory_space<semaphore_mem>>) src(%dma_wait3A_297 : memref<128x40xi32, #tpu.memory_space<hbm>>) dst(%dma_wait3A_295 : memref<128x40xi32, #tpu.memory_space<vmem>>)
      tpu.yield
    }) : () -> ()
    %dma_start3A = arith.constant 0 : i32
    %dma_start3A_7 = arith.constant 0 : i32
    %dma_start3A_8 = arith.constant 0 : i32
    %dma_start3A_9 = arith.constant 0 : i32
    %dma_start3A_10 = arith.constant 0 : i32
    %dma_start3A_11 = tpu.memref_slice %arg6[%dma_start3A_8, %dma_start3A_9, %dma_start3A_10] : memref<4x200x16xf32, #tpu.memory_space<vmem>> -> memref<1x40x16xf32, #tpu.memory_space<vmem>>
    %dma_start3A_12 = tpu.memref_squeeze %dma_start3A_11 : memref<1x40x16xf32, #tpu.memory_space<vmem>> -> memref<40x16xf32, #tpu.memory_space<vmem>>
    %dma_start3A_13 = arith.constant 0 : i32
    %dma_start3A_14 = tpu.memref_slice %arg5[%dma_start3A, %dma_start3A_7, %dma_start3A_13] : memref<128x5x40xi32, #tpu.memory_space<vmem>> -> memref<1x1x40xi32, #tpu.memory_space<vmem>>
    %dma_start3A_15 = tpu.memref_squeeze %dma_start3A_14 : memref<1x1x40xi32, #tpu.memory_space<vmem>> -> memref<40xi32, #tpu.memory_space<vmem>>
    %dma_start3A_16 = arith.constant 0 : i32
    %dma_start3A_17 = arith.constant 0 : i32
    %dma_start3A_18 = tpu.memref_slice %arg3[%dma_start3A_16, %dma_start3A_17] : memref<1015808x16xf32, #tpu.memory_space<hbm>> -> memref<1015808x16xf32, #tpu.memory_space<hbm>>
    tpu.enqueue_indirect_dma source(%dma_start3A_18 : memref<1015808x16xf32, #tpu.memory_space<hbm>>) target(%dma_start3A_12 : memref<40x16xf32, #tpu.memory_space<vmem>>) offsets(%dma_start3A_15 : memref<40xi32, #tpu.memory_space<vmem>>) semaphore(%arg8 : memref<!tpu.dma_semaphore, #tpu.memory_space<semaphore_mem>>)
    %dma_start3A_19 = arith.constant 0 : i32
    %dma_start3A_20 = arith.constant 1 : i32
    %dma_start3A_21 = arith.constant 0 : i32
    %dma_start3A_22 = arith.constant 40 : i32
    %dma_start3A_23 = arith.constant 0 : i32
    %dma_start3A_24 = tpu.memref_slice %arg6[%dma_start3A_21, %dma_start3A_22, %dma_start3A_23] : memref<4x200x16xf32, #tpu.memory_space<vmem>> -> memref<1x40x16xf32, #tpu.memory_space<vmem>>
    %dma_start3A_25 = tpu.memref_squeeze %dma_start3A_24 : memref<1x40x16xf32, #tpu.memory_space<vmem>> -> memref<40x16xf32, #tpu.memory_space<vmem>>
    %dma_start3A_26 = arith.constant 0 : i32
    %dma_start3A_27 = tpu.memref_slice %arg5[%dma_start3A_19, %dma_start3A_20, %dma_start3A_26] : memref<128x5x40xi32, #tpu.memory_space<vmem>> -> memref<1x1x40xi32, #tpu.memory_space<vmem>>
    %dma_start3A_28 = tpu.memref_squeeze %dma_start3A_27 : memref<1x1x40xi32, #tpu.memory_space<vmem>> -> memref<40xi32, #tpu.memory_space<vmem>>
    %dma_start3A_29 = arith.constant 0 : i32
    %dma_start3A_30 = arith.constant 0 : i32
    %dma_start3A_31 = tpu.memref_slice %arg3[%dma_start3A_29, %dma_start3A_30] : memref<1015808x16xf32, #tpu.memory_space<hbm>> -> memref<1015808x16xf32, #tpu.memory_space<hbm>>
    tpu.enqueue_indirect_dma source(%dma_start3A_31 : memref<1015808x16xf32, #tpu.memory_space<hbm>>) target(%dma_start3A_25 : memref<40x16xf32, #tpu.memory_space<vmem>>) offsets(%dma_start3A_28 : memref<40xi32, #tpu.memory_space<vmem>>) semaphore(%arg8 : memref<!tpu.dma_semaphore, #tpu.memory_space<semaphore_mem>>)
    %dma_start3A_32 = arith.constant 0 : i32
    %dma_start3A_33 = arith.constant 2 : i32
    %dma_start3A_34 = arith.constant 0 : i32
    %dma_start3A_35 = arith.constant 80 : i32
    %dma_start3A_36 = arith.constant 0 : i32
    %dma_start3A_37 = tpu.memref_slice %arg6[%dma_start3A_34, %dma_start3A_35, %dma_start3A_36] : memref<4x200x16xf32, #tpu.memory_space<vmem>> -> memref<1x40x16xf32, #tpu.memory_space<vmem>>
    %dma_start3A_38 = tpu.memref_squeeze %dma_start3A_37 : memref<1x40x16xf32, #tpu.memory_space<vmem>> -> memref<40x16xf32, #tpu.memory_space<vmem>>
    %dma_start3A_39 = arith.constant 0 : i32
    %dma_start3A_40 = tpu.memref_slice %arg5[%dma_start3A_32, %dma_start3A_33, %dma_start3A_39] : memref<128x5x40xi32, #tpu.memory_space<vmem>> -> memref<1x1x40xi32, #tpu.memory_space<vmem>>
    %dma_start3A_41 = tpu.memref_squeeze %dma_start3A_40 : memref<1x1x40xi32, #tpu.memory_space<vmem>> -> memref<40xi32, #tpu.memory_space<vmem>>
    %dma_start3A_42 = arith.constant 0 : i32
    %dma_start3A_43 = arith.constant 0 : i32
    %dma_start3A_44 = tpu.memref_slice %arg3[%dma_start3A_42, %dma_start3A_43] : memref<1015808x16xf32, #tpu.memory_space<hbm>> -> memref<1015808x16xf32, #tpu.memory_space<hbm>>
    tpu.enqueue_indirect_dma source(%dma_start3A_44 : memref<1015808x16xf32, #tpu.memory_space<hbm>>) target(%dma_start3A_38 : memref<40x16xf32, #tpu.memory_space<vmem>>) offsets(%dma_start3A_41 : memref<40xi32, #tpu.memory_space<vmem>>) semaphore(%arg8 : memref<!tpu.dma_semaphore, #tpu.memory_space<semaphore_mem>>)
    %dma_start3A_45 = arith.constant 0 : i32
    %dma_start3A_46 = arith.constant 3 : i32
    %dma_start3A_47 = arith.constant 0 : i32
    %dma_start3A_48 = arith.constant 120 : i32
    %dma_start3A_49 = arith.constant 0 : i32
    %dma_start3A_50 = tpu.memref_slice %arg6[%dma_start3A_47, %dma_start3A_48, %dma_start3A_49] : memref<4x200x16xf32, #tpu.memory_space<vmem>> -> memref<1x40x16xf32, #tpu.memory_space<vmem>>
    %dma_start3A_51 = tpu.memref_squeeze %dma_start3A_50 : memref<1x40x16xf32, #tpu.memory_space<vmem>> -> memref<40x16xf32, #tpu.memory_space<vmem>>
    %dma_start3A_52 = arith.constant 0 : i32
    %dma_start3A_53 = tpu.memref_slice %arg5[%dma_start3A_45, %dma_start3A_46, %dma_start3A_52] : memref<128x5x40xi32, #tpu.memory_space<vmem>> -> memref<1x1x40xi32, #tpu.memory_space<vmem>>
    %dma_start3A_54 = tpu.memref_squeeze %dma_start3A_53 : memref<1x1x40xi32, #tpu.memory_space<vmem>> -> memref<40xi32, #tpu.memory_space<vmem>>
    %dma_start3A_55 = arith.constant 0 : i32
    %dma_start3A_56 = arith.constant 0 : i32
    %dma_start3A_57 = tpu.memref_slice %arg3[%dma_start3A_55, %dma_start3A_56] : memref<1015808x16xf32, #tpu.memory_space<hbm>> -> memref<1015808x16xf32, #tpu.memory_space<hbm>>
    tpu.enqueue_indirect_dma source(%dma_start3A_57 : memref<1015808x16xf32, #tpu.memory_space<hbm>>) target(%dma_start3A_51 : memref<40x16xf32, #tpu.memory_space<vmem>>) offsets(%dma_start3A_54 : memref<40xi32, #tpu.memory_space<vmem>>) semaphore(%arg8 : memref<!tpu.dma_semaphore, #tpu.memory_space<semaphore_mem>>)
    %dma_start3A_58 = arith.constant 0 : i32
    %dma_start3A_59 = arith.constant 4 : i32
    %dma_start3A_60 = arith.constant 0 : i32
    %dma_start3A_61 = arith.constant 160 : i32
    %dma_start3A_62 = arith.constant 0 : i32
    %dma_start3A_63 = tpu.memref_slice %arg6[%dma_start3A_60, %dma_start3A_61, %dma_start3A_62] : memref<4x200x16xf32, #tpu.memory_space<vmem>> -> memref<1x40x16xf32, #tpu.memory_space<vmem>>
    %dma_start3A_64 = tpu.memref_squeeze %dma_start3A_63 : memref<1x40x16xf32, #tpu.memory_space<vmem>> -> memref<40x16xf32, #tpu.memory_space<vmem>>
    %dma_start3A_65 = arith.constant 0 : i32
    %dma_start3A_66 = tpu.memref_slice %arg5[%dma_start3A_58, %dma_start3A_59, %dma_start3A_65] : memref<128x5x40xi32, #tpu.memory_space<vmem>> -> memref<1x1x40xi32, #tpu.memory_space<vmem>>
    %dma_start3A_67 = tpu.memref_squeeze %dma_start3A_66 : memref<1x1x40xi32, #tpu.memory_space<vmem>> -> memref<40xi32, #tpu.memory_space<vmem>>
    %dma_start3A_68 = arith.constant 0 : i32
    %dma_start3A_69 = arith.constant 0 : i32
    %dma_start3A_70 = tpu.memref_slice %arg3[%dma_start3A_68, %dma_start3A_69] : memref<1015808x16xf32, #tpu.memory_space<hbm>> -> memref<1015808x16xf32, #tpu.memory_space<hbm>>
    tpu.enqueue_indirect_dma source(%dma_start3A_70 : memref<1015808x16xf32, #tpu.memory_space<hbm>>) target(%dma_start3A_64 : memref<40x16xf32, #tpu.memory_space<vmem>>) offsets(%dma_start3A_67 : memref<40xi32, #tpu.memory_space<vmem>>) semaphore(%arg8 : memref<!tpu.dma_semaphore, #tpu.memory_space<semaphore_mem>>)
    %dma_start3A_71 = arith.constant 1 : i32
    %dma_start3A_72 = arith.constant 0 : i32
    %dma_start3A_73 = arith.constant 1 : i32
    %dma_start3A_74 = arith.constant 0 : i32
    %dma_start3A_75 = arith.constant 0 : i32
    %dma_start3A_76 = tpu.memref_slice %arg6[%dma_start3A_73, %dma_start3A_74, %dma_start3A_75] : memref<4x200x16xf32, #tpu.memory_space<vmem>> -> memref<1x40x16xf32, #tpu.memory_space<vmem>>
    %dma_start3A_77 = tpu.memref_squeeze %dma_start3A_76 : memref<1x40x16xf32, #tpu.memory_space<vmem>> -> memref<40x16xf32, #tpu.memory_space<vmem>>
    %dma_start3A_78 = arith.constant 0 : i32
    %dma_start3A_79 = tpu.memref_slice %arg5[%dma_start3A_71, %dma_start3A_72, %dma_start3A_78] : memref<128x5x40xi32, #tpu.memory_space<vmem>> -> memref<1x1x40xi32, #tpu.memory_space<vmem>>
    %dma_start3A_80 = tpu.memref_squeeze %dma_start3A_79 : memref<1x1x40xi32, #tpu.memory_space<vmem>> -> memref<40xi32, #tpu.memory_space<vmem>>
    %dma_start3A_81 = arith.constant 0 : i32
    %dma_start3A_82 = arith.constant 0 : i32
    %dma_start3A_83 = tpu.memref_slice %arg3[%dma_start3A_81, %dma_start3A_82] : memref<1015808x16xf32, #tpu.memory_space<hbm>> -> memref<1015808x16xf32, #tpu.memory_space<hbm>>
    tpu.enqueue_indirect_dma source(%dma_start3A_83 : memref<1015808x16xf32, #tpu.memory_space<hbm>>) target(%dma_start3A_77 : memref<40x16xf32, #tpu.memory_space<vmem>>) offsets(%dma_start3A_80 : memref<40xi32, #tpu.memory_space<vmem>>) semaphore(%arg8 : memref<!tpu.dma_semaphore, #tpu.memory_space<semaphore_mem>>)
    %dma_start3A_84 = arith.constant 1 : i32
    %dma_start3A_85 = arith.constant 1 : i32
    %dma_start3A_86 = arith.constant 1 : i32
    %dma_start3A_87 = arith.constant 40 : i32
    %dma_start3A_88 = arith.constant 0 : i32
    %dma_start3A_89 = tpu.memref_slice %arg6[%dma_start3A_86, %dma_start3A_87, %dma_start3A_88] : memref<4x200x16xf32, #tpu.memory_space<vmem>> -> memref<1x40x16xf32, #tpu.memory_space<vmem>>
    %dma_start3A_90 = tpu.memref_squeeze %dma_start3A_89 : memref<1x40x16xf32, #tpu.memory_space<vmem>> -> memref<40x16xf32, #tpu.memory_space<vmem>>
    %dma_start3A_91 = arith.constant 0 : i32
    %dma_start3A_92 = tpu.memref_slice %arg5[%dma_start3A_84, %dma_start3A_85, %dma_start3A_91] : memref<128x5x40xi32, #tpu.memory_space<vmem>> -> memref<1x1x40xi32, #tpu.memory_space<vmem>>
    %dma_start3A_93 = tpu.memref_squeeze %dma_start3A_92 : memref<1x1x40xi32, #tpu.memory_space<vmem>> -> memref<40xi32, #tpu.memory_space<vmem>>
    %dma_start3A_94 = arith.constant 0 : i32
    %dma_start3A_95 = arith.constant 0 : i32
    %dma_start3A_96 = tpu.memref_slice %arg3[%dma_start3A_94, %dma_start3A_95] : memref<1015808x16xf32, #tpu.memory_space<hbm>> -> memref<1015808x16xf32, #tpu.memory_space<hbm>>
    tpu.enqueue_indirect_dma source(%dma_start3A_96 : memref<1015808x16xf32, #tpu.memory_space<hbm>>) target(%dma_start3A_90 : memref<40x16xf32, #tpu.memory_space<vmem>>) offsets(%dma_start3A_93 : memref<40xi32, #tpu.memory_space<vmem>>) semaphore(%arg8 : memref<!tpu.dma_semaphore, #tpu.memory_space<semaphore_mem>>)
    %dma_start3A_97 = arith.constant 1 : i32
    %dma_start3A_98 = arith.constant 2 : i32
    %dma_start3A_99 = arith.constant 1 : i32
    %dma_start3A_100 = arith.constant 80 : i32
    %dma_start3A_101 = arith.constant 0 : i32
    %dma_start3A_102 = tpu.memref_slice %arg6[%dma_start3A_99, %dma_start3A_100, %dma_start3A_101] : memref<4x200x16xf32, #tpu.memory_space<vmem>> -> memref<1x40x16xf32, #tpu.memory_space<vmem>>
    %dma_start3A_103 = tpu.memref_squeeze %dma_start3A_102 : memref<1x40x16xf32, #tpu.memory_space<vmem>> -> memref<40x16xf32, #tpu.memory_space<vmem>>
    %dma_start3A_104 = arith.constant 0 : i32
    %dma_start3A_105 = tpu.memref_slice %arg5[%dma_start3A_97, %dma_start3A_98, %dma_start3A_104] : memref<128x5x40xi32, #tpu.memory_space<vmem>> -> memref<1x1x40xi32, #tpu.memory_space<vmem>>
    %dma_start3A_106 = tpu.memref_squeeze %dma_start3A_105 : memref<1x1x40xi32, #tpu.memory_space<vmem>> -> memref<40xi32, #tpu.memory_space<vmem>>
    %dma_start3A_107 = arith.constant 0 : i32
    %dma_start3A_108 = arith.constant 0 : i32
    %dma_start3A_109 = tpu.memref_slice %arg3[%dma_start3A_107, %dma_start3A_108] : memref<1015808x16xf32, #tpu.memory_space<hbm>> -> memref<1015808x16xf32, #tpu.memory_space<hbm>>
    tpu.enqueue_indirect_dma source(%dma_start3A_109 : memref<1015808x16xf32, #tpu.memory_space<hbm>>) target(%dma_start3A_103 : memref<40x16xf32, #tpu.memory_space<vmem>>) offsets(%dma_start3A_106 : memref<40xi32, #tpu.memory_space<vmem>>) semaphore(%arg8 : memref<!tpu.dma_semaphore, #tpu.memory_space<semaphore_mem>>)
    %dma_start3A_110 = arith.constant 1 : i32
    %dma_start3A_111 = arith.constant 3 : i32
    %dma_start3A_112 = arith.constant 1 : i32
    %dma_start3A_113 = arith.constant 120 : i32
    %dma_start3A_114 = arith.constant 0 : i32
    %dma_start3A_115 = tpu.memref_slice %arg6[%dma_start3A_112, %dma_start3A_113, %dma_start3A_114] : memref<4x200x16xf32, #tpu.memory_space<vmem>> -> memref<1x40x16xf32, #tpu.memory_space<vmem>>
    %dma_start3A_116 = tpu.memref_squeeze %dma_start3A_115 : memref<1x40x16xf32, #tpu.memory_space<vmem>> -> memref<40x16xf32, #tpu.memory_space<vmem>>
    %dma_start3A_117 = arith.constant 0 : i32
    %dma_start3A_118 = tpu.memref_slice %arg5[%dma_start3A_110, %dma_start3A_111, %dma_start3A_117] : memref<128x5x40xi32, #tpu.memory_space<vmem>> -> memref<1x1x40xi32, #tpu.memory_space<vmem>>
    %dma_start3A_119 = tpu.memref_squeeze %dma_start3A_118 : memref<1x1x40xi32, #tpu.memory_space<vmem>> -> memref<40xi32, #tpu.memory_space<vmem>>
    %dma_start3A_120 = arith.constant 0 : i32
    %dma_start3A_121 = arith.constant 0 : i32
    %dma_start3A_122 = tpu.memref_slice %arg3[%dma_start3A_120, %dma_start3A_121] : memref<1015808x16xf32, #tpu.memory_space<hbm>> -> memref<1015808x16xf32, #tpu.memory_space<hbm>>
    tpu.enqueue_indirect_dma source(%dma_start3A_122 : memref<1015808x16xf32, #tpu.memory_space<hbm>>) target(%dma_start3A_116 : memref<40x16xf32, #tpu.memory_space<vmem>>) offsets(%dma_start3A_119 : memref<40xi32, #tpu.memory_space<vmem>>) semaphore(%arg8 : memref<!tpu.dma_semaphore, #tpu.memory_space<semaphore_mem>>)
    %dma_start3A_123 = arith.constant 1 : i32
    %dma_start3A_124 = arith.constant 4 : i32
    %dma_start3A_125 = arith.constant 1 : i32
    %dma_start3A_126 = arith.constant 160 : i32
    %dma_start3A_127 = arith.constant 0 : i32
    %dma_start3A_128 = tpu.memref_slice %arg6[%dma_start3A_125, %dma_start3A_126, %dma_start3A_127] : memref<4x200x16xf32, #tpu.memory_space<vmem>> -> memref<1x40x16xf32, #tpu.memory_space<vmem>>
    %dma_start3A_129 = tpu.memref_squeeze %dma_start3A_128 : memref<1x40x16xf32, #tpu.memory_space<vmem>> -> memref<40x16xf32, #tpu.memory_space<vmem>>
    %dma_start3A_130 = arith.constant 0 : i32
    %dma_start3A_131 = tpu.memref_slice %arg5[%dma_start3A_123, %dma_start3A_124, %dma_start3A_130] : memref<128x5x40xi32, #tpu.memory_space<vmem>> -> memref<1x1x40xi32, #tpu.memory_space<vmem>>
    %dma_start3A_132 = tpu.memref_squeeze %dma_start3A_131 : memref<1x1x40xi32, #tpu.memory_space<vmem>> -> memref<40xi32, #tpu.memory_space<vmem>>
    %dma_start3A_133 = arith.constant 0 : i32
    %dma_start3A_134 = arith.constant 0 : i32
    %dma_start3A_135 = tpu.memref_slice %arg3[%dma_start3A_133, %dma_start3A_134] : memref<1015808x16xf32, #tpu.memory_space<hbm>> -> memref<1015808x16xf32, #tpu.memory_space<hbm>>
    tpu.enqueue_indirect_dma source(%dma_start3A_135 : memref<1015808x16xf32, #tpu.memory_space<hbm>>) target(%dma_start3A_129 : memref<40x16xf32, #tpu.memory_space<vmem>>) offsets(%dma_start3A_132 : memref<40xi32, #tpu.memory_space<vmem>>) semaphore(%arg8 : memref<!tpu.dma_semaphore, #tpu.memory_space<semaphore_mem>>)
    %dma_start3A_136 = arith.constant 2 : i32
    %dma_start3A_137 = arith.constant 0 : i32
    %dma_start3A_138 = arith.constant 2 : i32
    %dma_start3A_139 = arith.constant 0 : i32
    %dma_start3A_140 = arith.constant 0 : i32
    %dma_start3A_141 = tpu.memref_slice %arg6[%dma_start3A_138, %dma_start3A_139, %dma_start3A_140] : memref<4x200x16xf32, #tpu.memory_space<vmem>> -> memref<1x40x16xf32, #tpu.memory_space<vmem>>
    %dma_start3A_142 = tpu.memref_squeeze %dma_start3A_141 : memref<1x40x16xf32, #tpu.memory_space<vmem>> -> memref<40x16xf32, #tpu.memory_space<vmem>>
    %dma_start3A_143 = arith.constant 0 : i32
    %dma_start3A_144 = tpu.memref_slice %arg5[%dma_start3A_136, %dma_start3A_137, %dma_start3A_143] : memref<128x5x40xi32, #tpu.memory_space<vmem>> -> memref<1x1x40xi32, #tpu.memory_space<vmem>>
    %dma_start3A_145 = tpu.memref_squeeze %dma_start3A_144 : memref<1x1x40xi32, #tpu.memory_space<vmem>> -> memref<40xi32, #tpu.memory_space<vmem>>
    %dma_start3A_146 = arith.constant 0 : i32
    %dma_start3A_147 = arith.constant 0 : i32
    %dma_start3A_148 = tpu.memref_slice %arg3[%dma_start3A_146, %dma_start3A_147] : memref<1015808x16xf32, #tpu.memory_space<hbm>> -> memref<1015808x16xf32, #tpu.memory_space<hbm>>
    tpu.enqueue_indirect_dma source(%dma_start3A_148 : memref<1015808x16xf32, #tpu.memory_space<hbm>>) target(%dma_start3A_142 : memref<40x16xf32, #tpu.memory_space<vmem>>) offsets(%dma_start3A_145 : memref<40xi32, #tpu.memory_space<vmem>>) semaphore(%arg8 : memref<!tpu.dma_semaphore, #tpu.memory_space<semaphore_mem>>)
    %dma_start3A_149 = arith.constant 2 : i32
    %dma_start3A_150 = arith.constant 1 : i32
    %dma_start3A_151 = arith.constant 2 : i32
    %dma_start3A_152 = arith.constant 40 : i32
    %dma_start3A_153 = arith.constant 0 : i32
    %dma_start3A_154 = tpu.memref_slice %arg6[%dma_start3A_151, %dma_start3A_152, %dma_start3A_153] : memref<4x200x16xf32, #tpu.memory_space<vmem>> -> memref<1x40x16xf32, #tpu.memory_space<vmem>>
    %dma_start3A_155 = tpu.memref_squeeze %dma_start3A_154 : memref<1x40x16xf32, #tpu.memory_space<vmem>> -> memref<40x16xf32, #tpu.memory_space<vmem>>
    %dma_start3A_156 = arith.constant 0 : i32
    %dma_start3A_157 = tpu.memref_slice %arg5[%dma_start3A_149, %dma_start3A_150, %dma_start3A_156] : memref<128x5x40xi32, #tpu.memory_space<vmem>> -> memref<1x1x40xi32, #tpu.memory_space<vmem>>
    %dma_start3A_158 = tpu.memref_squeeze %dma_start3A_157 : memref<1x1x40xi32, #tpu.memory_space<vmem>> -> memref<40xi32, #tpu.memory_space<vmem>>
    %dma_start3A_159 = arith.constant 0 : i32
    %dma_start3A_160 = arith.constant 0 : i32
    %dma_start3A_161 = tpu.memref_slice %arg3[%dma_start3A_159, %dma_start3A_160] : memref<1015808x16xf32, #tpu.memory_space<hbm>> -> memref<1015808x16xf32, #tpu.memory_space<hbm>>
    tpu.enqueue_indirect_dma source(%dma_start3A_161 : memref<1015808x16xf32, #tpu.memory_space<hbm>>) target(%dma_start3A_155 : memref<40x16xf32, #tpu.memory_space<vmem>>) offsets(%dma_start3A_158 : memref<40xi32, #tpu.memory_space<vmem>>) semaphore(%arg8 : memref<!tpu.dma_semaphore, #tpu.memory_space<semaphore_mem>>)
    %dma_start3A_162 = arith.constant 2 : i32
    %dma_start3A_163 = arith.constant 2 : i32
    %dma_start3A_164 = arith.constant 2 : i32
    %dma_start3A_165 = arith.constant 80 : i32
    %dma_start3A_166 = arith.constant 0 : i32
    %dma_start3A_167 = tpu.memref_slice %arg6[%dma_start3A_164, %dma_start3A_165, %dma_start3A_166] : memref<4x200x16xf32, #tpu.memory_space<vmem>> -> memref<1x40x16xf32, #tpu.memory_space<vmem>>
    %dma_start3A_168 = tpu.memref_squeeze %dma_start3A_167 : memref<1x40x16xf32, #tpu.memory_space<vmem>> -> memref<40x16xf32, #tpu.memory_space<vmem>>
    %dma_start3A_169 = arith.constant 0 : i32
    %dma_start3A_170 = tpu.memref_slice %arg5[%dma_start3A_162, %dma_start3A_163, %dma_start3A_169] : memref<128x5x40xi32, #tpu.memory_space<vmem>> -> memref<1x1x40xi32, #tpu.memory_space<vmem>>
    %dma_start3A_171 = tpu.memref_squeeze %dma_start3A_170 : memref<1x1x40xi32, #tpu.memory_space<vmem>> -> memref<40xi32, #tpu.memory_space<vmem>>
    %dma_start3A_172 = arith.constant 0 : i32
    %dma_start3A_173 = arith.constant 0 : i32
    %dma_start3A_174 = tpu.memref_slice %arg3[%dma_start3A_172, %dma_start3A_173] : memref<1015808x16xf32, #tpu.memory_space<hbm>> -> memref<1015808x16xf32, #tpu.memory_space<hbm>>
    tpu.enqueue_indirect_dma source(%dma_start3A_174 : memref<1015808x16xf32, #tpu.memory_space<hbm>>) target(%dma_start3A_168 : memref<40x16xf32, #tpu.memory_space<vmem>>) offsets(%dma_start3A_171 : memref<40xi32, #tpu.memory_space<vmem>>) semaphore(%arg8 : memref<!tpu.dma_semaphore, #tpu.memory_space<semaphore_mem>>)
    %dma_start3A_175 = arith.constant 2 : i32
    %dma_start3A_176 = arith.constant 3 : i32
    %dma_start3A_177 = arith.constant 2 : i32
    %dma_start3A_178 = arith.constant 120 : i32
    %dma_start3A_179 = arith.constant 0 : i32
    %dma_start3A_180 = tpu.memref_slice %arg6[%dma_start3A_177, %dma_start3A_178, %dma_start3A_179] : memref<4x200x16xf32, #tpu.memory_space<vmem>> -> memref<1x40x16xf32, #tpu.memory_space<vmem>>
    %dma_start3A_181 = tpu.memref_squeeze %dma_start3A_180 : memref<1x40x16xf32, #tpu.memory_space<vmem>> -> memref<40x16xf32, #tpu.memory_space<vmem>>
    %dma_start3A_182 = arith.constant 0 : i32
    %dma_start3A_183 = tpu.memref_slice %arg5[%dma_start3A_175, %dma_start3A_176, %dma_start3A_182] : memref<128x5x40xi32, #tpu.memory_space<vmem>> -> memref<1x1x40xi32, #tpu.memory_space<vmem>>
    %dma_start3A_184 = tpu.memref_squeeze %dma_start3A_183 : memref<1x1x40xi32, #tpu.memory_space<vmem>> -> memref<40xi32, #tpu.memory_space<vmem>>
    %dma_start3A_185 = arith.constant 0 : i32
    %dma_start3A_186 = arith.constant 0 : i32
    %dma_start3A_187 = tpu.memref_slice %arg3[%dma_start3A_185, %dma_start3A_186] : memref<1015808x16xf32, #tpu.memory_space<hbm>> -> memref<1015808x16xf32, #tpu.memory_space<hbm>>
    tpu.enqueue_indirect_dma source(%dma_start3A_187 : memref<1015808x16xf32, #tpu.memory_space<hbm>>) target(%dma_start3A_181 : memref<40x16xf32, #tpu.memory_space<vmem>>) offsets(%dma_start3A_184 : memref<40xi32, #tpu.memory_space<vmem>>) semaphore(%arg8 : memref<!tpu.dma_semaphore, #tpu.memory_space<semaphore_mem>>)
    %dma_start3A_188 = arith.constant 2 : i32
    %dma_start3A_189 = arith.constant 4 : i32
    %dma_start3A_190 = arith.constant 2 : i32
    %dma_start3A_191 = arith.constant 160 : i32
    %dma_start3A_192 = arith.constant 0 : i32
    %dma_start3A_193 = tpu.memref_slice %arg6[%dma_start3A_190, %dma_start3A_191, %dma_start3A_192] : memref<4x200x16xf32, #tpu.memory_space<vmem>> -> memref<1x40x16xf32, #tpu.memory_space<vmem>>
    %dma_start3A_194 = tpu.memref_squeeze %dma_start3A_193 : memref<1x40x16xf32, #tpu.memory_space<vmem>> -> memref<40x16xf32, #tpu.memory_space<vmem>>
    %dma_start3A_195 = arith.constant 0 : i32
    %dma_start3A_196 = tpu.memref_slice %arg5[%dma_start3A_188, %dma_start3A_189, %dma_start3A_195] : memref<128x5x40xi32, #tpu.memory_space<vmem>> -> memref<1x1x40xi32, #tpu.memory_space<vmem>>
    %dma_start3A_197 = tpu.memref_squeeze %dma_start3A_196 : memref<1x1x40xi32, #tpu.memory_space<vmem>> -> memref<40xi32, #tpu.memory_space<vmem>>
    %dma_start3A_198 = arith.constant 0 : i32
    %dma_start3A_199 = arith.constant 0 : i32
    %dma_start3A_200 = tpu.memref_slice %arg3[%dma_start3A_198, %dma_start3A_199] : memref<1015808x16xf32, #tpu.memory_space<hbm>> -> memref<1015808x16xf32, #tpu.memory_space<hbm>>
    tpu.enqueue_indirect_dma source(%dma_start3A_200 : memref<1015808x16xf32, #tpu.memory_space<hbm>>) target(%dma_start3A_194 : memref<40x16xf32, #tpu.memory_space<vmem>>) offsets(%dma_start3A_197 : memref<40xi32, #tpu.memory_space<vmem>>) semaphore(%arg8 : memref<!tpu.dma_semaphore, #tpu.memory_space<semaphore_mem>>)
    %dma_start3A_201 = arith.constant 3 : i32
    %dma_start3A_202 = arith.constant 0 : i32
    %dma_start3A_203 = arith.constant 3 : i32
    %dma_start3A_204 = arith.constant 0 : i32
    %dma_start3A_205 = arith.constant 0 : i32
    %dma_start3A_206 = tpu.memref_slice %arg6[%dma_start3A_203, %dma_start3A_204, %dma_start3A_205] : memref<4x200x16xf32, #tpu.memory_space<vmem>> -> memref<1x40x16xf32, #tpu.memory_space<vmem>>
    %dma_start3A_207 = tpu.memref_squeeze %dma_start3A_206 : memref<1x40x16xf32, #tpu.memory_space<vmem>> -> memref<40x16xf32, #tpu.memory_space<vmem>>
    %dma_start3A_208 = arith.constant 0 : i32
    %dma_start3A_209 = tpu.memref_slice %arg5[%dma_start3A_201, %dma_start3A_202, %dma_start3A_208] : memref<128x5x40xi32, #tpu.memory_space<vmem>> -> memref<1x1x40xi32, #tpu.memory_space<vmem>>
    %dma_start3A_210 = tpu.memref_squeeze %dma_start3A_209 : memref<1x1x40xi32, #tpu.memory_space<vmem>> -> memref<40xi32, #tpu.memory_space<vmem>>
    %dma_start3A_211 = arith.constant 0 : i32
    %dma_start3A_212 = arith.constant 0 : i32
    %dma_start3A_213 = tpu.memref_slice %arg3[%dma_start3A_211, %dma_start3A_212] : memref<1015808x16xf32, #tpu.memory_space<hbm>> -> memref<1015808x16xf32, #tpu.memory_space<hbm>>
    tpu.enqueue_indirect_dma source(%dma_start3A_213 : memref<1015808x16xf32, #tpu.memory_space<hbm>>) target(%dma_start3A_207 : memref<40x16xf32, #tpu.memory_space<vmem>>) offsets(%dma_start3A_210 : memref<40xi32, #tpu.memory_space<vmem>>) semaphore(%arg8 : memref<!tpu.dma_semaphore, #tpu.memory_space<semaphore_mem>>)
    %dma_start3A_214 = arith.constant 3 : i32
    %dma_start3A_215 = arith.constant 1 : i32
    %dma_start3A_216 = arith.constant 3 : i32
    %dma_start3A_217 = arith.constant 40 : i32
    %dma_start3A_218 = arith.constant 0 : i32
    %dma_start3A_219 = tpu.memref_slice %arg6[%dma_start3A_216, %dma_start3A_217, %dma_start3A_218] : memref<4x200x16xf32, #tpu.memory_space<vmem>> -> memref<1x40x16xf32, #tpu.memory_space<vmem>>
    %dma_start3A_220 = tpu.memref_squeeze %dma_start3A_219 : memref<1x40x16xf32, #tpu.memory_space<vmem>> -> memref<40x16xf32, #tpu.memory_space<vmem>>
    %dma_start3A_221 = arith.constant 0 : i32
    %dma_start3A_222 = tpu.memref_slice %arg5[%dma_start3A_214, %dma_start3A_215, %dma_start3A_221] : memref<128x5x40xi32, #tpu.memory_space<vmem>> -> memref<1x1x40xi32, #tpu.memory_space<vmem>>
    %dma_start3A_223 = tpu.memref_squeeze %dma_start3A_222 : memref<1x1x40xi32, #tpu.memory_space<vmem>> -> memref<40xi32, #tpu.memory_space<vmem>>
    %dma_start3A_224 = arith.constant 0 : i32
    %dma_start3A_225 = arith.constant 0 : i32
    %dma_start3A_226 = tpu.memref_slice %arg3[%dma_start3A_224, %dma_start3A_225] : memref<1015808x16xf32, #tpu.memory_space<hbm>> -> memref<1015808x16xf32, #tpu.memory_space<hbm>>
    tpu.enqueue_indirect_dma source(%dma_start3A_226 : memref<1015808x16xf32, #tpu.memory_space<hbm>>) target(%dma_start3A_220 : memref<40x16xf32, #tpu.memory_space<vmem>>) offsets(%dma_start3A_223 : memref<40xi32, #tpu.memory_space<vmem>>) semaphore(%arg8 : memref<!tpu.dma_semaphore, #tpu.memory_space<semaphore_mem>>)
    %dma_start3A_227 = arith.constant 3 : i32
    %dma_start3A_228 = arith.constant 2 : i32
    %dma_start3A_229 = arith.constant 3 : i32
    %dma_start3A_230 = arith.constant 80 : i32
    %dma_start3A_231 = arith.constant 0 : i32
    %dma_start3A_232 = tpu.memref_slice %arg6[%dma_start3A_229, %dma_start3A_230, %dma_start3A_231] : memref<4x200x16xf32, #tpu.memory_space<vmem>> -> memref<1x40x16xf32, #tpu.memory_space<vmem>>
    %dma_start3A_233 = tpu.memref_squeeze %dma_start3A_232 : memref<1x40x16xf32, #tpu.memory_space<vmem>> -> memref<40x16xf32, #tpu.memory_space<vmem>>
    %dma_start3A_234 = arith.constant 0 : i32
    %dma_start3A_235 = tpu.memref_slice %arg5[%dma_start3A_227, %dma_start3A_228, %dma_start3A_234] : memref<128x5x40xi32, #tpu.memory_space<vmem>> -> memref<1x1x40xi32, #tpu.memory_space<vmem>>
    %dma_start3A_236 = tpu.memref_squeeze %dma_start3A_235 : memref<1x1x40xi32, #tpu.memory_space<vmem>> -> memref<40xi32, #tpu.memory_space<vmem>>
    %dma_start3A_237 = arith.constant 0 : i32
    %dma_start3A_238 = arith.constant 0 : i32
    %dma_start3A_239 = tpu.memref_slice %arg3[%dma_start3A_237, %dma_start3A_238] : memref<1015808x16xf32, #tpu.memory_space<hbm>> -> memref<1015808x16xf32, #tpu.memory_space<hbm>>
    tpu.enqueue_indirect_dma source(%dma_start3A_239 : memref<1015808x16xf32, #tpu.memory_space<hbm>>) target(%dma_start3A_233 : memref<40x16xf32, #tpu.memory_space<vmem>>) offsets(%dma_start3A_236 : memref<40xi32, #tpu.memory_space<vmem>>) semaphore(%arg8 : memref<!tpu.dma_semaphore, #tpu.memory_space<semaphore_mem>>)
    %dma_start3A_240 = arith.constant 3 : i32
    %dma_start3A_241 = arith.constant 3 : i32
    %dma_start3A_242 = arith.constant 3 : i32
    %dma_start3A_243 = arith.constant 120 : i32
    %dma_start3A_244 = arith.constant 0 : i32
    %dma_start3A_245 = tpu.memref_slice %arg6[%dma_start3A_242, %dma_start3A_243, %dma_start3A_244] : memref<4x200x16xf32, #tpu.memory_space<vmem>> -> memref<1x40x16xf32, #tpu.memory_space<vmem>>
    %dma_start3A_246 = tpu.memref_squeeze %dma_start3A_245 : memref<1x40x16xf32, #tpu.memory_space<vmem>> -> memref<40x16xf32, #tpu.memory_space<vmem>>
    %dma_start3A_247 = arith.constant 0 : i32
    %dma_start3A_248 = tpu.memref_slice %arg5[%dma_start3A_240, %dma_start3A_241, %dma_start3A_247] : memref<128x5x40xi32, #tpu.memory_space<vmem>> -> memref<1x1x40xi32, #tpu.memory_space<vmem>>
    %dma_start3A_249 = tpu.memref_squeeze %dma_start3A_248 : memref<1x1x40xi32, #tpu.memory_space<vmem>> -> memref<40xi32, #tpu.memory_space<vmem>>
    %dma_start3A_250 = arith.constant 0 : i32
    %dma_start3A_251 = arith.constant 0 : i32
    %dma_start3A_252 = tpu.memref_slice %arg3[%dma_start3A_250, %dma_start3A_251] : memref<1015808x16xf32, #tpu.memory_space<hbm>> -> memref<1015808x16xf32, #tpu.memory_space<hbm>>
    tpu.enqueue_indirect_dma source(%dma_start3A_252 : memref<1015808x16xf32, #tpu.memory_space<hbm>>) target(%dma_start3A_246 : memref<40x16xf32, #tpu.memory_space<vmem>>) offsets(%dma_start3A_249 : memref<40xi32, #tpu.memory_space<vmem>>) semaphore(%arg8 : memref<!tpu.dma_semaphore, #tpu.memory_space<semaphore_mem>>)
    %dma_start3A_253 = arith.constant 3 : i32
    %dma_start3A_254 = arith.constant 4 : i32
    %dma_start3A_255 = arith.constant 3 : i32
    %dma_start3A_256 = arith.constant 160 : i32
    %dma_start3A_257 = arith.constant 0 : i32
    %dma_start3A_258 = tpu.memref_slice %arg6[%dma_start3A_255, %dma_start3A_256, %dma_start3A_257] : memref<4x200x16xf32, #tpu.memory_space<vmem>> -> memref<1x40x16xf32, #tpu.memory_space<vmem>>
    %dma_start3A_259 = tpu.memref_squeeze %dma_start3A_258 : memref<1x40x16xf32, #tpu.memory_space<vmem>> -> memref<40x16xf32, #tpu.memory_space<vmem>>
    %dma_start3A_260 = arith.constant 0 : i32
    %dma_start3A_261 = tpu.memref_slice %arg5[%dma_start3A_253, %dma_start3A_254, %dma_start3A_260] : memref<128x5x40xi32, #tpu.memory_space<vmem>> -> memref<1x1x40xi32, #tpu.memory_space<vmem>>
    %dma_start3A_262 = tpu.memref_squeeze %dma_start3A_261 : memref<1x1x40xi32, #tpu.memory_space<vmem>> -> memref<40xi32, #tpu.memory_space<vmem>>
    %dma_start3A_263 = arith.constant 0 : i32
    %dma_start3A_264 = arith.constant 0 : i32
    %dma_start3A_265 = tpu.memref_slice %arg3[%dma_start3A_263, %dma_start3A_264] : memref<1015808x16xf32, #tpu.memory_space<hbm>> -> memref<1015808x16xf32, #tpu.memory_space<hbm>>
    tpu.enqueue_indirect_dma source(%dma_start3A_265 : memref<1015808x16xf32, #tpu.memory_space<hbm>>) target(%dma_start3A_259 : memref<40x16xf32, #tpu.memory_space<vmem>>) offsets(%dma_start3A_262 : memref<40xi32, #tpu.memory_space<vmem>>) semaphore(%arg8 : memref<!tpu.dma_semaphore, #tpu.memory_space<semaphore_mem>>)
    %broadcast_in_dim3A = arith.constant 0.000000e+00 : f32
    %broadcast_in_dim3A_266 = vector.broadcast %broadcast_in_dim3A : f32 to vector<16xf32>
    %scan3A = arith.constant 5.000000e-03 : f32
    %scan3A_267 = arith.constant 0 : i32
    %scan3A_268 = arith.constant 0 : i32
    %scan3A_269 = arith.constant 32 : i32
    %scan3A_270 = arith.addi %scan3A_268, %scan3A_269 : i32
    %scan3A_271 = arith.constant 1 : i32
    %scan3A_272 = scf.for %scan3A_274 = %scan3A_268 to %scan3A_270 step %scan3A_271 iter_args(%scan3A_275 = %scan3A_267) -> (i32)  : i32 {
      %mul3A_276 = arith.constant 4 : i32
      %mul3A_277 = arith.muli %scan3A_274, %mul3A_276 : i32
      %add3A_278 = arith.constant 0 : i32
      %add3A_279 = arith.addi %mul3A_277, %add3A_278 : i32
      %dma_wait3A = arith.constant 0 : i32
      %dma_wait3A_280 = arith.constant 0 : i32
      %dma_wait3A_281 = arith.constant 0 : i32
      %dma_wait3A_282 = arith.constant 0 : i32
      %dma_wait3A_283 = tpu.memref_slice %arg6[%dma_wait3A_280, %dma_wait3A_281, %dma_wait3A_282] : memref<4x200x16xf32, #tpu.memory_space<vmem>> -> memref<1x40x16xf32, #tpu.memory_space<vmem>>
      %dma_wait3A_284 = tpu.memref_squeeze %dma_wait3A_283 : memref<1x40x16xf32, #tpu.memory_space<vmem>> -> memref<40x16xf32, #tpu.memory_space<vmem>>
      %dma_wait3A_285 = arith.constant 0 : i32
      %dma_wait3A_286 = tpu.memref_slice %arg5[%add3A_279, %dma_wait3A, %dma_wait3A_285] : memref<128x5x40xi32, #tpu.memory_space<vmem>> -> memref<1x1x40xi32, #tpu.memory_space<vmem>>
      %dma_wait3A_287 = tpu.memref_squeeze %dma_wait3A_286 : memref<1x1x40xi32, #tpu.memory_space<vmem>> -> memref<40xi32, #tpu.memory_space<vmem>>
      %dma_wait3A_288 = arith.constant 0 : i32
      %dma_wait3A_289 = arith.constant 0 : i32
      %dma_wait3A_290 = tpu.memref_slice %arg3[%dma_wait3A_288, %dma_wait3A_289] : memref<1015808x16xf32, #tpu.memory_space<hbm>> -> memref<1015808x16xf32, #tpu.memory_space<hbm>>
      tpu.wait_indirect_dma semaphore(%arg8 : memref<!tpu.dma_semaphore, #tpu.memory_space<semaphore_mem>>) src(%dma_wait3A_290 : memref<1015808x16xf32, #tpu.memory_space<hbm>>) dst(%dma_wait3A_284 : memref<40x16xf32, #tpu.memory_space<vmem>>)
      %dma_wait3A_291 = arith.constant 1 : i32
      %dma_wait3A_292 = arith.constant 0 : i32
      %dma_wait3A_293 = arith.constant 40 : i32
      %dma_wait3A_294 = arith.constant 0 : i32
      %dma_wait3A_295 = tpu.memref_slice %arg6[%dma_wait3A_292, %dma_wait3A_293, %dma_wait3A_294] : memref<4x200x16xf32, #tpu.memory_space<vmem>> -> memref<1x40x16xf32, #tpu.memory_space<vmem>>
      %dma_wait3A_296 = tpu.memref_squeeze %dma_wait3A_295 : memref<1x40x16xf32, #tpu.memory_space<vmem>> -> memref<40x16xf32, #tpu.memory_space<vmem>>
      %dma_wait3A_297 = arith.constant 0 : i32
      %dma_wait3A_298 = tpu.memref_slice %arg5[%add3A_279, %dma_wait3A_291, %dma_wait3A_297] : memref<128x5x40xi32, #tpu.memory_space<vmem>> -> memref<1x1x40xi32, #tpu.memory_space<vmem>>
      %dma_wait3A_299 = tpu.memref_squeeze %dma_wait3A_298 : memref<1x1x40xi32, #tpu.memory_space<vmem>> -> memref<40xi32, #tpu.memory_space<vmem>>
      %dma_wait3A_300 = arith.constant 0 : i32
      %dma_wait3A_301 = arith.constant 0 : i32
      %dma_wait3A_302 = tpu.memref_slice %arg3[%dma_wait3A_300, %dma_wait3A_301] : memref<1015808x16xf32, #tpu.memory_space<hbm>> -> memref<1015808x16xf32, #tpu.memory_space<hbm>>
      tpu.wait_indirect_dma semaphore(%arg8 : memref<!tpu.dma_semaphore, #tpu.memory_space<semaphore_mem>>) src(%dma_wait3A_302 : memref<1015808x16xf32, #tpu.memory_space<hbm>>) dst(%dma_wait3A_296 : memref<40x16xf32, #tpu.memory_space<vmem>>)
      %dma_wait3A_303 = arith.constant 2 : i32
      %dma_wait3A_304 = arith.constant 0 : i32
      %dma_wait3A_305 = arith.constant 80 : i32
      %dma_wait3A_306 = arith.constant 0 : i32
      %dma_wait3A_307 = tpu.memref_slice %arg6[%dma_wait3A_304, %dma_wait3A_305, %dma_wait3A_306] : memref<4x200x16xf32, #tpu.memory_space<vmem>> -> memref<1x40x16xf32, #tpu.memory_space<vmem>>
      %dma_wait3A_308 = tpu.memref_squeeze %dma_wait3A_307 : memref<1x40x16xf32, #tpu.memory_space<vmem>> -> memref<40x16xf32, #tpu.memory_space<vmem>>
      %dma_wait3A_309 = arith.constant 0 : i32
      %dma_wait3A_310 = tpu.memref_slice %arg5[%add3A_279, %dma_wait3A_303, %dma_wait3A_309] : memref<128x5x40xi32, #tpu.memory_space<vmem>> -> memref<1x1x40xi32, #tpu.memory_space<vmem>>
      %dma_wait3A_311 = tpu.memref_squeeze %dma_wait3A_310 : memref<1x1x40xi32, #tpu.memory_space<vmem>> -> memref<40xi32, #tpu.memory_space<vmem>>
      %dma_wait3A_312 = arith.constant 0 : i32
      %dma_wait3A_313 = arith.constant 0 : i32
      %dma_wait3A_314 = tpu.memref_slice %arg3[%dma_wait3A_312, %dma_wait3A_313] : memref<1015808x16xf32, #tpu.memory_space<hbm>> -> memref<1015808x16xf32, #tpu.memory_space<hbm>>
      tpu.wait_indirect_dma semaphore(%arg8 : memref<!tpu.dma_semaphore, #tpu.memory_space<semaphore_mem>>) src(%dma_wait3A_314 : memref<1015808x16xf32, #tpu.memory_space<hbm>>) dst(%dma_wait3A_308 : memref<40x16xf32, #tpu.memory_space<vmem>>)
      %dma_wait3A_315 = arith.constant 3 : i32
      %dma_wait3A_316 = arith.constant 0 : i32
      %dma_wait3A_317 = arith.constant 120 : i32
      %dma_wait3A_318 = arith.constant 0 : i32
      %dma_wait3A_319 = tpu.memref_slice %arg6[%dma_wait3A_316, %dma_wait3A_317, %dma_wait3A_318] : memref<4x200x16xf32, #tpu.memory_space<vmem>> -> memref<1x40x16xf32, #tpu.memory_space<vmem>>
      %dma_wait3A_320 = tpu.memref_squeeze %dma_wait3A_319 : memref<1x40x16xf32, #tpu.memory_space<vmem>> -> memref<40x16xf32, #tpu.memory_space<vmem>>
      %dma_wait3A_321 = arith.constant 0 : i32
      %dma_wait3A_322 = tpu.memref_slice %arg5[%add3A_279, %dma_wait3A_315, %dma_wait3A_321] : memref<128x5x40xi32, #tpu.memory_space<vmem>> -> memref<1x1x40xi32, #tpu.memory_space<vmem>>
      %dma_wait3A_323 = tpu.memref_squeeze %dma_wait3A_322 : memref<1x1x40xi32, #tpu.memory_space<vmem>> -> memref<40xi32, #tpu.memory_space<vmem>>
      %dma_wait3A_324 = arith.constant 0 : i32
      %dma_wait3A_325 = arith.constant 0 : i32
      %dma_wait3A_326 = tpu.memref_slice %arg3[%dma_wait3A_324, %dma_wait3A_325] : memref<1015808x16xf32, #tpu.memory_space<hbm>> -> memref<1015808x16xf32, #tpu.memory_space<hbm>>
      tpu.wait_indirect_dma semaphore(%arg8 : memref<!tpu.dma_semaphore, #tpu.memory_space<semaphore_mem>>) src(%dma_wait3A_326 : memref<1015808x16xf32, #tpu.memory_space<hbm>>) dst(%dma_wait3A_320 : memref<40x16xf32, #tpu.memory_space<vmem>>)
      %dma_wait3A_327 = arith.constant 4 : i32
      %dma_wait3A_328 = arith.constant 0 : i32
      %dma_wait3A_329 = arith.constant 160 : i32
      %dma_wait3A_330 = arith.constant 0 : i32
      %dma_wait3A_331 = tpu.memref_slice %arg6[%dma_wait3A_328, %dma_wait3A_329, %dma_wait3A_330] : memref<4x200x16xf32, #tpu.memory_space<vmem>> -> memref<1x40x16xf32, #tpu.memory_space<vmem>>
      %dma_wait3A_332 = tpu.memref_squeeze %dma_wait3A_331 : memref<1x40x16xf32, #tpu.memory_space<vmem>> -> memref<40x16xf32, #tpu.memory_space<vmem>>
      %dma_wait3A_333 = arith.constant 0 : i32
      %dma_wait3A_334 = tpu.memref_slice %arg5[%add3A_279, %dma_wait3A_327, %dma_wait3A_333] : memref<128x5x40xi32, #tpu.memory_space<vmem>> -> memref<1x1x40xi32, #tpu.memory_space<vmem>>
      %dma_wait3A_335 = tpu.memref_squeeze %dma_wait3A_334 : memref<1x1x40xi32, #tpu.memory_space<vmem>> -> memref<40xi32, #tpu.memory_space<vmem>>
      %dma_wait3A_336 = arith.constant 0 : i32
      %dma_wait3A_337 = arith.constant 0 : i32
      %dma_wait3A_338 = tpu.memref_slice %arg3[%dma_wait3A_336, %dma_wait3A_337] : memref<1015808x16xf32, #tpu.memory_space<hbm>> -> memref<1015808x16xf32, #tpu.memory_space<hbm>>
      tpu.wait_indirect_dma semaphore(%arg8 : memref<!tpu.dma_semaphore, #tpu.memory_space<semaphore_mem>>) src(%dma_wait3A_338 : memref<1015808x16xf32, #tpu.memory_space<hbm>>) dst(%dma_wait3A_332 : memref<40x16xf32, #tpu.memory_space<vmem>>)
      %scan3A_339 = arith.constant 0 : i32
      %scan3A_340 = arith.constant 200 : i32
      %scan3A_341 = arith.addi %scan3A_339, %scan3A_340 : i32
      %scan3A_342 = arith.constant 8 : i32
      %scan3A_343:2 = scf.for %scan3A_620 = %scan3A_339 to %scan3A_341 step %scan3A_342 iter_args(%scan3A_621 = %broadcast_in_dim3A_266, %scan3A_622 = %broadcast_in_dim3A_266) -> (vector<16xf32>, vector<16xf32>)  : i32 {
        %get3A = arith.constant 0 : i32
        %get3A_623 = arith.index_cast %get3A : i32 to index
        %get3A_624 = arith.index_cast %scan3A_620 : i32 to index
        %get3A_625 = arith.constant 0 : index
        %get3A_626 = tpu.vector_load %arg6[%get3A_623, %get3A_624, %get3A_625] {strides = array<i32>} : memref<4x200x16xf32, #tpu.memory_space<vmem>>, vector<16xf32>,
        %bitcast3A = vector.bitcast %get3A_626 : vector<16xf32> to vector<32xbf16>
        %unpack3A = tpu.unpack_subelements %bitcast3A, 0 {pack_format = #tpu.pack_format<interleaved>} : vector<32xbf16> -> vector<16xf32>
        %unpack3A_627 = tpu.unpack_subelements %bitcast3A, 1 {pack_format = #tpu.pack_format<interleaved>} : vector<32xbf16> -> vector<16xf32>
        %add3A_628 = arith.addf %scan3A_621, %unpack3A : vector<16xf32>
        %add3A_629 = arith.addf %scan3A_622, %unpack3A_627 : vector<16xf32>
        %scan3A_630 = arith.constant 1 : i32
        %scan3A_631 = arith.addi %scan3A_620, %scan3A_630 : i32
        %get3A_632 = arith.constant 0 : i32
        %get3A_633 = arith.index_cast %get3A_632 : i32 to index
        %get3A_634 = arith.index_cast %scan3A_631 : i32 to index
        %get3A_635 = arith.constant 0 : index
        %get3A_636 = tpu.vector_load %arg6[%get3A_633, %get3A_634, %get3A_635] {strides = array<i32>} : memref<4x200x16xf32, #tpu.memory_space<vmem>>, vector<16xf32>,
        %bitcast3A_637 = vector.bitcast %get3A_636 : vector<16xf32> to vector<32xbf16>
        %unpack3A_638 = tpu.unpack_subelements %bitcast3A_637, 0 {pack_format = #tpu.pack_format<interleaved>} : vector<32xbf16> -> vector<16xf32>
        %unpack3A_639 = tpu.unpack_subelements %bitcast3A_637, 1 {pack_format = #tpu.pack_format<interleaved>} : vector<32xbf16> -> vector<16xf32>
        %add3A_640 = arith.addf %add3A_628, %unpack3A_638 : vector<16xf32>
        %add3A_641 = arith.addf %add3A_629, %unpack3A_639 : vector<16xf32>
        %scan3A_642 = arith.constant 2 : i32
        %scan3A_643 = arith.addi %scan3A_620, %scan3A_642 : i32
        %get3A_644 = arith.constant 0 : i32
        %get3A_645 = arith.index_cast %get3A_644 : i32 to index
        %get3A_646 = arith.index_cast %scan3A_643 : i32 to index
        %get3A_647 = arith.constant 0 : index
        %get3A_648 = tpu.vector_load %arg6[%get3A_645, %get3A_646, %get3A_647] {strides = array<i32>} : memref<4x200x16xf32, #tpu.memory_space<vmem>>, vector<16xf32>,
        %bitcast3A_649 = vector.bitcast %get3A_648 : vector<16xf32> to vector<32xbf16>
        %unpack3A_650 = tpu.unpack_subelements %bitcast3A_649, 0 {pack_format = #tpu.pack_format<interleaved>} : vector<32xbf16> -> vector<16xf32>
        %unpack3A_651 = tpu.unpack_subelements %bitcast3A_649, 1 {pack_format = #tpu.pack_format<interleaved>} : vector<32xbf16> -> vector<16xf32>
        %add3A_652 = arith.addf %add3A_640, %unpack3A_650 : vector<16xf32>
        %add3A_653 = arith.addf %add3A_641, %unpack3A_651 : vector<16xf32>
        %scan3A_654 = arith.constant 3 : i32
        %scan3A_655 = arith.addi %scan3A_620, %scan3A_654 : i32
        %get3A_656 = arith.constant 0 : i32
        %get3A_657 = arith.index_cast %get3A_656 : i32 to index
        %get3A_658 = arith.index_cast %scan3A_655 : i32 to index
        %get3A_659 = arith.constant 0 : index
        %get3A_660 = tpu.vector_load %arg6[%get3A_657, %get3A_658, %get3A_659] {strides = array<i32>} : memref<4x200x16xf32, #tpu.memory_space<vmem>>, vector<16xf32>,
        %bitcast3A_661 = vector.bitcast %get3A_660 : vector<16xf32> to vector<32xbf16>
        %unpack3A_662 = tpu.unpack_subelements %bitcast3A_661, 0 {pack_format = #tpu.pack_format<interleaved>} : vector<32xbf16> -> vector<16xf32>
        %unpack3A_663 = tpu.unpack_subelements %bitcast3A_661, 1 {pack_format = #tpu.pack_format<interleaved>} : vector<32xbf16> -> vector<16xf32>
        %add3A_664 = arith.addf %add3A_652, %unpack3A_662 : vector<16xf32>
        %add3A_665 = arith.addf %add3A_653, %unpack3A_663 : vector<16xf32>
        %scan3A_666 = arith.constant 4 : i32
        %scan3A_667 = arith.addi %scan3A_620, %scan3A_666 : i32
        %get3A_668 = arith.constant 0 : i32
        %get3A_669 = arith.index_cast %get3A_668 : i32 to index
        %get3A_670 = arith.index_cast %scan3A_667 : i32 to index
        %get3A_671 = arith.constant 0 : index
        %get3A_672 = tpu.vector_load %arg6[%get3A_669, %get3A_670, %get3A_671] {strides = array<i32>} : memref<4x200x16xf32, #tpu.memory_space<vmem>>, vector<16xf32>,
        %bitcast3A_673 = vector.bitcast %get3A_672 : vector<16xf32> to vector<32xbf16>
        %unpack3A_674 = tpu.unpack_subelements %bitcast3A_673, 0 {pack_format = #tpu.pack_format<interleaved>} : vector<32xbf16> -> vector<16xf32>
        %unpack3A_675 = tpu.unpack_subelements %bitcast3A_673, 1 {pack_format = #tpu.pack_format<interleaved>} : vector<32xbf16> -> vector<16xf32>
        %add3A_676 = arith.addf %add3A_664, %unpack3A_674 : vector<16xf32>
        %add3A_677 = arith.addf %add3A_665, %unpack3A_675 : vector<16xf32>
        %scan3A_678 = arith.constant 5 : i32
        %scan3A_679 = arith.addi %scan3A_620, %scan3A_678 : i32
        %get3A_680 = arith.constant 0 : i32
        %get3A_681 = arith.index_cast %get3A_680 : i32 to index
        %get3A_682 = arith.index_cast %scan3A_679 : i32 to index
        %get3A_683 = arith.constant 0 : index
        %get3A_684 = tpu.vector_load %arg6[%get3A_681, %get3A_682, %get3A_683] {strides = array<i32>} : memref<4x200x16xf32, #tpu.memory_space<vmem>>, vector<16xf32>,
        %bitcast3A_685 = vector.bitcast %get3A_684 : vector<16xf32> to vector<32xbf16>
        %unpack3A_686 = tpu.unpack_subelements %bitcast3A_685, 0 {pack_format = #tpu.pack_format<interleaved>} : vector<32xbf16> -> vector<16xf32>
        %unpack3A_687 = tpu.unpack_subelements %bitcast3A_685, 1 {pack_format = #tpu.pack_format<interleaved>} : vector<32xbf16> -> vector<16xf32>
        %add3A_688 = arith.addf %add3A_676, %unpack3A_686 : vector<16xf32>
        %add3A_689 = arith.addf %add3A_677, %unpack3A_687 : vector<16xf32>
        %scan3A_690 = arith.constant 6 : i32
        %scan3A_691 = arith.addi %scan3A_620, %scan3A_690 : i32
        %get3A_692 = arith.constant 0 : i32
        %get3A_693 = arith.index_cast %get3A_692 : i32 to index
        %get3A_694 = arith.index_cast %scan3A_691 : i32 to index
        %get3A_695 = arith.constant 0 : index
        %get3A_696 = tpu.vector_load %arg6[%get3A_693, %get3A_694, %get3A_695] {strides = array<i32>} : memref<4x200x16xf32, #tpu.memory_space<vmem>>, vector<16xf32>,
        %bitcast3A_697 = vector.bitcast %get3A_696 : vector<16xf32> to vector<32xbf16>
        %unpack3A_698 = tpu.unpack_subelements %bitcast3A_697, 0 {pack_format = #tpu.pack_format<interleaved>} : vector<32xbf16> -> vector<16xf32>
        %unpack3A_699 = tpu.unpack_subelements %bitcast3A_697, 1 {pack_format = #tpu.pack_format<interleaved>} : vector<32xbf16> -> vector<16xf32>
        %add3A_700 = arith.addf %add3A_688, %unpack3A_698 : vector<16xf32>
        %add3A_701 = arith.addf %add3A_689, %unpack3A_699 : vector<16xf32>
        %scan3A_702 = arith.constant 7 : i32
        %scan3A_703 = arith.addi %scan3A_620, %scan3A_702 : i32
        %get3A_704 = arith.constant 0 : i32
        %get3A_705 = arith.index_cast %get3A_704 : i32 to index
        %get3A_706 = arith.index_cast %scan3A_703 : i32 to index
        %get3A_707 = arith.constant 0 : index
        %get3A_708 = tpu.vector_load %arg6[%get3A_705, %get3A_706, %get3A_707] {strides = array<i32>} : memref<4x200x16xf32, #tpu.memory_space<vmem>>, vector<16xf32>,
        %bitcast3A_709 = vector.bitcast %get3A_708 : vector<16xf32> to vector<32xbf16>
        %unpack3A_710 = tpu.unpack_subelements %bitcast3A_709, 0 {pack_format = #tpu.pack_format<interleaved>} : vector<32xbf16> -> vector<16xf32>
        %unpack3A_711 = tpu.unpack_subelements %bitcast3A_709, 1 {pack_format = #tpu.pack_format<interleaved>} : vector<32xbf16> -> vector<16xf32>
        %add3A_712 = arith.addf %add3A_700, %unpack3A_710 : vector<16xf32>
        %add3A_713 = arith.addf %add3A_701, %unpack3A_711 : vector<16xf32>
        scf.yield %add3A_712, %add3A_713 : vector<16xf32>, vector<16xf32>
      }
      %scan3A_344 = arith.constant 200 : i32
      %mul3A_345 = vector.broadcast %scan3A : f32 to vector<16xf32>
      %mul3A_346 = arith.mulf %scan3A_343#0, %mul3A_345 : vector<16xf32>
      %swap3A = arith.index_cast %add3A_279 : i32 to index
      %swap3A_347 = arith.constant 0 : index
      %swap3A_348 = tpu.vector_load %arg7[%swap3A, %swap3A_347] {strides = array<i32>} : memref<128x32xf32, #tpu.memory_space<vmem>>, vector<16xf32>,
      tpu.vector_store %arg7[%swap3A, %swap3A_347], %mul3A_346 {strides = array<i32>} : memref<128x32xf32, #tpu.memory_space<vmem>>, vector<16xf32>,
      %mul3A_349 = vector.broadcast %scan3A : f32 to vector<16xf32>
      %mul3A_350 = arith.mulf %scan3A_343#1, %mul3A_349 : vector<16xf32>
      %swap3A_351 = arith.index_cast %add3A_279 : i32 to index
      %swap3A_352 = arith.constant 16 : index
      %swap3A_353 = tpu.vector_load %arg7[%swap3A_351, %swap3A_352] {strides = array<i32>} : memref<128x32xf32, #tpu.memory_space<vmem>>, vector<16xf32>,
      tpu.vector_store %arg7[%swap3A_351, %swap3A_352], %mul3A_350 {strides = array<i32>} : memref<128x32xf32, #tpu.memory_space<vmem>>, vector<16xf32>,
      %add3A_354 = arith.constant 4 : i32
      %add3A_355 = arith.addi %add3A_279, %add3A_354 : i32
      %lt3A = arith.constant 128 : i32
      %lt3A_356 = arith.cmpi slt, %add3A_355, %lt3A : i32
      %convert_element_type3A = arith.extui %lt3A_356 : i1 to i32
      %cond3A = arith.constant 0 : i32
      %cond3A_357 = arith.cmpi ne, %convert_element_type3A, %cond3A : i32
      scf.if %cond3A_357 {
        %add3A_620 = arith.constant 4 : i32
        %add3A_621 = arith.addi %add3A_279, %add3A_620 : i32
        %dma_start3A_622 = arith.constant 0 : i32
        %dma_start3A_623 = arith.constant 0 : i32
        %dma_start3A_624 = arith.constant 0 : i32
        %dma_start3A_625 = arith.constant 0 : i32
        %dma_start3A_626 = tpu.memref_slice %arg6[%dma_start3A_623, %dma_start3A_624, %dma_start3A_625] : memref<4x200x16xf32, #tpu.memory_space<vmem>> -> memref<1x40x16xf32, #tpu.memory_space<vmem>>
        %dma_start3A_627 = tpu.memref_squeeze %dma_start3A_626 : memref<1x40x16xf32, #tpu.memory_space<vmem>> -> memref<40x16xf32, #tpu.memory_space<vmem>>
        %dma_start3A_628 = arith.constant 0 : i32
        %dma_start3A_629 = tpu.memref_slice %arg5[%add3A_621, %dma_start3A_622, %dma_start3A_628] : memref<128x5x40xi32, #tpu.memory_space<vmem>> -> memref<1x1x40xi32, #tpu.memory_space<vmem>>
        %dma_start3A_630 = tpu.memref_squeeze %dma_start3A_629 : memref<1x1x40xi32, #tpu.memory_space<vmem>> -> memref<40xi32, #tpu.memory_space<vmem>>
        %dma_start3A_631 = arith.constant 0 : i32
        %dma_start3A_632 = arith.constant 0 : i32
        %dma_start3A_633 = tpu.memref_slice %arg3[%dma_start3A_631, %dma_start3A_632] : memref<1015808x16xf32, #tpu.memory_space<hbm>> -> memref<1015808x16xf32, #tpu.memory_space<hbm>>
        tpu.enqueue_indirect_dma source(%dma_start3A_633 : memref<1015808x16xf32, #tpu.memory_space<hbm>>) target(%dma_start3A_627 : memref<40x16xf32, #tpu.memory_space<vmem>>) offsets(%dma_start3A_630 : memref<40xi32, #tpu.memory_space<vmem>>) semaphore(%arg8 : memref<!tpu.dma_semaphore, #tpu.memory_space<semaphore_mem>>)
        %dma_start3A_634 = arith.constant 1 : i32
        %dma_start3A_635 = arith.constant 0 : i32
        %dma_start3A_636 = arith.constant 40 : i32
        %dma_start3A_637 = arith.constant 0 : i32
        %dma_start3A_638 = tpu.memref_slice %arg6[%dma_start3A_635, %dma_start3A_636, %dma_start3A_637] : memref<4x200x16xf32, #tpu.memory_space<vmem>> -> memref<1x40x16xf32, #tpu.memory_space<vmem>>
        %dma_start3A_639 = tpu.memref_squeeze %dma_start3A_638 : memref<1x40x16xf32, #tpu.memory_space<vmem>> -> memref<40x16xf32, #tpu.memory_space<vmem>>
        %dma_start3A_640 = arith.constant 0 : i32
        %dma_start3A_641 = tpu.memref_slice %arg5[%add3A_621, %dma_start3A_634, %dma_start3A_640] : memref<128x5x40xi32, #tpu.memory_space<vmem>> -> memref<1x1x40xi32, #tpu.memory_space<vmem>>
        %dma_start3A_642 = tpu.memref_squeeze %dma_start3A_641 : memref<1x1x40xi32, #tpu.memory_space<vmem>> -> memref<40xi32, #tpu.memory_space<vmem>>
        %dma_start3A_643 = arith.constant 0 : i32
        %dma_start3A_644 = arith.constant 0 : i32
        %dma_start3A_645 = tpu.memref_slice %arg3[%dma_start3A_643, %dma_start3A_644] : memref<1015808x16xf32, #tpu.memory_space<hbm>> -> memref<1015808x16xf32, #tpu.memory_space<hbm>>
        tpu.enqueue_indirect_dma source(%dma_start3A_645 : memref<1015808x16xf32, #tpu.memory_space<hbm>>) target(%dma_start3A_639 : memref<40x16xf32, #tpu.memory_space<vmem>>) offsets(%dma_start3A_642 : memref<40xi32, #tpu.memory_space<vmem>>) semaphore(%arg8 : memref<!tpu.dma_semaphore, #tpu.memory_space<semaphore_mem>>)
        %dma_start3A_646 = arith.constant 2 : i32
        %dma_start3A_647 = arith.constant 0 : i32
        %dma_start3A_648 = arith.constant 80 : i32
        %dma_start3A_649 = arith.constant 0 : i32
        %dma_start3A_650 = tpu.memref_slice %arg6[%dma_start3A_647, %dma_start3A_648, %dma_start3A_649] : memref<4x200x16xf32, #tpu.memory_space<vmem>> -> memref<1x40x16xf32, #tpu.memory_space<vmem>>
        %dma_start3A_651 = tpu.memref_squeeze %dma_start3A_650 : memref<1x40x16xf32, #tpu.memory_space<vmem>> -> memref<40x16xf32, #tpu.memory_space<vmem>>
        %dma_start3A_652 = arith.constant 0 : i32
        %dma_start3A_653 = tpu.memref_slice %arg5[%add3A_621, %dma_start3A_646, %dma_start3A_652] : memref<128x5x40xi32, #tpu.memory_space<vmem>> -> memref<1x1x40xi32, #tpu.memory_space<vmem>>
        %dma_start3A_654 = tpu.memref_squeeze %dma_start3A_653 : memref<1x1x40xi32, #tpu.memory_space<vmem>> -> memref<40xi32, #tpu.memory_space<vmem>>
        %dma_start3A_655 = arith.constant 0 : i32
        %dma_start3A_656 = arith.constant 0 : i32
        %dma_start3A_657 = tpu.memref_slice %arg3[%dma_start3A_655, %dma_start3A_656] : memref<1015808x16xf32, #tpu.memory_space<hbm>> -> memref<1015808x16xf32, #tpu.memory_space<hbm>>
        tpu.enqueue_indirect_dma source(%dma_start3A_657 : memref<1015808x16xf32, #tpu.memory_space<hbm>>) target(%dma_start3A_651 : memref<40x16xf32, #tpu.memory_space<vmem>>) offsets(%dma_start3A_654 : memref<40xi32, #tpu.memory_space<vmem>>) semaphore(%arg8 : memref<!tpu.dma_semaphore, #tpu.memory_space<semaphore_mem>>)
        %dma_start3A_658 = arith.constant 3 : i32
        %dma_start3A_659 = arith.constant 0 : i32
        %dma_start3A_660 = arith.constant 120 : i32
        %dma_start3A_661 = arith.constant 0 : i32
        %dma_start3A_662 = tpu.memref_slice %arg6[%dma_start3A_659, %dma_start3A_660, %dma_start3A_661] : memref<4x200x16xf32, #tpu.memory_space<vmem>> -> memref<1x40x16xf32, #tpu.memory_space<vmem>>
        %dma_start3A_663 = tpu.memref_squeeze %dma_start3A_662 : memref<1x40x16xf32, #tpu.memory_space<vmem>> -> memref<40x16xf32, #tpu.memory_space<vmem>>
        %dma_start3A_664 = arith.constant 0 : i32
        %dma_start3A_665 = tpu.memref_slice %arg5[%add3A_621, %dma_start3A_658, %dma_start3A_664] : memref<128x5x40xi32, #tpu.memory_space<vmem>> -> memref<1x1x40xi32, #tpu.memory_space<vmem>>
        %dma_start3A_666 = tpu.memref_squeeze %dma_start3A_665 : memref<1x1x40xi32, #tpu.memory_space<vmem>> -> memref<40xi32, #tpu.memory_space<vmem>>
        %dma_start3A_667 = arith.constant 0 : i32
        %dma_start3A_668 = arith.constant 0 : i32
        %dma_start3A_669 = tpu.memref_slice %arg3[%dma_start3A_667, %dma_start3A_668] : memref<1015808x16xf32, #tpu.memory_space<hbm>> -> memref<1015808x16xf32, #tpu.memory_space<hbm>>
        tpu.enqueue_indirect_dma source(%dma_start3A_669 : memref<1015808x16xf32, #tpu.memory_space<hbm>>) target(%dma_start3A_663 : memref<40x16xf32, #tpu.memory_space<vmem>>) offsets(%dma_start3A_666 : memref<40xi32, #tpu.memory_space<vmem>>) semaphore(%arg8 : memref<!tpu.dma_semaphore, #tpu.memory_space<semaphore_mem>>)
        %dma_start3A_670 = arith.constant 4 : i32
        %dma_start3A_671 = arith.constant 0 : i32
        %dma_start3A_672 = arith.constant 160 : i32
        %dma_start3A_673 = arith.constant 0 : i32
        %dma_start3A_674 = tpu.memref_slice %arg6[%dma_start3A_671, %dma_start3A_672, %dma_start3A_673] : memref<4x200x16xf32, #tpu.memory_space<vmem>> -> memref<1x40x16xf32, #tpu.memory_space<vmem>>
        %dma_start3A_675 = tpu.memref_squeeze %dma_start3A_674 : memref<1x40x16xf32, #tpu.memory_space<vmem>> -> memref<40x16xf32, #tpu.memory_space<vmem>>
        %dma_start3A_676 = arith.constant 0 : i32
        %dma_start3A_677 = tpu.memref_slice %arg5[%add3A_621, %dma_start3A_670, %dma_start3A_676] : memref<128x5x40xi32, #tpu.memory_space<vmem>> -> memref<1x1x40xi32, #tpu.memory_space<vmem>>
        %dma_start3A_678 = tpu.memref_squeeze %dma_start3A_677 : memref<1x1x40xi32, #tpu.memory_space<vmem>> -> memref<40xi32, #tpu.memory_space<vmem>>
        %dma_start3A_679 = arith.constant 0 : i32
        %dma_start3A_680 = arith.constant 0 : i32
        %dma_start3A_681 = tpu.memref_slice %arg3[%dma_start3A_679, %dma_start3A_680] : memref<1015808x16xf32, #tpu.memory_space<hbm>> -> memref<1015808x16xf32, #tpu.memory_space<hbm>>
        tpu.enqueue_indirect_dma source(%dma_start3A_681 : memref<1015808x16xf32, #tpu.memory_space<hbm>>) target(%dma_start3A_675 : memref<40x16xf32, #tpu.memory_space<vmem>>) offsets(%dma_start3A_678 : memref<40xi32, #tpu.memory_space<vmem>>) semaphore(%arg8 : memref<!tpu.dma_semaphore, #tpu.memory_space<semaphore_mem>>)
      } else {
      }
      %mul3A_358 = arith.constant 4 : i32
      %mul3A_359 = arith.muli %scan3A_274, %mul3A_358 : i32
      %add3A_360 = arith.constant 1 : i32
      %add3A_361 = arith.addi %mul3A_359, %add3A_360 : i32
      %dma_wait3A_362 = arith.constant 0 : i32
      %dma_wait3A_363 = arith.constant 1 : i32
      %dma_wait3A_364 = arith.constant 0 : i32
      %dma_wait3A_365 = arith.constant 0 : i32
      %dma_wait3A_366 = tpu.memref_slice %arg6[%dma_wait3A_363, %dma_wait3A_364, %dma_wait3A_365] : memref<4x200x16xf32, #tpu.memory_space<vmem>> -> memref<1x40x16xf32, #tpu.memory_space<vmem>>
      %dma_wait3A_367 = tpu.memref_squeeze %dma_wait3A_366 : memref<1x40x16xf32, #tpu.memory_space<vmem>> -> memref<40x16xf32, #tpu.memory_space<vmem>>
      %dma_wait3A_368 = arith.constant 0 : i32
      %dma_wait3A_369 = tpu.memref_slice %arg5[%add3A_361, %dma_wait3A_362, %dma_wait3A_368] : memref<128x5x40xi32, #tpu.memory_space<vmem>> -> memref<1x1x40xi32, #tpu.memory_space<vmem>>
      %dma_wait3A_370 = tpu.memref_squeeze %dma_wait3A_369 : memref<1x1x40xi32, #tpu.memory_space<vmem>> -> memref<40xi32, #tpu.memory_space<vmem>>
      %dma_wait3A_371 = arith.constant 0 : i32
      %dma_wait3A_372 = arith.constant 0 : i32
      %dma_wait3A_373 = tpu.memref_slice %arg3[%dma_wait3A_371, %dma_wait3A_372] : memref<1015808x16xf32, #tpu.memory_space<hbm>> -> memref<1015808x16xf32, #tpu.memory_space<hbm>>
      tpu.wait_indirect_dma semaphore(%arg8 : memref<!tpu.dma_semaphore, #tpu.memory_space<semaphore_mem>>) src(%dma_wait3A_373 : memref<1015808x16xf32, #tpu.memory_space<hbm>>) dst(%dma_wait3A_367 : memref<40x16xf32, #tpu.memory_space<vmem>>)
      %dma_wait3A_374 = arith.constant 1 : i32
      %dma_wait3A_375 = arith.constant 1 : i32
      %dma_wait3A_376 = arith.constant 40 : i32
      %dma_wait3A_377 = arith.constant 0 : i32
      %dma_wait3A_378 = tpu.memref_slice %arg6[%dma_wait3A_375, %dma_wait3A_376, %dma_wait3A_377] : memref<4x200x16xf32, #tpu.memory_space<vmem>> -> memref<1x40x16xf32, #tpu.memory_space<vmem>>
      %dma_wait3A_379 = tpu.memref_squeeze %dma_wait3A_378 : memref<1x40x16xf32, #tpu.memory_space<vmem>> -> memref<40x16xf32, #tpu.memory_space<vmem>>
      %dma_wait3A_380 = arith.constant 0 : i32
      %dma_wait3A_381 = tpu.memref_slice %arg5[%add3A_361, %dma_wait3A_374, %dma_wait3A_380] : memref<128x5x40xi32, #tpu.memory_space<vmem>> -> memref<1x1x40xi32, #tpu.memory_space<vmem>>
      %dma_wait3A_382 = tpu.memref_squeeze %dma_wait3A_381 : memref<1x1x40xi32, #tpu.memory_space<vmem>> -> memref<40xi32, #tpu.memory_space<vmem>>
      %dma_wait3A_383 = arith.constant 0 : i32
      %dma_wait3A_384 = arith.constant 0 : i32
      %dma_wait3A_385 = tpu.memref_slice %arg3[%dma_wait3A_383, %dma_wait3A_384] : memref<1015808x16xf32, #tpu.memory_space<hbm>> -> memref<1015808x16xf32, #tpu.memory_space<hbm>>
      tpu.wait_indirect_dma semaphore(%arg8 : memref<!tpu.dma_semaphore, #tpu.memory_space<semaphore_mem>>) src(%dma_wait3A_385 : memref<1015808x16xf32, #tpu.memory_space<hbm>>) dst(%dma_wait3A_379 : memref<40x16xf32, #tpu.memory_space<vmem>>)
      %dma_wait3A_386 = arith.constant 2 : i32
      %dma_wait3A_387 = arith.constant 1 : i32
      %dma_wait3A_388 = arith.constant 80 : i32
      %dma_wait3A_389 = arith.constant 0 : i32
      %dma_wait3A_390 = tpu.memref_slice %arg6[%dma_wait3A_387, %dma_wait3A_388, %dma_wait3A_389] : memref<4x200x16xf32, #tpu.memory_space<vmem>> -> memref<1x40x16xf32, #tpu.memory_space<vmem>>
      %dma_wait3A_391 = tpu.memref_squeeze %dma_wait3A_390 : memref<1x40x16xf32, #tpu.memory_space<vmem>> -> memref<40x16xf32, #tpu.memory_space<vmem>>
      %dma_wait3A_392 = arith.constant 0 : i32
      %dma_wait3A_393 = tpu.memref_slice %arg5[%add3A_361, %dma_wait3A_386, %dma_wait3A_392] : memref<128x5x40xi32, #tpu.memory_space<vmem>> -> memref<1x1x40xi32, #tpu.memory_space<vmem>>
      %dma_wait3A_394 = tpu.memref_squeeze %dma_wait3A_393 : memref<1x1x40xi32, #tpu.memory_space<vmem>> -> memref<40xi32, #tpu.memory_space<vmem>>
      %dma_wait3A_395 = arith.constant 0 : i32
      %dma_wait3A_396 = arith.constant 0 : i32
      %dma_wait3A_397 = tpu.memref_slice %arg3[%dma_wait3A_395, %dma_wait3A_396] : memref<1015808x16xf32, #tpu.memory_space<hbm>> -> memref<1015808x16xf32, #tpu.memory_space<hbm>>
      tpu.wait_indirect_dma semaphore(%arg8 : memref<!tpu.dma_semaphore, #tpu.memory_space<semaphore_mem>>) src(%dma_wait3A_397 : memref<1015808x16xf32, #tpu.memory_space<hbm>>) dst(%dma_wait3A_391 : memref<40x16xf32, #tpu.memory_space<vmem>>)
      %dma_wait3A_398 = arith.constant 3 : i32
      %dma_wait3A_399 = arith.constant 1 : i32
      %dma_wait3A_400 = arith.constant 120 : i32
      %dma_wait3A_401 = arith.constant 0 : i32
      %dma_wait3A_402 = tpu.memref_slice %arg6[%dma_wait3A_399, %dma_wait3A_400, %dma_wait3A_401] : memref<4x200x16xf32, #tpu.memory_space<vmem>> -> memref<1x40x16xf32, #tpu.memory_space<vmem>>
      %dma_wait3A_403 = tpu.memref_squeeze %dma_wait3A_402 : memref<1x40x16xf32, #tpu.memory_space<vmem>> -> memref<40x16xf32, #tpu.memory_space<vmem>>
      %dma_wait3A_404 = arith.constant 0 : i32
      %dma_wait3A_405 = tpu.memref_slice %arg5[%add3A_361, %dma_wait3A_398, %dma_wait3A_404] : memref<128x5x40xi32, #tpu.memory_space<vmem>> -> memref<1x1x40xi32, #tpu.memory_space<vmem>>
      %dma_wait3A_406 = tpu.memref_squeeze %dma_wait3A_405 : memref<1x1x40xi32, #tpu.memory_space<vmem>> -> memref<40xi32, #tpu.memory_space<vmem>>
      %dma_wait3A_407 = arith.constant 0 : i32
      %dma_wait3A_408 = arith.constant 0 : i32
      %dma_wait3A_409 = tpu.memref_slice %arg3[%dma_wait3A_407, %dma_wait3A_408] : memref<1015808x16xf32, #tpu.memory_space<hbm>> -> memref<1015808x16xf32, #tpu.memory_space<hbm>>
      tpu.wait_indirect_dma semaphore(%arg8 : memref<!tpu.dma_semaphore, #tpu.memory_space<semaphore_mem>>) src(%dma_wait3A_409 : memref<1015808x16xf32, #tpu.memory_space<hbm>>) dst(%dma_wait3A_403 : memref<40x16xf32, #tpu.memory_space<vmem>>)
      %dma_wait3A_410 = arith.constant 4 : i32
      %dma_wait3A_411 = arith.constant 1 : i32
      %dma_wait3A_412 = arith.constant 160 : i32
      %dma_wait3A_413 = arith.constant 0 : i32
      %dma_wait3A_414 = tpu.memref_slice %arg6[%dma_wait3A_411, %dma_wait3A_412, %dma_wait3A_413] : memref<4x200x16xf32, #tpu.memory_space<vmem>> -> memref<1x40x16xf32, #tpu.memory_space<vmem>>
      %dma_wait3A_415 = tpu.memref_squeeze %dma_wait3A_414 : memref<1x40x16xf32, #tpu.memory_space<vmem>> -> memref<40x16xf32, #tpu.memory_space<vmem>>
      %dma_wait3A_416 = arith.constant 0 : i32
      %dma_wait3A_417 = tpu.memref_slice %arg5[%add3A_361, %dma_wait3A_410, %dma_wait3A_416] : memref<128x5x40xi32, #tpu.memory_space<vmem>> -> memref<1x1x40xi32, #tpu.memory_space<vmem>>
      %dma_wait3A_418 = tpu.memref_squeeze %dma_wait3A_417 : memref<1x1x40xi32, #tpu.memory_space<vmem>> -> memref<40xi32, #tpu.memory_space<vmem>>
      %dma_wait3A_419 = arith.constant 0 : i32
      %dma_wait3A_420 = arith.constant 0 : i32
      %dma_wait3A_421 = tpu.memref_slice %arg3[%dma_wait3A_419, %dma_wait3A_420] : memref<1015808x16xf32, #tpu.memory_space<hbm>> -> memref<1015808x16xf32, #tpu.memory_space<hbm>>
      tpu.wait_indirect_dma semaphore(%arg8 : memref<!tpu.dma_semaphore, #tpu.memory_space<semaphore_mem>>) src(%dma_wait3A_421 : memref<1015808x16xf32, #tpu.memory_space<hbm>>) dst(%dma_wait3A_415 : memref<40x16xf32, #tpu.memory_space<vmem>>)
      %scan3A_422 = arith.constant 0 : i32
      %scan3A_423 = arith.constant 200 : i32
      %scan3A_424 = arith.addi %scan3A_422, %scan3A_423 : i32
      %scan3A_425 = arith.constant 8 : i32
      %scan3A_426:2 = scf.for %scan3A_620 = %scan3A_422 to %scan3A_424 step %scan3A_425 iter_args(%scan3A_621 = %broadcast_in_dim3A_266, %scan3A_622 = %broadcast_in_dim3A_266) -> (vector<16xf32>, vector<16xf32>)  : i32 {
        %get3A = arith.constant 1 : i32
        %get3A_623 = arith.index_cast %get3A : i32 to index
        %get3A_624 = arith.index_cast %scan3A_620 : i32 to index
        %get3A_625 = arith.constant 0 : index
        %get3A_626 = tpu.vector_load %arg6[%get3A_623, %get3A_624, %get3A_625] {strides = array<i32>} : memref<4x200x16xf32, #tpu.memory_space<vmem>>, vector<16xf32>,
        %bitcast3A = vector.bitcast %get3A_626 : vector<16xf32> to vector<32xbf16>
        %unpack3A = tpu.unpack_subelements %bitcast3A, 0 {pack_format = #tpu.pack_format<interleaved>} : vector<32xbf16> -> vector<16xf32>
        %unpack3A_627 = tpu.unpack_subelements %bitcast3A, 1 {pack_format = #tpu.pack_format<interleaved>} : vector<32xbf16> -> vector<16xf32>
        %add3A_628 = arith.addf %scan3A_621, %unpack3A : vector<16xf32>
        %add3A_629 = arith.addf %scan3A_622, %unpack3A_627 : vector<16xf32>
        %scan3A_630 = arith.constant 1 : i32
        %scan3A_631 = arith.addi %scan3A_620, %scan3A_630 : i32
        %get3A_632 = arith.constant 1 : i32
        %get3A_633 = arith.index_cast %get3A_632 : i32 to index
        %get3A_634 = arith.index_cast %scan3A_631 : i32 to index
        %get3A_635 = arith.constant 0 : index
        %get3A_636 = tpu.vector_load %arg6[%get3A_633, %get3A_634, %get3A_635] {strides = array<i32>} : memref<4x200x16xf32, #tpu.memory_space<vmem>>, vector<16xf32>,
        %bitcast3A_637 = vector.bitcast %get3A_636 : vector<16xf32> to vector<32xbf16>
        %unpack3A_638 = tpu.unpack_subelements %bitcast3A_637, 0 {pack_format = #tpu.pack_format<interleaved>} : vector<32xbf16> -> vector<16xf32>
        %unpack3A_639 = tpu.unpack_subelements %bitcast3A_637, 1 {pack_format = #tpu.pack_format<interleaved>} : vector<32xbf16> -> vector<16xf32>
        %add3A_640 = arith.addf %add3A_628, %unpack3A_638 : vector<16xf32>
        %add3A_641 = arith.addf %add3A_629, %unpack3A_639 : vector<16xf32>
        %scan3A_642 = arith.constant 2 : i32
        %scan3A_643 = arith.addi %scan3A_620, %scan3A_642 : i32
        %get3A_644 = arith.constant 1 : i32
        %get3A_645 = arith.index_cast %get3A_644 : i32 to index
        %get3A_646 = arith.index_cast %scan3A_643 : i32 to index
        %get3A_647 = arith.constant 0 : index
        %get3A_648 = tpu.vector_load %arg6[%get3A_645, %get3A_646, %get3A_647] {strides = array<i32>} : memref<4x200x16xf32, #tpu.memory_space<vmem>>, vector<16xf32>,
        %bitcast3A_649 = vector.bitcast %get3A_648 : vector<16xf32> to vector<32xbf16>
        %unpack3A_650 = tpu.unpack_subelements %bitcast3A_649, 0 {pack_format = #tpu.pack_format<interleaved>} : vector<32xbf16> -> vector<16xf32>
        %unpack3A_651 = tpu.unpack_subelements %bitcast3A_649, 1 {pack_format = #tpu.pack_format<interleaved>} : vector<32xbf16> -> vector<16xf32>
        %add3A_652 = arith.addf %add3A_640, %unpack3A_650 : vector<16xf32>
        %add3A_653 = arith.addf %add3A_641, %unpack3A_651 : vector<16xf32>
        %scan3A_654 = arith.constant 3 : i32
        %scan3A_655 = arith.addi %scan3A_620, %scan3A_654 : i32
        %get3A_656 = arith.constant 1 : i32
        %get3A_657 = arith.index_cast %get3A_656 : i32 to index
        %get3A_658 = arith.index_cast %scan3A_655 : i32 to index
        %get3A_659 = arith.constant 0 : index
        %get3A_660 = tpu.vector_load %arg6[%get3A_657, %get3A_658, %get3A_659] {strides = array<i32>} : memref<4x200x16xf32, #tpu.memory_space<vmem>>, vector<16xf32>,
        %bitcast3A_661 = vector.bitcast %get3A_660 : vector<16xf32> to vector<32xbf16>
        %unpack3A_662 = tpu.unpack_subelements %bitcast3A_661, 0 {pack_format = #tpu.pack_format<interleaved>} : vector<32xbf16> -> vector<16xf32>
        %unpack3A_663 = tpu.unpack_subelements %bitcast3A_661, 1 {pack_format = #tpu.pack_format<interleaved>} : vector<32xbf16> -> vector<16xf32>
        %add3A_664 = arith.addf %add3A_652, %unpack3A_662 : vector<16xf32>
        %add3A_665 = arith.addf %add3A_653, %unpack3A_663 : vector<16xf32>
        %scan3A_666 = arith.constant 4 : i32
        %scan3A_667 = arith.addi %scan3A_620, %scan3A_666 : i32
        %get3A_668 = arith.constant 1 : i32
        %get3A_669 = arith.index_cast %get3A_668 : i32 to index
        %get3A_670 = arith.index_cast %scan3A_667 : i32 to index
        %get3A_671 = arith.constant 0 : index
        %get3A_672 = tpu.vector_load %arg6[%get3A_669, %get3A_670, %get3A_671] {strides = array<i32>} : memref<4x200x16xf32, #tpu.memory_space<vmem>>, vector<16xf32>,
        %bitcast3A_673 = vector.bitcast %get3A_672 : vector<16xf32> to vector<32xbf16>
        %unpack3A_674 = tpu.unpack_subelements %bitcast3A_673, 0 {pack_format = #tpu.pack_format<interleaved>} : vector<32xbf16> -> vector<16xf32>
        %unpack3A_675 = tpu.unpack_subelements %bitcast3A_673, 1 {pack_format = #tpu.pack_format<interleaved>} : vector<32xbf16> -> vector<16xf32>
        %add3A_676 = arith.addf %add3A_664, %unpack3A_674 : vector<16xf32>
        %add3A_677 = arith.addf %add3A_665, %unpack3A_675 : vector<16xf32>
        %scan3A_678 = arith.constant 5 : i32
        %scan3A_679 = arith.addi %scan3A_620, %scan3A_678 : i32
        %get3A_680 = arith.constant 1 : i32
        %get3A_681 = arith.index_cast %get3A_680 : i32 to index
        %get3A_682 = arith.index_cast %scan3A_679 : i32 to index
        %get3A_683 = arith.constant 0 : index
        %get3A_684 = tpu.vector_load %arg6[%get3A_681, %get3A_682, %get3A_683] {strides = array<i32>} : memref<4x200x16xf32, #tpu.memory_space<vmem>>, vector<16xf32>,
        %bitcast3A_685 = vector.bitcast %get3A_684 : vector<16xf32> to vector<32xbf16>
        %unpack3A_686 = tpu.unpack_subelements %bitcast3A_685, 0 {pack_format = #tpu.pack_format<interleaved>} : vector<32xbf16> -> vector<16xf32>
        %unpack3A_687 = tpu.unpack_subelements %bitcast3A_685, 1 {pack_format = #tpu.pack_format<interleaved>} : vector<32xbf16> -> vector<16xf32>
        %add3A_688 = arith.addf %add3A_676, %unpack3A_686 : vector<16xf32>
        %add3A_689 = arith.addf %add3A_677, %unpack3A_687 : vector<16xf32>
        %scan3A_690 = arith.constant 6 : i32
        %scan3A_691 = arith.addi %scan3A_620, %scan3A_690 : i32
        %get3A_692 = arith.constant 1 : i32
        %get3A_693 = arith.index_cast %get3A_692 : i32 to index
        %get3A_694 = arith.index_cast %scan3A_691 : i32 to index
        %get3A_695 = arith.constant 0 : index
        %get3A_696 = tpu.vector_load %arg6[%get3A_693, %get3A_694, %get3A_695] {strides = array<i32>} : memref<4x200x16xf32, #tpu.memory_space<vmem>>, vector<16xf32>,
        %bitcast3A_697 = vector.bitcast %get3A_696 : vector<16xf32> to vector<32xbf16>
        %unpack3A_698 = tpu.unpack_subelements %bitcast3A_697, 0 {pack_format = #tpu.pack_format<interleaved>} : vector<32xbf16> -> vector<16xf32>
        %unpack3A_699 = tpu.unpack_subelements %bitcast3A_697, 1 {pack_format = #tpu.pack_format<interleaved>} : vector<32xbf16> -> vector<16xf32>
        %add3A_700 = arith.addf %add3A_688, %unpack3A_698 : vector<16xf32>
        %add3A_701 = arith.addf %add3A_689, %unpack3A_699 : vector<16xf32>
        %scan3A_702 = arith.constant 7 : i32
        %scan3A_703 = arith.addi %scan3A_620, %scan3A_702 : i32
        %get3A_704 = arith.constant 1 : i32
        %get3A_705 = arith.index_cast %get3A_704 : i32 to index
        %get3A_706 = arith.index_cast %scan3A_703 : i32 to index
        %get3A_707 = arith.constant 0 : index
        %get3A_708 = tpu.vector_load %arg6[%get3A_705, %get3A_706, %get3A_707] {strides = array<i32>} : memref<4x200x16xf32, #tpu.memory_space<vmem>>, vector<16xf32>,
        %bitcast3A_709 = vector.bitcast %get3A_708 : vector<16xf32> to vector<32xbf16>
        %unpack3A_710 = tpu.unpack_subelements %bitcast3A_709, 0 {pack_format = #tpu.pack_format<interleaved>} : vector<32xbf16> -> vector<16xf32>
        %unpack3A_711 = tpu.unpack_subelements %bitcast3A_709, 1 {pack_format = #tpu.pack_format<interleaved>} : vector<32xbf16> -> vector<16xf32>
        %add3A_712 = arith.addf %add3A_700, %unpack3A_710 : vector<16xf32>
        %add3A_713 = arith.addf %add3A_701, %unpack3A_711 : vector<16xf32>
        scf.yield %add3A_712, %add3A_713 : vector<16xf32>, vector<16xf32>
      }
      %scan3A_427 = arith.constant 200 : i32
      %mul3A_428 = vector.broadcast %scan3A : f32 to vector<16xf32>
      %mul3A_429 = arith.mulf %scan3A_426#0, %mul3A_428 : vector<16xf32>
      %swap3A_430 = arith.index_cast %add3A_361 : i32 to index
      %swap3A_431 = arith.constant 0 : index
      %swap3A_432 = tpu.vector_load %arg7[%swap3A_430, %swap3A_431] {strides = array<i32>} : memref<128x32xf32, #tpu.memory_space<vmem>>, vector<16xf32>,
      tpu.vector_store %arg7[%swap3A_430, %swap3A_431], %mul3A_429 {strides = array<i32>} : memref<128x32xf32, #tpu.memory_space<vmem>>, vector<16xf32>,
      %mul3A_433 = vector.broadcast %scan3A : f32 to vector<16xf32>
      %mul3A_434 = arith.mulf %scan3A_426#1, %mul3A_433 : vector<16xf32>
      %swap3A_435 = arith.index_cast %add3A_361 : i32 to index
      %swap3A_436 = arith.constant 16 : index
      %swap3A_437 = tpu.vector_load %arg7[%swap3A_435, %swap3A_436] {strides = array<i32>} : memref<128x32xf32, #tpu.memory_space<vmem>>, vector<16xf32>,
      tpu.vector_store %arg7[%swap3A_435, %swap3A_436], %mul3A_434 {strides = array<i32>} : memref<128x32xf32, #tpu.memory_space<vmem>>, vector<16xf32>,
      %add3A_438 = arith.constant 4 : i32
      %add3A_439 = arith.addi %add3A_361, %add3A_438 : i32
      %lt3A_440 = arith.constant 128 : i32
      %lt3A_441 = arith.cmpi slt, %add3A_439, %lt3A_440 : i32
      %convert_element_type3A_442 = arith.extui %lt3A_441 : i1 to i32
      %cond3A_443 = arith.constant 0 : i32
      %cond3A_444 = arith.cmpi ne, %convert_element_type3A_442, %cond3A_443 : i32
      scf.if %cond3A_444 {
        %add3A_620 = arith.constant 4 : i32
        %add3A_621 = arith.addi %add3A_361, %add3A_620 : i32
        %dma_start3A_622 = arith.constant 0 : i32
        %dma_start3A_623 = arith.constant 1 : i32
        %dma_start3A_624 = arith.constant 0 : i32
        %dma_start3A_625 = arith.constant 0 : i32
        %dma_start3A_626 = tpu.memref_slice %arg6[%dma_start3A_623, %dma_start3A_624, %dma_start3A_625] : memref<4x200x16xf32, #tpu.memory_space<vmem>> -> memref<1x40x16xf32, #tpu.memory_space<vmem>>
        %dma_start3A_627 = tpu.memref_squeeze %dma_start3A_626 : memref<1x40x16xf32, #tpu.memory_space<vmem>> -> memref<40x16xf32, #tpu.memory_space<vmem>>
        %dma_start3A_628 = arith.constant 0 : i32
        %dma_start3A_629 = tpu.memref_slice %arg5[%add3A_621, %dma_start3A_622, %dma_start3A_628] : memref<128x5x40xi32, #tpu.memory_space<vmem>> -> memref<1x1x40xi32, #tpu.memory_space<vmem>>
        %dma_start3A_630 = tpu.memref_squeeze %dma_start3A_629 : memref<1x1x40xi32, #tpu.memory_space<vmem>> -> memref<40xi32, #tpu.memory_space<vmem>>
        %dma_start3A_631 = arith.constant 0 : i32
        %dma_start3A_632 = arith.constant 0 : i32
        %dma_start3A_633 = tpu.memref_slice %arg3[%dma_start3A_631, %dma_start3A_632] : memref<1015808x16xf32, #tpu.memory_space<hbm>> -> memref<1015808x16xf32, #tpu.memory_space<hbm>>
        tpu.enqueue_indirect_dma source(%dma_start3A_633 : memref<1015808x16xf32, #tpu.memory_space<hbm>>) target(%dma_start3A_627 : memref<40x16xf32, #tpu.memory_space<vmem>>) offsets(%dma_start3A_630 : memref<40xi32, #tpu.memory_space<vmem>>) semaphore(%arg8 : memref<!tpu.dma_semaphore, #tpu.memory_space<semaphore_mem>>)
        %dma_start3A_634 = arith.constant 1 : i32
        %dma_start3A_635 = arith.constant 1 : i32
        %dma_start3A_636 = arith.constant 40 : i32
        %dma_start3A_637 = arith.constant 0 : i32
        %dma_start3A_638 = tpu.memref_slice %arg6[%dma_start3A_635, %dma_start3A_636, %dma_start3A_637] : memref<4x200x16xf32, #tpu.memory_space<vmem>> -> memref<1x40x16xf32, #tpu.memory_space<vmem>>
        %dma_start3A_639 = tpu.memref_squeeze %dma_start3A_638 : memref<1x40x16xf32, #tpu.memory_space<vmem>> -> memref<40x16xf32, #tpu.memory_space<vmem>>
        %dma_start3A_640 = arith.constant 0 : i32
        %dma_start3A_641 = tpu.memref_slice %arg5[%add3A_621, %dma_start3A_634, %dma_start3A_640] : memref<128x5x40xi32, #tpu.memory_space<vmem>> -> memref<1x1x40xi32, #tpu.memory_space<vmem>>
        %dma_start3A_642 = tpu.memref_squeeze %dma_start3A_641 : memref<1x1x40xi32, #tpu.memory_space<vmem>> -> memref<40xi32, #tpu.memory_space<vmem>>
        %dma_start3A_643 = arith.constant 0 : i32
        %dma_start3A_644 = arith.constant 0 : i32
        %dma_start3A_645 = tpu.memref_slice %arg3[%dma_start3A_643, %dma_start3A_644] : memref<1015808x16xf32, #tpu.memory_space<hbm>> -> memref<1015808x16xf32, #tpu.memory_space<hbm>>
        tpu.enqueue_indirect_dma source(%dma_start3A_645 : memref<1015808x16xf32, #tpu.memory_space<hbm>>) target(%dma_start3A_639 : memref<40x16xf32, #tpu.memory_space<vmem>>) offsets(%dma_start3A_642 : memref<40xi32, #tpu.memory_space<vmem>>) semaphore(%arg8 : memref<!tpu.dma_semaphore, #tpu.memory_space<semaphore_mem>>)
        %dma_start3A_646 = arith.constant 2 : i32
        %dma_start3A_647 = arith.constant 1 : i32
        %dma_start3A_648 = arith.constant 80 : i32
        %dma_start3A_649 = arith.constant 0 : i32
        %dma_start3A_650 = tpu.memref_slice %arg6[%dma_start3A_647, %dma_start3A_648, %dma_start3A_649] : memref<4x200x16xf32, #tpu.memory_space<vmem>> -> memref<1x40x16xf32, #tpu.memory_space<vmem>>
        %dma_start3A_651 = tpu.memref_squeeze %dma_start3A_650 : memref<1x40x16xf32, #tpu.memory_space<vmem>> -> memref<40x16xf32, #tpu.memory_space<vmem>>
        %dma_start3A_652 = arith.constant 0 : i32
        %dma_start3A_653 = tpu.memref_slice %arg5[%add3A_621, %dma_start3A_646, %dma_start3A_652] : memref<128x5x40xi32, #tpu.memory_space<vmem>> -> memref<1x1x40xi32, #tpu.memory_space<vmem>>
        %dma_start3A_654 = tpu.memref_squeeze %dma_start3A_653 : memref<1x1x40xi32, #tpu.memory_space<vmem>> -> memref<40xi32, #tpu.memory_space<vmem>>
        %dma_start3A_655 = arith.constant 0 : i32
        %dma_start3A_656 = arith.constant 0 : i32
        %dma_start3A_657 = tpu.memref_slice %arg3[%dma_start3A_655, %dma_start3A_656] : memref<1015808x16xf32, #tpu.memory_space<hbm>> -> memref<1015808x16xf32, #tpu.memory_space<hbm>>
        tpu.enqueue_indirect_dma source(%dma_start3A_657 : memref<1015808x16xf32, #tpu.memory_space<hbm>>) target(%dma_start3A_651 : memref<40x16xf32, #tpu.memory_space<vmem>>) offsets(%dma_start3A_654 : memref<40xi32, #tpu.memory_space<vmem>>) semaphore(%arg8 : memref<!tpu.dma_semaphore, #tpu.memory_space<semaphore_mem>>)
        %dma_start3A_658 = arith.constant 3 : i32
        %dma_start3A_659 = arith.constant 1 : i32
        %dma_start3A_660 = arith.constant 120 : i32
        %dma_start3A_661 = arith.constant 0 : i32
        %dma_start3A_662 = tpu.memref_slice %arg6[%dma_start3A_659, %dma_start3A_660, %dma_start3A_661] : memref<4x200x16xf32, #tpu.memory_space<vmem>> -> memref<1x40x16xf32, #tpu.memory_space<vmem>>
        %dma_start3A_663 = tpu.memref_squeeze %dma_start3A_662 : memref<1x40x16xf32, #tpu.memory_space<vmem>> -> memref<40x16xf32, #tpu.memory_space<vmem>>
        %dma_start3A_664 = arith.constant 0 : i32
        %dma_start3A_665 = tpu.memref_slice %arg5[%add3A_621, %dma_start3A_658, %dma_start3A_664] : memref<128x5x40xi32, #tpu.memory_space<vmem>> -> memref<1x1x40xi32, #tpu.memory_space<vmem>>
        %dma_start3A_666 = tpu.memref_squeeze %dma_start3A_665 : memref<1x1x40xi32, #tpu.memory_space<vmem>> -> memref<40xi32, #tpu.memory_space<vmem>>
        %dma_start3A_667 = arith.constant 0 : i32
        %dma_start3A_668 = arith.constant 0 : i32
        %dma_start3A_669 = tpu.memref_slice %arg3[%dma_start3A_667, %dma_start3A_668] : memref<1015808x16xf32, #tpu.memory_space<hbm>> -> memref<1015808x16xf32, #tpu.memory_space<hbm>>
        tpu.enqueue_indirect_dma source(%dma_start3A_669 : memref<1015808x16xf32, #tpu.memory_space<hbm>>) target(%dma_start3A_663 : memref<40x16xf32, #tpu.memory_space<vmem>>) offsets(%dma_start3A_666 : memref<40xi32, #tpu.memory_space<vmem>>) semaphore(%arg8 : memref<!tpu.dma_semaphore, #tpu.memory_space<semaphore_mem>>)
        %dma_start3A_670 = arith.constant 4 : i32
        %dma_start3A_671 = arith.constant 1 : i32
        %dma_start3A_672 = arith.constant 160 : i32
        %dma_start3A_673 = arith.constant 0 : i32
        %dma_start3A_674 = tpu.memref_slice %arg6[%dma_start3A_671, %dma_start3A_672, %dma_start3A_673] : memref<4x200x16xf32, #tpu.memory_space<vmem>> -> memref<1x40x16xf32, #tpu.memory_space<vmem>>
        %dma_start3A_675 = tpu.memref_squeeze %dma_start3A_674 : memref<1x40x16xf32, #tpu.memory_space<vmem>> -> memref<40x16xf32, #tpu.memory_space<vmem>>
        %dma_start3A_676 = arith.constant 0 : i32
        %dma_start3A_677 = tpu.memref_slice %arg5[%add3A_621, %dma_start3A_670, %dma_start3A_676] : memref<128x5x40xi32, #tpu.memory_space<vmem>> -> memref<1x1x40xi32, #tpu.memory_space<vmem>>
        %dma_start3A_678 = tpu.memref_squeeze %dma_start3A_677 : memref<1x1x40xi32, #tpu.memory_space<vmem>> -> memref<40xi32, #tpu.memory_space<vmem>>
        %dma_start3A_679 = arith.constant 0 : i32
        %dma_start3A_680 = arith.constant 0 : i32
        %dma_start3A_681 = tpu.memref_slice %arg3[%dma_start3A_679, %dma_start3A_680] : memref<1015808x16xf32, #tpu.memory_space<hbm>> -> memref<1015808x16xf32, #tpu.memory_space<hbm>>
        tpu.enqueue_indirect_dma source(%dma_start3A_681 : memref<1015808x16xf32, #tpu.memory_space<hbm>>) target(%dma_start3A_675 : memref<40x16xf32, #tpu.memory_space<vmem>>) offsets(%dma_start3A_678 : memref<40xi32, #tpu.memory_space<vmem>>) semaphore(%arg8 : memref<!tpu.dma_semaphore, #tpu.memory_space<semaphore_mem>>)
      } else {
      }
      %mul3A_445 = arith.constant 4 : i32
      %mul3A_446 = arith.muli %scan3A_274, %mul3A_445 : i32
      %add3A_447 = arith.constant 2 : i32
      %add3A_448 = arith.addi %mul3A_446, %add3A_447 : i32
      %dma_wait3A_449 = arith.constant 0 : i32
      %dma_wait3A_450 = arith.constant 2 : i32
      %dma_wait3A_451 = arith.constant 0 : i32
      %dma_wait3A_452 = arith.constant 0 : i32
      %dma_wait3A_453 = tpu.memref_slice %arg6[%dma_wait3A_450, %dma_wait3A_451, %dma_wait3A_452] : memref<4x200x16xf32, #tpu.memory_space<vmem>> -> memref<1x40x16xf32, #tpu.memory_space<vmem>>
      %dma_wait3A_454 = tpu.memref_squeeze %dma_wait3A_453 : memref<1x40x16xf32, #tpu.memory_space<vmem>> -> memref<40x16xf32, #tpu.memory_space<vmem>>
      %dma_wait3A_455 = arith.constant 0 : i32
      %dma_wait3A_456 = tpu.memref_slice %arg5[%add3A_448, %dma_wait3A_449, %dma_wait3A_455] : memref<128x5x40xi32, #tpu.memory_space<vmem>> -> memref<1x1x40xi32, #tpu.memory_space<vmem>>
      %dma_wait3A_457 = tpu.memref_squeeze %dma_wait3A_456 : memref<1x1x40xi32, #tpu.memory_space<vmem>> -> memref<40xi32, #tpu.memory_space<vmem>>
      %dma_wait3A_458 = arith.constant 0 : i32
      %dma_wait3A_459 = arith.constant 0 : i32
      %dma_wait3A_460 = tpu.memref_slice %arg3[%dma_wait3A_458, %dma_wait3A_459] : memref<1015808x16xf32, #tpu.memory_space<hbm>> -> memref<1015808x16xf32, #tpu.memory_space<hbm>>
      tpu.wait_indirect_dma semaphore(%arg8 : memref<!tpu.dma_semaphore, #tpu.memory_space<semaphore_mem>>) src(%dma_wait3A_460 : memref<1015808x16xf32, #tpu.memory_space<hbm>>) dst(%dma_wait3A_454 : memref<40x16xf32, #tpu.memory_space<vmem>>)
      %dma_wait3A_461 = arith.constant 1 : i32
      %dma_wait3A_462 = arith.constant 2 : i32
      %dma_wait3A_463 = arith.constant 40 : i32
      %dma_wait3A_464 = arith.constant 0 : i32
      %dma_wait3A_465 = tpu.memref_slice %arg6[%dma_wait3A_462, %dma_wait3A_463, %dma_wait3A_464] : memref<4x200x16xf32, #tpu.memory_space<vmem>> -> memref<1x40x16xf32, #tpu.memory_space<vmem>>
      %dma_wait3A_466 = tpu.memref_squeeze %dma_wait3A_465 : memref<1x40x16xf32, #tpu.memory_space<vmem>> -> memref<40x16xf32, #tpu.memory_space<vmem>>
      %dma_wait3A_467 = arith.constant 0 : i32
      %dma_wait3A_468 = tpu.memref_slice %arg5[%add3A_448, %dma_wait3A_461, %dma_wait3A_467] : memref<128x5x40xi32, #tpu.memory_space<vmem>> -> memref<1x1x40xi32, #tpu.memory_space<vmem>>
      %dma_wait3A_469 = tpu.memref_squeeze %dma_wait3A_468 : memref<1x1x40xi32, #tpu.memory_space<vmem>> -> memref<40xi32, #tpu.memory_space<vmem>>
      %dma_wait3A_470 = arith.constant 0 : i32
      %dma_wait3A_471 = arith.constant 0 : i32
      %dma_wait3A_472 = tpu.memref_slice %arg3[%dma_wait3A_470, %dma_wait3A_471] : memref<1015808x16xf32, #tpu.memory_space<hbm>> -> memref<1015808x16xf32, #tpu.memory_space<hbm>>
      tpu.wait_indirect_dma semaphore(%arg8 : memref<!tpu.dma_semaphore, #tpu.memory_space<semaphore_mem>>) src(%dma_wait3A_472 : memref<1015808x16xf32, #tpu.memory_space<hbm>>) dst(%dma_wait3A_466 : memref<40x16xf32, #tpu.memory_space<vmem>>)
      %dma_wait3A_473 = arith.constant 2 : i32
      %dma_wait3A_474 = arith.constant 2 : i32
      %dma_wait3A_475 = arith.constant 80 : i32
      %dma_wait3A_476 = arith.constant 0 : i32
      %dma_wait3A_477 = tpu.memref_slice %arg6[%dma_wait3A_474, %dma_wait3A_475, %dma_wait3A_476] : memref<4x200x16xf32, #tpu.memory_space<vmem>> -> memref<1x40x16xf32, #tpu.memory_space<vmem>>
      %dma_wait3A_478 = tpu.memref_squeeze %dma_wait3A_477 : memref<1x40x16xf32, #tpu.memory_space<vmem>> -> memref<40x16xf32, #tpu.memory_space<vmem>>
      %dma_wait3A_479 = arith.constant 0 : i32
      %dma_wait3A_480 = tpu.memref_slice %arg5[%add3A_448, %dma_wait3A_473, %dma_wait3A_479] : memref<128x5x40xi32, #tpu.memory_space<vmem>> -> memref<1x1x40xi32, #tpu.memory_space<vmem>>
      %dma_wait3A_481 = tpu.memref_squeeze %dma_wait3A_480 : memref<1x1x40xi32, #tpu.memory_space<vmem>> -> memref<40xi32, #tpu.memory_space<vmem>>
      %dma_wait3A_482 = arith.constant 0 : i32
      %dma_wait3A_483 = arith.constant 0 : i32
      %dma_wait3A_484 = tpu.memref_slice %arg3[%dma_wait3A_482, %dma_wait3A_483] : memref<1015808x16xf32, #tpu.memory_space<hbm>> -> memref<1015808x16xf32, #tpu.memory_space<hbm>>
      tpu.wait_indirect_dma semaphore(%arg8 : memref<!tpu.dma_semaphore, #tpu.memory_space<semaphore_mem>>) src(%dma_wait3A_484 : memref<1015808x16xf32, #tpu.memory_space<hbm>>) dst(%dma_wait3A_478 : memref<40x16xf32, #tpu.memory_space<vmem>>)
      %dma_wait3A_485 = arith.constant 3 : i32
      %dma_wait3A_486 = arith.constant 2 : i32
      %dma_wait3A_487 = arith.constant 120 : i32
      %dma_wait3A_488 = arith.constant 0 : i32
      %dma_wait3A_489 = tpu.memref_slice %arg6[%dma_wait3A_486, %dma_wait3A_487, %dma_wait3A_488] : memref<4x200x16xf32, #tpu.memory_space<vmem>> -> memref<1x40x16xf32, #tpu.memory_space<vmem>>
      %dma_wait3A_490 = tpu.memref_squeeze %dma_wait3A_489 : memref<1x40x16xf32, #tpu.memory_space<vmem>> -> memref<40x16xf32, #tpu.memory_space<vmem>>
      %dma_wait3A_491 = arith.constant 0 : i32
      %dma_wait3A_492 = tpu.memref_slice %arg5[%add3A_448, %dma_wait3A_485, %dma_wait3A_491] : memref<128x5x40xi32, #tpu.memory_space<vmem>> -> memref<1x1x40xi32, #tpu.memory_space<vmem>>
      %dma_wait3A_493 = tpu.memref_squeeze %dma_wait3A_492 : memref<1x1x40xi32, #tpu.memory_space<vmem>> -> memref<40xi32, #tpu.memory_space<vmem>>
      %dma_wait3A_494 = arith.constant 0 : i32
      %dma_wait3A_495 = arith.constant 0 : i32
      %dma_wait3A_496 = tpu.memref_slice %arg3[%dma_wait3A_494, %dma_wait3A_495] : memref<1015808x16xf32, #tpu.memory_space<hbm>> -> memref<1015808x16xf32, #tpu.memory_space<hbm>>
      tpu.wait_indirect_dma semaphore(%arg8 : memref<!tpu.dma_semaphore, #tpu.memory_space<semaphore_mem>>) src(%dma_wait3A_496 : memref<1015808x16xf32, #tpu.memory_space<hbm>>) dst(%dma_wait3A_490 : memref<40x16xf32, #tpu.memory_space<vmem>>)
      %dma_wait3A_497 = arith.constant 4 : i32
      %dma_wait3A_498 = arith.constant 2 : i32
      %dma_wait3A_499 = arith.constant 160 : i32
      %dma_wait3A_500 = arith.constant 0 : i32
      %dma_wait3A_501 = tpu.memref_slice %arg6[%dma_wait3A_498, %dma_wait3A_499, %dma_wait3A_500] : memref<4x200x16xf32, #tpu.memory_space<vmem>> -> memref<1x40x16xf32, #tpu.memory_space<vmem>>
      %dma_wait3A_502 = tpu.memref_squeeze %dma_wait3A_501 : memref<1x40x16xf32, #tpu.memory_space<vmem>> -> memref<40x16xf32, #tpu.memory_space<vmem>>
      %dma_wait3A_503 = arith.constant 0 : i32
      %dma_wait3A_504 = tpu.memref_slice %arg5[%add3A_448, %dma_wait3A_497, %dma_wait3A_503] : memref<128x5x40xi32, #tpu.memory_space<vmem>> -> memref<1x1x40xi32, #tpu.memory_space<vmem>>
      %dma_wait3A_505 = tpu.memref_squeeze %dma_wait3A_504 : memref<1x1x40xi32, #tpu.memory_space<vmem>> -> memref<40xi32, #tpu.memory_space<vmem>>
      %dma_wait3A_506 = arith.constant 0 : i32
      %dma_wait3A_507 = arith.constant 0 : i32
      %dma_wait3A_508 = tpu.memref_slice %arg3[%dma_wait3A_506, %dma_wait3A_507] : memref<1015808x16xf32, #tpu.memory_space<hbm>> -> memref<1015808x16xf32, #tpu.memory_space<hbm>>
      tpu.wait_indirect_dma semaphore(%arg8 : memref<!tpu.dma_semaphore, #tpu.memory_space<semaphore_mem>>) src(%dma_wait3A_508 : memref<1015808x16xf32, #tpu.memory_space<hbm>>) dst(%dma_wait3A_502 : memref<40x16xf32, #tpu.memory_space<vmem>>)
      %scan3A_509 = arith.constant 0 : i32
      %scan3A_510 = arith.constant 200 : i32
      %scan3A_511 = arith.addi %scan3A_509, %scan3A_510 : i32
      %scan3A_512 = arith.constant 8 : i32
      %scan3A_513:2 = scf.for %scan3A_620 = %scan3A_509 to %scan3A_511 step %scan3A_512 iter_args(%scan3A_621 = %broadcast_in_dim3A_266, %scan3A_622 = %broadcast_in_dim3A_266) -> (vector<16xf32>, vector<16xf32>)  : i32 {
        %get3A = arith.constant 2 : i32
        %get3A_623 = arith.index_cast %get3A : i32 to index
        %get3A_624 = arith.index_cast %scan3A_620 : i32 to index
        %get3A_625 = arith.constant 0 : index
        %get3A_626 = tpu.vector_load %arg6[%get3A_623, %get3A_624, %get3A_625] {strides = array<i32>} : memref<4x200x16xf32, #tpu.memory_space<vmem>>, vector<16xf32>,
        %bitcast3A = vector.bitcast %get3A_626 : vector<16xf32> to vector<32xbf16>
        %unpack3A = tpu.unpack_subelements %bitcast3A, 0 {pack_format = #tpu.pack_format<interleaved>} : vector<32xbf16> -> vector<16xf32>
        %unpack3A_627 = tpu.unpack_subelements %bitcast3A, 1 {pack_format = #tpu.pack_format<interleaved>} : vector<32xbf16> -> vector<16xf32>
        %add3A_628 = arith.addf %scan3A_621, %unpack3A : vector<16xf32>
        %add3A_629 = arith.addf %scan3A_622, %unpack3A_627 : vector<16xf32>
        %scan3A_630 = arith.constant 1 : i32
        %scan3A_631 = arith.addi %scan3A_620, %scan3A_630 : i32
        %get3A_632 = arith.constant 2 : i32
        %get3A_633 = arith.index_cast %get3A_632 : i32 to index
        %get3A_634 = arith.index_cast %scan3A_631 : i32 to index
        %get3A_635 = arith.constant 0 : index
        %get3A_636 = tpu.vector_load %arg6[%get3A_633, %get3A_634, %get3A_635] {strides = array<i32>} : memref<4x200x16xf32, #tpu.memory_space<vmem>>, vector<16xf32>,
        %bitcast3A_637 = vector.bitcast %get3A_636 : vector<16xf32> to vector<32xbf16>
        %unpack3A_638 = tpu.unpack_subelements %bitcast3A_637, 0 {pack_format = #tpu.pack_format<interleaved>} : vector<32xbf16> -> vector<16xf32>
        %unpack3A_639 = tpu.unpack_subelements %bitcast3A_637, 1 {pack_format = #tpu.pack_format<interleaved>} : vector<32xbf16> -> vector<16xf32>
        %add3A_640 = arith.addf %add3A_628, %unpack3A_638 : vector<16xf32>
        %add3A_641 = arith.addf %add3A_629, %unpack3A_639 : vector<16xf32>
        %scan3A_642 = arith.constant 2 : i32
        %scan3A_643 = arith.addi %scan3A_620, %scan3A_642 : i32
        %get3A_644 = arith.constant 2 : i32
        %get3A_645 = arith.index_cast %get3A_644 : i32 to index
        %get3A_646 = arith.index_cast %scan3A_643 : i32 to index
        %get3A_647 = arith.constant 0 : index
        %get3A_648 = tpu.vector_load %arg6[%get3A_645, %get3A_646, %get3A_647] {strides = array<i32>} : memref<4x200x16xf32, #tpu.memory_space<vmem>>, vector<16xf32>,
        %bitcast3A_649 = vector.bitcast %get3A_648 : vector<16xf32> to vector<32xbf16>
        %unpack3A_650 = tpu.unpack_subelements %bitcast3A_649, 0 {pack_format = #tpu.pack_format<interleaved>} : vector<32xbf16> -> vector<16xf32>
        %unpack3A_651 = tpu.unpack_subelements %bitcast3A_649, 1 {pack_format = #tpu.pack_format<interleaved>} : vector<32xbf16> -> vector<16xf32>
        %add3A_652 = arith.addf %add3A_640, %unpack3A_650 : vector<16xf32>
        %add3A_653 = arith.addf %add3A_641, %unpack3A_651 : vector<16xf32>
        %scan3A_654 = arith.constant 3 : i32
        %scan3A_655 = arith.addi %scan3A_620, %scan3A_654 : i32
        %get3A_656 = arith.constant 2 : i32
        %get3A_657 = arith.index_cast %get3A_656 : i32 to index
        %get3A_658 = arith.index_cast %scan3A_655 : i32 to index
        %get3A_659 = arith.constant 0 : index
        %get3A_660 = tpu.vector_load %arg6[%get3A_657, %get3A_658, %get3A_659] {strides = array<i32>} : memref<4x200x16xf32, #tpu.memory_space<vmem>>, vector<16xf32>,
        %bitcast3A_661 = vector.bitcast %get3A_660 : vector<16xf32> to vector<32xbf16>
        %unpack3A_662 = tpu.unpack_subelements %bitcast3A_661, 0 {pack_format = #tpu.pack_format<interleaved>} : vector<32xbf16> -> vector<16xf32>
        %unpack3A_663 = tpu.unpack_subelements %bitcast3A_661, 1 {pack_format = #tpu.pack_format<interleaved>} : vector<32xbf16> -> vector<16xf32>
        %add3A_664 = arith.addf %add3A_652, %unpack3A_662 : vector<16xf32>
        %add3A_665 = arith.addf %add3A_653, %unpack3A_663 : vector<16xf32>
        %scan3A_666 = arith.constant 4 : i32
        %scan3A_667 = arith.addi %scan3A_620, %scan3A_666 : i32
        %get3A_668 = arith.constant 2 : i32
        %get3A_669 = arith.index_cast %get3A_668 : i32 to index
        %get3A_670 = arith.index_cast %scan3A_667 : i32 to index
        %get3A_671 = arith.constant 0 : index
        %get3A_672 = tpu.vector_load %arg6[%get3A_669, %get3A_670, %get3A_671] {strides = array<i32>} : memref<4x200x16xf32, #tpu.memory_space<vmem>>, vector<16xf32>,
        %bitcast3A_673 = vector.bitcast %get3A_672 : vector<16xf32> to vector<32xbf16>
        %unpack3A_674 = tpu.unpack_subelements %bitcast3A_673, 0 {pack_format = #tpu.pack_format<interleaved>} : vector<32xbf16> -> vector<16xf32>
        %unpack3A_675 = tpu.unpack_subelements %bitcast3A_673, 1 {pack_format = #tpu.pack_format<interleaved>} : vector<32xbf16> -> vector<16xf32>
        %add3A_676 = arith.addf %add3A_664, %unpack3A_674 : vector<16xf32>
        %add3A_677 = arith.addf %add3A_665, %unpack3A_675 : vector<16xf32>
        %scan3A_678 = arith.constant 5 : i32
        %scan3A_679 = arith.addi %scan3A_620, %scan3A_678 : i32
        %get3A_680 = arith.constant 2 : i32
        %get3A_681 = arith.index_cast %get3A_680 : i32 to index
        %get3A_682 = arith.index_cast %scan3A_679 : i32 to index
        %get3A_683 = arith.constant 0 : index
        %get3A_684 = tpu.vector_load %arg6[%get3A_681, %get3A_682, %get3A_683] {strides = array<i32>} : memref<4x200x16xf32, #tpu.memory_space<vmem>>, vector<16xf32>,
        %bitcast3A_685 = vector.bitcast %get3A_684 : vector<16xf32> to vector<32xbf16>
        %unpack3A_686 = tpu.unpack_subelements %bitcast3A_685, 0 {pack_format = #tpu.pack_format<interleaved>} : vector<32xbf16> -> vector<16xf32>
        %unpack3A_687 = tpu.unpack_subelements %bitcast3A_685, 1 {pack_format = #tpu.pack_format<interleaved>} : vector<32xbf16> -> vector<16xf32>
        %add3A_688 = arith.addf %add3A_676, %unpack3A_686 : vector<16xf32>
        %add3A_689 = arith.addf %add3A_677, %unpack3A_687 : vector<16xf32>
        %scan3A_690 = arith.constant 6 : i32
        %scan3A_691 = arith.addi %scan3A_620, %scan3A_690 : i32
        %get3A_692 = arith.constant 2 : i32
        %get3A_693 = arith.index_cast %get3A_692 : i32 to index
        %get3A_694 = arith.index_cast %scan3A_691 : i32 to index
        %get3A_695 = arith.constant 0 : index
        %get3A_696 = tpu.vector_load %arg6[%get3A_693, %get3A_694, %get3A_695] {strides = array<i32>} : memref<4x200x16xf32, #tpu.memory_space<vmem>>, vector<16xf32>,
        %bitcast3A_697 = vector.bitcast %get3A_696 : vector<16xf32> to vector<32xbf16>
        %unpack3A_698 = tpu.unpack_subelements %bitcast3A_697, 0 {pack_format = #tpu.pack_format<interleaved>} : vector<32xbf16> -> vector<16xf32>
        %unpack3A_699 = tpu.unpack_subelements %bitcast3A_697, 1 {pack_format = #tpu.pack_format<interleaved>} : vector<32xbf16> -> vector<16xf32>
        %add3A_700 = arith.addf %add3A_688, %unpack3A_698 : vector<16xf32>
        %add3A_701 = arith.addf %add3A_689, %unpack3A_699 : vector<16xf32>
        %scan3A_702 = arith.constant 7 : i32
        %scan3A_703 = arith.addi %scan3A_620, %scan3A_702 : i32
        %get3A_704 = arith.constant 2 : i32
        %get3A_705 = arith.index_cast %get3A_704 : i32 to index
        %get3A_706 = arith.index_cast %scan3A_703 : i32 to index
        %get3A_707 = arith.constant 0 : index
        %get3A_708 = tpu.vector_load %arg6[%get3A_705, %get3A_706, %get3A_707] {strides = array<i32>} : memref<4x200x16xf32, #tpu.memory_space<vmem>>, vector<16xf32>,
        %bitcast3A_709 = vector.bitcast %get3A_708 : vector<16xf32> to vector<32xbf16>
        %unpack3A_710 = tpu.unpack_subelements %bitcast3A_709, 0 {pack_format = #tpu.pack_format<interleaved>} : vector<32xbf16> -> vector<16xf32>
        %unpack3A_711 = tpu.unpack_subelements %bitcast3A_709, 1 {pack_format = #tpu.pack_format<interleaved>} : vector<32xbf16> -> vector<16xf32>
        %add3A_712 = arith.addf %add3A_700, %unpack3A_710 : vector<16xf32>
        %add3A_713 = arith.addf %add3A_701, %unpack3A_711 : vector<16xf32>
        scf.yield %add3A_712, %add3A_713 : vector<16xf32>, vector<16xf32>
      }
      %scan3A_514 = arith.constant 200 : i32
      %mul3A_515 = vector.broadcast %scan3A : f32 to vector<16xf32>
      %mul3A_516 = arith.mulf %scan3A_513#0, %mul3A_515 : vector<16xf32>
      %swap3A_517 = arith.index_cast %add3A_448 : i32 to index
      %swap3A_518 = arith.constant 0 : index
      %swap3A_519 = tpu.vector_load %arg7[%swap3A_517, %swap3A_518] {strides = array<i32>} : memref<128x32xf32, #tpu.memory_space<vmem>>, vector<16xf32>,
      tpu.vector_store %arg7[%swap3A_517, %swap3A_518], %mul3A_516 {strides = array<i32>} : memref<128x32xf32, #tpu.memory_space<vmem>>, vector<16xf32>,
      %mul3A_520 = vector.broadcast %scan3A : f32 to vector<16xf32>
      %mul3A_521 = arith.mulf %scan3A_513#1, %mul3A_520 : vector<16xf32>
      %swap3A_522 = arith.index_cast %add3A_448 : i32 to index
      %swap3A_523 = arith.constant 16 : index
      %swap3A_524 = tpu.vector_load %arg7[%swap3A_522, %swap3A_523] {strides = array<i32>} : memref<128x32xf32, #tpu.memory_space<vmem>>, vector<16xf32>,
      tpu.vector_store %arg7[%swap3A_522, %swap3A_523], %mul3A_521 {strides = array<i32>} : memref<128x32xf32, #tpu.memory_space<vmem>>, vector<16xf32>,
      %add3A_525 = arith.constant 4 : i32
      %add3A_526 = arith.addi %add3A_448, %add3A_525 : i32
      %lt3A_527 = arith.constant 128 : i32
      %lt3A_528 = arith.cmpi slt, %add3A_526, %lt3A_527 : i32
      %convert_element_type3A_529 = arith.extui %lt3A_528 : i1 to i32
      %cond3A_530 = arith.constant 0 : i32
      %cond3A_531 = arith.cmpi ne, %convert_element_type3A_529, %cond3A_530 : i32
      scf.if %cond3A_531 {
        %add3A_620 = arith.constant 4 : i32
        %add3A_621 = arith.addi %add3A_448, %add3A_620 : i32
        %dma_start3A_622 = arith.constant 0 : i32
        %dma_start3A_623 = arith.constant 2 : i32
        %dma_start3A_624 = arith.constant 0 : i32
        %dma_start3A_625 = arith.constant 0 : i32
        %dma_start3A_626 = tpu.memref_slice %arg6[%dma_start3A_623, %dma_start3A_624, %dma_start3A_625] : memref<4x200x16xf32, #tpu.memory_space<vmem>> -> memref<1x40x16xf32, #tpu.memory_space<vmem>>
        %dma_start3A_627 = tpu.memref_squeeze %dma_start3A_626 : memref<1x40x16xf32, #tpu.memory_space<vmem>> -> memref<40x16xf32, #tpu.memory_space<vmem>>
        %dma_start3A_628 = arith.constant 0 : i32
        %dma_start3A_629 = tpu.memref_slice %arg5[%add3A_621, %dma_start3A_622, %dma_start3A_628] : memref<128x5x40xi32, #tpu.memory_space<vmem>> -> memref<1x1x40xi32, #tpu.memory_space<vmem>>
        %dma_start3A_630 = tpu.memref_squeeze %dma_start3A_629 : memref<1x1x40xi32, #tpu.memory_space<vmem>> -> memref<40xi32, #tpu.memory_space<vmem>>
        %dma_start3A_631 = arith.constant 0 : i32
        %dma_start3A_632 = arith.constant 0 : i32
        %dma_start3A_633 = tpu.memref_slice %arg3[%dma_start3A_631, %dma_start3A_632] : memref<1015808x16xf32, #tpu.memory_space<hbm>> -> memref<1015808x16xf32, #tpu.memory_space<hbm>>
        tpu.enqueue_indirect_dma source(%dma_start3A_633 : memref<1015808x16xf32, #tpu.memory_space<hbm>>) target(%dma_start3A_627 : memref<40x16xf32, #tpu.memory_space<vmem>>) offsets(%dma_start3A_630 : memref<40xi32, #tpu.memory_space<vmem>>) semaphore(%arg8 : memref<!tpu.dma_semaphore, #tpu.memory_space<semaphore_mem>>)
        %dma_start3A_634 = arith.constant 1 : i32
        %dma_start3A_635 = arith.constant 2 : i32
        %dma_start3A_636 = arith.constant 40 : i32
        %dma_start3A_637 = arith.constant 0 : i32
        %dma_start3A_638 = tpu.memref_slice %arg6[%dma_start3A_635, %dma_start3A_636, %dma_start3A_637] : memref<4x200x16xf32, #tpu.memory_space<vmem>> -> memref<1x40x16xf32, #tpu.memory_space<vmem>>
        %dma_start3A_639 = tpu.memref_squeeze %dma_start3A_638 : memref<1x40x16xf32, #tpu.memory_space<vmem>> -> memref<40x16xf32, #tpu.memory_space<vmem>>
        %dma_start3A_640 = arith.constant 0 : i32
        %dma_start3A_641 = tpu.memref_slice %arg5[%add3A_621, %dma_start3A_634, %dma_start3A_640] : memref<128x5x40xi32, #tpu.memory_space<vmem>> -> memref<1x1x40xi32, #tpu.memory_space<vmem>>
        %dma_start3A_642 = tpu.memref_squeeze %dma_start3A_641 : memref<1x1x40xi32, #tpu.memory_space<vmem>> -> memref<40xi32, #tpu.memory_space<vmem>>
        %dma_start3A_643 = arith.constant 0 : i32
        %dma_start3A_644 = arith.constant 0 : i32
        %dma_start3A_645 = tpu.memref_slice %arg3[%dma_start3A_643, %dma_start3A_644] : memref<1015808x16xf32, #tpu.memory_space<hbm>> -> memref<1015808x16xf32, #tpu.memory_space<hbm>>
        tpu.enqueue_indirect_dma source(%dma_start3A_645 : memref<1015808x16xf32, #tpu.memory_space<hbm>>) target(%dma_start3A_639 : memref<40x16xf32, #tpu.memory_space<vmem>>) offsets(%dma_start3A_642 : memref<40xi32, #tpu.memory_space<vmem>>) semaphore(%arg8 : memref<!tpu.dma_semaphore, #tpu.memory_space<semaphore_mem>>)
        %dma_start3A_646 = arith.constant 2 : i32
        %dma_start3A_647 = arith.constant 2 : i32
        %dma_start3A_648 = arith.constant 80 : i32
        %dma_start3A_649 = arith.constant 0 : i32
        %dma_start3A_650 = tpu.memref_slice %arg6[%dma_start3A_647, %dma_start3A_648, %dma_start3A_649] : memref<4x200x16xf32, #tpu.memory_space<vmem>> -> memref<1x40x16xf32, #tpu.memory_space<vmem>>
        %dma_start3A_651 = tpu.memref_squeeze %dma_start3A_650 : memref<1x40x16xf32, #tpu.memory_space<vmem>> -> memref<40x16xf32, #tpu.memory_space<vmem>>
        %dma_start3A_652 = arith.constant 0 : i32
        %dma_start3A_653 = tpu.memref_slice %arg5[%add3A_621, %dma_start3A_646, %dma_start3A_652] : memref<128x5x40xi32, #tpu.memory_space<vmem>> -> memref<1x1x40xi32, #tpu.memory_space<vmem>>
        %dma_start3A_654 = tpu.memref_squeeze %dma_start3A_653 : memref<1x1x40xi32, #tpu.memory_space<vmem>> -> memref<40xi32, #tpu.memory_space<vmem>>
        %dma_start3A_655 = arith.constant 0 : i32
        %dma_start3A_656 = arith.constant 0 : i32
        %dma_start3A_657 = tpu.memref_slice %arg3[%dma_start3A_655, %dma_start3A_656] : memref<1015808x16xf32, #tpu.memory_space<hbm>> -> memref<1015808x16xf32, #tpu.memory_space<hbm>>
        tpu.enqueue_indirect_dma source(%dma_start3A_657 : memref<1015808x16xf32, #tpu.memory_space<hbm>>) target(%dma_start3A_651 : memref<40x16xf32, #tpu.memory_space<vmem>>) offsets(%dma_start3A_654 : memref<40xi32, #tpu.memory_space<vmem>>) semaphore(%arg8 : memref<!tpu.dma_semaphore, #tpu.memory_space<semaphore_mem>>)
        %dma_start3A_658 = arith.constant 3 : i32
        %dma_start3A_659 = arith.constant 2 : i32
        %dma_start3A_660 = arith.constant 120 : i32
        %dma_start3A_661 = arith.constant 0 : i32
        %dma_start3A_662 = tpu.memref_slice %arg6[%dma_start3A_659, %dma_start3A_660, %dma_start3A_661] : memref<4x200x16xf32, #tpu.memory_space<vmem>> -> memref<1x40x16xf32, #tpu.memory_space<vmem>>
        %dma_start3A_663 = tpu.memref_squeeze %dma_start3A_662 : memref<1x40x16xf32, #tpu.memory_space<vmem>> -> memref<40x16xf32, #tpu.memory_space<vmem>>
        %dma_start3A_664 = arith.constant 0 : i32
        %dma_start3A_665 = tpu.memref_slice %arg5[%add3A_621, %dma_start3A_658, %dma_start3A_664] : memref<128x5x40xi32, #tpu.memory_space<vmem>> -> memref<1x1x40xi32, #tpu.memory_space<vmem>>
        %dma_start3A_666 = tpu.memref_squeeze %dma_start3A_665 : memref<1x1x40xi32, #tpu.memory_space<vmem>> -> memref<40xi32, #tpu.memory_space<vmem>>
        %dma_start3A_667 = arith.constant 0 : i32
        %dma_start3A_668 = arith.constant 0 : i32
        %dma_start3A_669 = tpu.memref_slice %arg3[%dma_start3A_667, %dma_start3A_668] : memref<1015808x16xf32, #tpu.memory_space<hbm>> -> memref<1015808x16xf32, #tpu.memory_space<hbm>>
        tpu.enqueue_indirect_dma source(%dma_start3A_669 : memref<1015808x16xf32, #tpu.memory_space<hbm>>) target(%dma_start3A_663 : memref<40x16xf32, #tpu.memory_space<vmem>>) offsets(%dma_start3A_666 : memref<40xi32, #tpu.memory_space<vmem>>) semaphore(%arg8 : memref<!tpu.dma_semaphore, #tpu.memory_space<semaphore_mem>>)
        %dma_start3A_670 = arith.constant 4 : i32
        %dma_start3A_671 = arith.constant 2 : i32
        %dma_start3A_672 = arith.constant 160 : i32
        %dma_start3A_673 = arith.constant 0 : i32
        %dma_start3A_674 = tpu.memref_slice %arg6[%dma_start3A_671, %dma_start3A_672, %dma_start3A_673] : memref<4x200x16xf32, #tpu.memory_space<vmem>> -> memref<1x40x16xf32, #tpu.memory_space<vmem>>
        %dma_start3A_675 = tpu.memref_squeeze %dma_start3A_674 : memref<1x40x16xf32, #tpu.memory_space<vmem>> -> memref<40x16xf32, #tpu.memory_space<vmem>>
        %dma_start3A_676 = arith.constant 0 : i32
        %dma_start3A_677 = tpu.memref_slice %arg5[%add3A_621, %dma_start3A_670, %dma_start3A_676] : memref<128x5x40xi32, #tpu.memory_space<vmem>> -> memref<1x1x40xi32, #tpu.memory_space<vmem>>
        %dma_start3A_678 = tpu.memref_squeeze %dma_start3A_677 : memref<1x1x40xi32, #tpu.memory_space<vmem>> -> memref<40xi32, #tpu.memory_space<vmem>>
        %dma_start3A_679 = arith.constant 0 : i32
        %dma_start3A_680 = arith.constant 0 : i32
        %dma_start3A_681 = tpu.memref_slice %arg3[%dma_start3A_679, %dma_start3A_680] : memref<1015808x16xf32, #tpu.memory_space<hbm>> -> memref<1015808x16xf32, #tpu.memory_space<hbm>>
        tpu.enqueue_indirect_dma source(%dma_start3A_681 : memref<1015808x16xf32, #tpu.memory_space<hbm>>) target(%dma_start3A_675 : memref<40x16xf32, #tpu.memory_space<vmem>>) offsets(%dma_start3A_678 : memref<40xi32, #tpu.memory_space<vmem>>) semaphore(%arg8 : memref<!tpu.dma_semaphore, #tpu.memory_space<semaphore_mem>>)
      } else {
      }
      %mul3A_532 = arith.constant 4 : i32
      %mul3A_533 = arith.muli %scan3A_274, %mul3A_532 : i32
      %add3A_534 = arith.constant 3 : i32
      %add3A_535 = arith.addi %mul3A_533, %add3A_534 : i32
      %dma_wait3A_536 = arith.constant 0 : i32
      %dma_wait3A_537 = arith.constant 3 : i32
      %dma_wait3A_538 = arith.constant 0 : i32
      %dma_wait3A_539 = arith.constant 0 : i32
      %dma_wait3A_540 = tpu.memref_slice %arg6[%dma_wait3A_537, %dma_wait3A_538, %dma_wait3A_539] : memref<4x200x16xf32, #tpu.memory_space<vmem>> -> memref<1x40x16xf32, #tpu.memory_space<vmem>>
      %dma_wait3A_541 = tpu.memref_squeeze %dma_wait3A_540 : memref<1x40x16xf32, #tpu.memory_space<vmem>> -> memref<40x16xf32, #tpu.memory_space<vmem>>
      %dma_wait3A_542 = arith.constant 0 : i32
      %dma_wait3A_543 = tpu.memref_slice %arg5[%add3A_535, %dma_wait3A_536, %dma_wait3A_542] : memref<128x5x40xi32, #tpu.memory_space<vmem>> -> memref<1x1x40xi32, #tpu.memory_space<vmem>>
      %dma_wait3A_544 = tpu.memref_squeeze %dma_wait3A_543 : memref<1x1x40xi32, #tpu.memory_space<vmem>> -> memref<40xi32, #tpu.memory_space<vmem>>
      %dma_wait3A_545 = arith.constant 0 : i32
      %dma_wait3A_546 = arith.constant 0 : i32
      %dma_wait3A_547 = tpu.memref_slice %arg3[%dma_wait3A_545, %dma_wait3A_546] : memref<1015808x16xf32, #tpu.memory_space<hbm>> -> memref<1015808x16xf32, #tpu.memory_space<hbm>>
      tpu.wait_indirect_dma semaphore(%arg8 : memref<!tpu.dma_semaphore, #tpu.memory_space<semaphore_mem>>) src(%dma_wait3A_547 : memref<1015808x16xf32, #tpu.memory_space<hbm>>) dst(%dma_wait3A_541 : memref<40x16xf32, #tpu.memory_space<vmem>>)
      %dma_wait3A_548 = arith.constant 1 : i32
      %dma_wait3A_549 = arith.constant 3 : i32
      %dma_wait3A_550 = arith.constant 40 : i32
      %dma_wait3A_551 = arith.constant 0 : i32
      %dma_wait3A_552 = tpu.memref_slice %arg6[%dma_wait3A_549, %dma_wait3A_550, %dma_wait3A_551] : memref<4x200x16xf32, #tpu.memory_space<vmem>> -> memref<1x40x16xf32, #tpu.memory_space<vmem>>
      %dma_wait3A_553 = tpu.memref_squeeze %dma_wait3A_552 : memref<1x40x16xf32, #tpu.memory_space<vmem>> -> memref<40x16xf32, #tpu.memory_space<vmem>>
      %dma_wait3A_554 = arith.constant 0 : i32
      %dma_wait3A_555 = tpu.memref_slice %arg5[%add3A_535, %dma_wait3A_548, %dma_wait3A_554] : memref<128x5x40xi32, #tpu.memory_space<vmem>> -> memref<1x1x40xi32, #tpu.memory_space<vmem>>
      %dma_wait3A_556 = tpu.memref_squeeze %dma_wait3A_555 : memref<1x1x40xi32, #tpu.memory_space<vmem>> -> memref<40xi32, #tpu.memory_space<vmem>>
      %dma_wait3A_557 = arith.constant 0 : i32
      %dma_wait3A_558 = arith.constant 0 : i32
      %dma_wait3A_559 = tpu.memref_slice %arg3[%dma_wait3A_557, %dma_wait3A_558] : memref<1015808x16xf32, #tpu.memory_space<hbm>> -> memref<1015808x16xf32, #tpu.memory_space<hbm>>
      tpu.wait_indirect_dma semaphore(%arg8 : memref<!tpu.dma_semaphore, #tpu.memory_space<semaphore_mem>>) src(%dma_wait3A_559 : memref<1015808x16xf32, #tpu.memory_space<hbm>>) dst(%dma_wait3A_553 : memref<40x16xf32, #tpu.memory_space<vmem>>)
      %dma_wait3A_560 = arith.constant 2 : i32
      %dma_wait3A_561 = arith.constant 3 : i32
      %dma_wait3A_562 = arith.constant 80 : i32
      %dma_wait3A_563 = arith.constant 0 : i32
      %dma_wait3A_564 = tpu.memref_slice %arg6[%dma_wait3A_561, %dma_wait3A_562, %dma_wait3A_563] : memref<4x200x16xf32, #tpu.memory_space<vmem>> -> memref<1x40x16xf32, #tpu.memory_space<vmem>>
      %dma_wait3A_565 = tpu.memref_squeeze %dma_wait3A_564 : memref<1x40x16xf32, #tpu.memory_space<vmem>> -> memref<40x16xf32, #tpu.memory_space<vmem>>
      %dma_wait3A_566 = arith.constant 0 : i32
      %dma_wait3A_567 = tpu.memref_slice %arg5[%add3A_535, %dma_wait3A_560, %dma_wait3A_566] : memref<128x5x40xi32, #tpu.memory_space<vmem>> -> memref<1x1x40xi32, #tpu.memory_space<vmem>>
      %dma_wait3A_568 = tpu.memref_squeeze %dma_wait3A_567 : memref<1x1x40xi32, #tpu.memory_space<vmem>> -> memref<40xi32, #tpu.memory_space<vmem>>
      %dma_wait3A_569 = arith.constant 0 : i32
      %dma_wait3A_570 = arith.constant 0 : i32
      %dma_wait3A_571 = tpu.memref_slice %arg3[%dma_wait3A_569, %dma_wait3A_570] : memref<1015808x16xf32, #tpu.memory_space<hbm>> -> memref<1015808x16xf32, #tpu.memory_space<hbm>>
      tpu.wait_indirect_dma semaphore(%arg8 : memref<!tpu.dma_semaphore, #tpu.memory_space<semaphore_mem>>) src(%dma_wait3A_571 : memref<1015808x16xf32, #tpu.memory_space<hbm>>) dst(%dma_wait3A_565 : memref<40x16xf32, #tpu.memory_space<vmem>>)
      %dma_wait3A_572 = arith.constant 3 : i32
      %dma_wait3A_573 = arith.constant 3 : i32
      %dma_wait3A_574 = arith.constant 120 : i32
      %dma_wait3A_575 = arith.constant 0 : i32
      %dma_wait3A_576 = tpu.memref_slice %arg6[%dma_wait3A_573, %dma_wait3A_574, %dma_wait3A_575] : memref<4x200x16xf32, #tpu.memory_space<vmem>> -> memref<1x40x16xf32, #tpu.memory_space<vmem>>
      %dma_wait3A_577 = tpu.memref_squeeze %dma_wait3A_576 : memref<1x40x16xf32, #tpu.memory_space<vmem>> -> memref<40x16xf32, #tpu.memory_space<vmem>>
      %dma_wait3A_578 = arith.constant 0 : i32
      %dma_wait3A_579 = tpu.memref_slice %arg5[%add3A_535, %dma_wait3A_572, %dma_wait3A_578] : memref<128x5x40xi32, #tpu.memory_space<vmem>> -> memref<1x1x40xi32, #tpu.memory_space<vmem>>
      %dma_wait3A_580 = tpu.memref_squeeze %dma_wait3A_579 : memref<1x1x40xi32, #tpu.memory_space<vmem>> -> memref<40xi32, #tpu.memory_space<vmem>>
      %dma_wait3A_581 = arith.constant 0 : i32
      %dma_wait3A_582 = arith.constant 0 : i32
      %dma_wait3A_583 = tpu.memref_slice %arg3[%dma_wait3A_581, %dma_wait3A_582] : memref<1015808x16xf32, #tpu.memory_space<hbm>> -> memref<1015808x16xf32, #tpu.memory_space<hbm>>
      tpu.wait_indirect_dma semaphore(%arg8 : memref<!tpu.dma_semaphore, #tpu.memory_space<semaphore_mem>>) src(%dma_wait3A_583 : memref<1015808x16xf32, #tpu.memory_space<hbm>>) dst(%dma_wait3A_577 : memref<40x16xf32, #tpu.memory_space<vmem>>)
      %dma_wait3A_584 = arith.constant 4 : i32
      %dma_wait3A_585 = arith.constant 3 : i32
      %dma_wait3A_586 = arith.constant 160 : i32
      %dma_wait3A_587 = arith.constant 0 : i32
      %dma_wait3A_588 = tpu.memref_slice %arg6[%dma_wait3A_585, %dma_wait3A_586, %dma_wait3A_587] : memref<4x200x16xf32, #tpu.memory_space<vmem>> -> memref<1x40x16xf32, #tpu.memory_space<vmem>>
      %dma_wait3A_589 = tpu.memref_squeeze %dma_wait3A_588 : memref<1x40x16xf32, #tpu.memory_space<vmem>> -> memref<40x16xf32, #tpu.memory_space<vmem>>
      %dma_wait3A_590 = arith.constant 0 : i32
      %dma_wait3A_591 = tpu.memref_slice %arg5[%add3A_535, %dma_wait3A_584, %dma_wait3A_590] : memref<128x5x40xi32, #tpu.memory_space<vmem>> -> memref<1x1x40xi32, #tpu.memory_space<vmem>>
      %dma_wait3A_592 = tpu.memref_squeeze %dma_wait3A_591 : memref<1x1x40xi32, #tpu.memory_space<vmem>> -> memref<40xi32, #tpu.memory_space<vmem>>
      %dma_wait3A_593 = arith.constant 0 : i32
      %dma_wait3A_594 = arith.constant 0 : i32
      %dma_wait3A_595 = tpu.memref_slice %arg3[%dma_wait3A_593, %dma_wait3A_594] : memref<1015808x16xf32, #tpu.memory_space<hbm>> -> memref<1015808x16xf32, #tpu.memory_space<hbm>>
      tpu.wait_indirect_dma semaphore(%arg8 : memref<!tpu.dma_semaphore, #tpu.memory_space<semaphore_mem>>) src(%dma_wait3A_595 : memref<1015808x16xf32, #tpu.memory_space<hbm>>) dst(%dma_wait3A_589 : memref<40x16xf32, #tpu.memory_space<vmem>>)
      %scan3A_596 = arith.constant 0 : i32
      %scan3A_597 = arith.constant 200 : i32
      %scan3A_598 = arith.addi %scan3A_596, %scan3A_597 : i32
      %scan3A_599 = arith.constant 8 : i32
      %scan3A_600:2 = scf.for %scan3A_620 = %scan3A_596 to %scan3A_598 step %scan3A_599 iter_args(%scan3A_621 = %broadcast_in_dim3A_266, %scan3A_622 = %broadcast_in_dim3A_266) -> (vector<16xf32>, vector<16xf32>)  : i32 {
        %get3A = arith.constant 3 : i32
        %get3A_623 = arith.index_cast %get3A : i32 to index
        %get3A_624 = arith.index_cast %scan3A_620 : i32 to index
        %get3A_625 = arith.constant 0 : index
        %get3A_626 = tpu.vector_load %arg6[%get3A_623, %get3A_624, %get3A_625] {strides = array<i32>} : memref<4x200x16xf32, #tpu.memory_space<vmem>>, vector<16xf32>,
        %bitcast3A = vector.bitcast %get3A_626 : vector<16xf32> to vector<32xbf16>
        %unpack3A = tpu.unpack_subelements %bitcast3A, 0 {pack_format = #tpu.pack_format<interleaved>} : vector<32xbf16> -> vector<16xf32>
        %unpack3A_627 = tpu.unpack_subelements %bitcast3A, 1 {pack_format = #tpu.pack_format<interleaved>} : vector<32xbf16> -> vector<16xf32>
        %add3A_628 = arith.addf %scan3A_621, %unpack3A : vector<16xf32>
        %add3A_629 = arith.addf %scan3A_622, %unpack3A_627 : vector<16xf32>
        %scan3A_630 = arith.constant 1 : i32
        %scan3A_631 = arith.addi %scan3A_620, %scan3A_630 : i32
        %get3A_632 = arith.constant 3 : i32
        %get3A_633 = arith.index_cast %get3A_632 : i32 to index
        %get3A_634 = arith.index_cast %scan3A_631 : i32 to index
        %get3A_635 = arith.constant 0 : index
        %get3A_636 = tpu.vector_load %arg6[%get3A_633, %get3A_634, %get3A_635] {strides = array<i32>} : memref<4x200x16xf32, #tpu.memory_space<vmem>>, vector<16xf32>,
        %bitcast3A_637 = vector.bitcast %get3A_636 : vector<16xf32> to vector<32xbf16>
        %unpack3A_638 = tpu.unpack_subelements %bitcast3A_637, 0 {pack_format = #tpu.pack_format<interleaved>} : vector<32xbf16> -> vector<16xf32>
        %unpack3A_639 = tpu.unpack_subelements %bitcast3A_637, 1 {pack_format = #tpu.pack_format<interleaved>} : vector<32xbf16> -> vector<16xf32>
        %add3A_640 = arith.addf %add3A_628, %unpack3A_638 : vector<16xf32>
        %add3A_641 = arith.addf %add3A_629, %unpack3A_639 : vector<16xf32>
        %scan3A_642 = arith.constant 2 : i32
        %scan3A_643 = arith.addi %scan3A_620, %scan3A_642 : i32
        %get3A_644 = arith.constant 3 : i32
        %get3A_645 = arith.index_cast %get3A_644 : i32 to index
        %get3A_646 = arith.index_cast %scan3A_643 : i32 to index
        %get3A_647 = arith.constant 0 : index
        %get3A_648 = tpu.vector_load %arg6[%get3A_645, %get3A_646, %get3A_647] {strides = array<i32>} : memref<4x200x16xf32, #tpu.memory_space<vmem>>, vector<16xf32>,
        %bitcast3A_649 = vector.bitcast %get3A_648 : vector<16xf32> to vector<32xbf16>
        %unpack3A_650 = tpu.unpack_subelements %bitcast3A_649, 0 {pack_format = #tpu.pack_format<interleaved>} : vector<32xbf16> -> vector<16xf32>
        %unpack3A_651 = tpu.unpack_subelements %bitcast3A_649, 1 {pack_format = #tpu.pack_format<interleaved>} : vector<32xbf16> -> vector<16xf32>
        %add3A_652 = arith.addf %add3A_640, %unpack3A_650 : vector<16xf32>
        %add3A_653 = arith.addf %add3A_641, %unpack3A_651 : vector<16xf32>
        %scan3A_654 = arith.constant 3 : i32
        %scan3A_655 = arith.addi %scan3A_620, %scan3A_654 : i32
        %get3A_656 = arith.constant 3 : i32
        %get3A_657 = arith.index_cast %get3A_656 : i32 to index
        %get3A_658 = arith.index_cast %scan3A_655 : i32 to index
        %get3A_659 = arith.constant 0 : index
        %get3A_660 = tpu.vector_load %arg6[%get3A_657, %get3A_658, %get3A_659] {strides = array<i32>} : memref<4x200x16xf32, #tpu.memory_space<vmem>>, vector<16xf32>,
        %bitcast3A_661 = vector.bitcast %get3A_660 : vector<16xf32> to vector<32xbf16>
        %unpack3A_662 = tpu.unpack_subelements %bitcast3A_661, 0 {pack_format = #tpu.pack_format<interleaved>} : vector<32xbf16> -> vector<16xf32>
        %unpack3A_663 = tpu.unpack_subelements %bitcast3A_661, 1 {pack_format = #tpu.pack_format<interleaved>} : vector<32xbf16> -> vector<16xf32>
        %add3A_664 = arith.addf %add3A_652, %unpack3A_662 : vector<16xf32>
        %add3A_665 = arith.addf %add3A_653, %unpack3A_663 : vector<16xf32>
        %scan3A_666 = arith.constant 4 : i32
        %scan3A_667 = arith.addi %scan3A_620, %scan3A_666 : i32
        %get3A_668 = arith.constant 3 : i32
        %get3A_669 = arith.index_cast %get3A_668 : i32 to index
        %get3A_670 = arith.index_cast %scan3A_667 : i32 to index
        %get3A_671 = arith.constant 0 : index
        %get3A_672 = tpu.vector_load %arg6[%get3A_669, %get3A_670, %get3A_671] {strides = array<i32>} : memref<4x200x16xf32, #tpu.memory_space<vmem>>, vector<16xf32>,
        %bitcast3A_673 = vector.bitcast %get3A_672 : vector<16xf32> to vector<32xbf16>
        %unpack3A_674 = tpu.unpack_subelements %bitcast3A_673, 0 {pack_format = #tpu.pack_format<interleaved>} : vector<32xbf16> -> vector<16xf32>
        %unpack3A_675 = tpu.unpack_subelements %bitcast3A_673, 1 {pack_format = #tpu.pack_format<interleaved>} : vector<32xbf16> -> vector<16xf32>
        %add3A_676 = arith.addf %add3A_664, %unpack3A_674 : vector<16xf32>
        %add3A_677 = arith.addf %add3A_665, %unpack3A_675 : vector<16xf32>
        %scan3A_678 = arith.constant 5 : i32
        %scan3A_679 = arith.addi %scan3A_620, %scan3A_678 : i32
        %get3A_680 = arith.constant 3 : i32
        %get3A_681 = arith.index_cast %get3A_680 : i32 to index
        %get3A_682 = arith.index_cast %scan3A_679 : i32 to index
        %get3A_683 = arith.constant 0 : index
        %get3A_684 = tpu.vector_load %arg6[%get3A_681, %get3A_682, %get3A_683] {strides = array<i32>} : memref<4x200x16xf32, #tpu.memory_space<vmem>>, vector<16xf32>,
        %bitcast3A_685 = vector.bitcast %get3A_684 : vector<16xf32> to vector<32xbf16>
        %unpack3A_686 = tpu.unpack_subelements %bitcast3A_685, 0 {pack_format = #tpu.pack_format<interleaved>} : vector<32xbf16> -> vector<16xf32>
        %unpack3A_687 = tpu.unpack_subelements %bitcast3A_685, 1 {pack_format = #tpu.pack_format<interleaved>} : vector<32xbf16> -> vector<16xf32>
        %add3A_688 = arith.addf %add3A_676, %unpack3A_686 : vector<16xf32>
        %add3A_689 = arith.addf %add3A_677, %unpack3A_687 : vector<16xf32>
        %scan3A_690 = arith.constant 6 : i32
        %scan3A_691 = arith.addi %scan3A_620, %scan3A_690 : i32
        %get3A_692 = arith.constant 3 : i32
        %get3A_693 = arith.index_cast %get3A_692 : i32 to index
        %get3A_694 = arith.index_cast %scan3A_691 : i32 to index
        %get3A_695 = arith.constant 0 : index
        %get3A_696 = tpu.vector_load %arg6[%get3A_693, %get3A_694, %get3A_695] {strides = array<i32>} : memref<4x200x16xf32, #tpu.memory_space<vmem>>, vector<16xf32>,
        %bitcast3A_697 = vector.bitcast %get3A_696 : vector<16xf32> to vector<32xbf16>
        %unpack3A_698 = tpu.unpack_subelements %bitcast3A_697, 0 {pack_format = #tpu.pack_format<interleaved>} : vector<32xbf16> -> vector<16xf32>
        %unpack3A_699 = tpu.unpack_subelements %bitcast3A_697, 1 {pack_format = #tpu.pack_format<interleaved>} : vector<32xbf16> -> vector<16xf32>
        %add3A_700 = arith.addf %add3A_688, %unpack3A_698 : vector<16xf32>
        %add3A_701 = arith.addf %add3A_689, %unpack3A_699 : vector<16xf32>
        %scan3A_702 = arith.constant 7 : i32
        %scan3A_703 = arith.addi %scan3A_620, %scan3A_702 : i32
        %get3A_704 = arith.constant 3 : i32
        %get3A_705 = arith.index_cast %get3A_704 : i32 to index
        %get3A_706 = arith.index_cast %scan3A_703 : i32 to index
        %get3A_707 = arith.constant 0 : index
        %get3A_708 = tpu.vector_load %arg6[%get3A_705, %get3A_706, %get3A_707] {strides = array<i32>} : memref<4x200x16xf32, #tpu.memory_space<vmem>>, vector<16xf32>,
        %bitcast3A_709 = vector.bitcast %get3A_708 : vector<16xf32> to vector<32xbf16>
        %unpack3A_710 = tpu.unpack_subelements %bitcast3A_709, 0 {pack_format = #tpu.pack_format<interleaved>} : vector<32xbf16> -> vector<16xf32>
        %unpack3A_711 = tpu.unpack_subelements %bitcast3A_709, 1 {pack_format = #tpu.pack_format<interleaved>} : vector<32xbf16> -> vector<16xf32>
        %add3A_712 = arith.addf %add3A_700, %unpack3A_710 : vector<16xf32>
        %add3A_713 = arith.addf %add3A_701, %unpack3A_711 : vector<16xf32>
        scf.yield %add3A_712, %add3A_713 : vector<16xf32>, vector<16xf32>
      }
      %scan3A_601 = arith.constant 200 : i32
      %mul3A_602 = vector.broadcast %scan3A : f32 to vector<16xf32>
      %mul3A_603 = arith.mulf %scan3A_600#0, %mul3A_602 : vector<16xf32>
      %swap3A_604 = arith.index_cast %add3A_535 : i32 to index
      %swap3A_605 = arith.constant 0 : index
      %swap3A_606 = tpu.vector_load %arg7[%swap3A_604, %swap3A_605] {strides = array<i32>} : memref<128x32xf32, #tpu.memory_space<vmem>>, vector<16xf32>,
      tpu.vector_store %arg7[%swap3A_604, %swap3A_605], %mul3A_603 {strides = array<i32>} : memref<128x32xf32, #tpu.memory_space<vmem>>, vector<16xf32>,
      %mul3A_607 = vector.broadcast %scan3A : f32 to vector<16xf32>
      %mul3A_608 = arith.mulf %scan3A_600#1, %mul3A_607 : vector<16xf32>
      %swap3A_609 = arith.index_cast %add3A_535 : i32 to index
      %swap3A_610 = arith.constant 16 : index
      %swap3A_611 = tpu.vector_load %arg7[%swap3A_609, %swap3A_610] {strides = array<i32>} : memref<128x32xf32, #tpu.memory_space<vmem>>, vector<16xf32>,
      tpu.vector_store %arg7[%swap3A_609, %swap3A_610], %mul3A_608 {strides = array<i32>} : memref<128x32xf32, #tpu.memory_space<vmem>>, vector<16xf32>,
      %add3A_612 = arith.constant 4 : i32
      %add3A_613 = arith.addi %add3A_535, %add3A_612 : i32
      %lt3A_614 = arith.constant 128 : i32
      %lt3A_615 = arith.cmpi slt, %add3A_613, %lt3A_614 : i32
      %convert_element_type3A_616 = arith.extui %lt3A_615 : i1 to i32
      %cond3A_617 = arith.constant 0 : i32
      %cond3A_618 = arith.cmpi ne, %convert_element_type3A_616, %cond3A_617 : i32
      scf.if %cond3A_618 {
        %add3A_620 = arith.constant 4 : i32
        %add3A_621 = arith.addi %add3A_535, %add3A_620 : i32
        %dma_start3A_622 = arith.constant 0 : i32
        %dma_start3A_623 = arith.constant 3 : i32
        %dma_start3A_624 = arith.constant 0 : i32
        %dma_start3A_625 = arith.constant 0 : i32
        %dma_start3A_626 = tpu.memref_slice %arg6[%dma_start3A_623, %dma_start3A_624, %dma_start3A_625] : memref<4x200x16xf32, #tpu.memory_space<vmem>> -> memref<1x40x16xf32, #tpu.memory_space<vmem>>
        %dma_start3A_627 = tpu.memref_squeeze %dma_start3A_626 : memref<1x40x16xf32, #tpu.memory_space<vmem>> -> memref<40x16xf32, #tpu.memory_space<vmem>>
        %dma_start3A_628 = arith.constant 0 : i32
        %dma_start3A_629 = tpu.memref_slice %arg5[%add3A_621, %dma_start3A_622, %dma_start3A_628] : memref<128x5x40xi32, #tpu.memory_space<vmem>> -> memref<1x1x40xi32, #tpu.memory_space<vmem>>
        %dma_start3A_630 = tpu.memref_squeeze %dma_start3A_629 : memref<1x1x40xi32, #tpu.memory_space<vmem>> -> memref<40xi32, #tpu.memory_space<vmem>>
        %dma_start3A_631 = arith.constant 0 : i32
        %dma_start3A_632 = arith.constant 0 : i32
        %dma_start3A_633 = tpu.memref_slice %arg3[%dma_start3A_631, %dma_start3A_632] : memref<1015808x16xf32, #tpu.memory_space<hbm>> -> memref<1015808x16xf32, #tpu.memory_space<hbm>>
        tpu.enqueue_indirect_dma source(%dma_start3A_633 : memref<1015808x16xf32, #tpu.memory_space<hbm>>) target(%dma_start3A_627 : memref<40x16xf32, #tpu.memory_space<vmem>>) offsets(%dma_start3A_630 : memref<40xi32, #tpu.memory_space<vmem>>) semaphore(%arg8 : memref<!tpu.dma_semaphore, #tpu.memory_space<semaphore_mem>>)
        %dma_start3A_634 = arith.constant 1 : i32
        %dma_start3A_635 = arith.constant 3 : i32
        %dma_start3A_636 = arith.constant 40 : i32
        %dma_start3A_637 = arith.constant 0 : i32
        %dma_start3A_638 = tpu.memref_slice %arg6[%dma_start3A_635, %dma_start3A_636, %dma_start3A_637] : memref<4x200x16xf32, #tpu.memory_space<vmem>> -> memref<1x40x16xf32, #tpu.memory_space<vmem>>
        %dma_start3A_639 = tpu.memref_squeeze %dma_start3A_638 : memref<1x40x16xf32, #tpu.memory_space<vmem>> -> memref<40x16xf32, #tpu.memory_space<vmem>>
        %dma_start3A_640 = arith.constant 0 : i32
        %dma_start3A_641 = tpu.memref_slice %arg5[%add3A_621, %dma_start3A_634, %dma_start3A_640] : memref<128x5x40xi32, #tpu.memory_space<vmem>> -> memref<1x1x40xi32, #tpu.memory_space<vmem>>
        %dma_start3A_642 = tpu.memref_squeeze %dma_start3A_641 : memref<1x1x40xi32, #tpu.memory_space<vmem>> -> memref<40xi32, #tpu.memory_space<vmem>>
        %dma_start3A_643 = arith.constant 0 : i32
        %dma_start3A_644 = arith.constant 0 : i32
        %dma_start3A_645 = tpu.memref_slice %arg3[%dma_start3A_643, %dma_start3A_644] : memref<1015808x16xf32, #tpu.memory_space<hbm>> -> memref<1015808x16xf32, #tpu.memory_space<hbm>>
        tpu.enqueue_indirect_dma source(%dma_start3A_645 : memref<1015808x16xf32, #tpu.memory_space<hbm>>) target(%dma_start3A_639 : memref<40x16xf32, #tpu.memory_space<vmem>>) offsets(%dma_start3A_642 : memref<40xi32, #tpu.memory_space<vmem>>) semaphore(%arg8 : memref<!tpu.dma_semaphore, #tpu.memory_space<semaphore_mem>>)
        %dma_start3A_646 = arith.constant 2 : i32
        %dma_start3A_647 = arith.constant 3 : i32
        %dma_start3A_648 = arith.constant 80 : i32
        %dma_start3A_649 = arith.constant 0 : i32
        %dma_start3A_650 = tpu.memref_slice %arg6[%dma_start3A_647, %dma_start3A_648, %dma_start3A_649] : memref<4x200x16xf32, #tpu.memory_space<vmem>> -> memref<1x40x16xf32, #tpu.memory_space<vmem>>
        %dma_start3A_651 = tpu.memref_squeeze %dma_start3A_650 : memref<1x40x16xf32, #tpu.memory_space<vmem>> -> memref<40x16xf32, #tpu.memory_space<vmem>>
        %dma_start3A_652 = arith.constant 0 : i32
        %dma_start3A_653 = tpu.memref_slice %arg5[%add3A_621, %dma_start3A_646, %dma_start3A_652] : memref<128x5x40xi32, #tpu.memory_space<vmem>> -> memref<1x1x40xi32, #tpu.memory_space<vmem>>
        %dma_start3A_654 = tpu.memref_squeeze %dma_start3A_653 : memref<1x1x40xi32, #tpu.memory_space<vmem>> -> memref<40xi32, #tpu.memory_space<vmem>>
        %dma_start3A_655 = arith.constant 0 : i32
        %dma_start3A_656 = arith.constant 0 : i32
        %dma_start3A_657 = tpu.memref_slice %arg3[%dma_start3A_655, %dma_start3A_656] : memref<1015808x16xf32, #tpu.memory_space<hbm>> -> memref<1015808x16xf32, #tpu.memory_space<hbm>>
        tpu.enqueue_indirect_dma source(%dma_start3A_657 : memref<1015808x16xf32, #tpu.memory_space<hbm>>) target(%dma_start3A_651 : memref<40x16xf32, #tpu.memory_space<vmem>>) offsets(%dma_start3A_654 : memref<40xi32, #tpu.memory_space<vmem>>) semaphore(%arg8 : memref<!tpu.dma_semaphore, #tpu.memory_space<semaphore_mem>>)
        %dma_start3A_658 = arith.constant 3 : i32
        %dma_start3A_659 = arith.constant 3 : i32
        %dma_start3A_660 = arith.constant 120 : i32
        %dma_start3A_661 = arith.constant 0 : i32
        %dma_start3A_662 = tpu.memref_slice %arg6[%dma_start3A_659, %dma_start3A_660, %dma_start3A_661] : memref<4x200x16xf32, #tpu.memory_space<vmem>> -> memref<1x40x16xf32, #tpu.memory_space<vmem>>
        %dma_start3A_663 = tpu.memref_squeeze %dma_start3A_662 : memref<1x40x16xf32, #tpu.memory_space<vmem>> -> memref<40x16xf32, #tpu.memory_space<vmem>>
        %dma_start3A_664 = arith.constant 0 : i32
        %dma_start3A_665 = tpu.memref_slice %arg5[%add3A_621, %dma_start3A_658, %dma_start3A_664] : memref<128x5x40xi32, #tpu.memory_space<vmem>> -> memref<1x1x40xi32, #tpu.memory_space<vmem>>
        %dma_start3A_666 = tpu.memref_squeeze %dma_start3A_665 : memref<1x1x40xi32, #tpu.memory_space<vmem>> -> memref<40xi32, #tpu.memory_space<vmem>>
        %dma_start3A_667 = arith.constant 0 : i32
        %dma_start3A_668 = arith.constant 0 : i32
        %dma_start3A_669 = tpu.memref_slice %arg3[%dma_start3A_667, %dma_start3A_668] : memref<1015808x16xf32, #tpu.memory_space<hbm>> -> memref<1015808x16xf32, #tpu.memory_space<hbm>>
        tpu.enqueue_indirect_dma source(%dma_start3A_669 : memref<1015808x16xf32, #tpu.memory_space<hbm>>) target(%dma_start3A_663 : memref<40x16xf32, #tpu.memory_space<vmem>>) offsets(%dma_start3A_666 : memref<40xi32, #tpu.memory_space<vmem>>) semaphore(%arg8 : memref<!tpu.dma_semaphore, #tpu.memory_space<semaphore_mem>>)
        %dma_start3A_670 = arith.constant 4 : i32
        %dma_start3A_671 = arith.constant 3 : i32
        %dma_start3A_672 = arith.constant 160 : i32
        %dma_start3A_673 = arith.constant 0 : i32
        %dma_start3A_674 = tpu.memref_slice %arg6[%dma_start3A_671, %dma_start3A_672, %dma_start3A_673] : memref<4x200x16xf32, #tpu.memory_space<vmem>> -> memref<1x40x16xf32, #tpu.memory_space<vmem>>
        %dma_start3A_675 = tpu.memref_squeeze %dma_start3A_674 : memref<1x40x16xf32, #tpu.memory_space<vmem>> -> memref<40x16xf32, #tpu.memory_space<vmem>>
        %dma_start3A_676 = arith.constant 0 : i32
        %dma_start3A_677 = tpu.memref_slice %arg5[%add3A_621, %dma_start3A_670, %dma_start3A_676] : memref<128x5x40xi32, #tpu.memory_space<vmem>> -> memref<1x1x40xi32, #tpu.memory_space<vmem>>
        %dma_start3A_678 = tpu.memref_squeeze %dma_start3A_677 : memref<1x1x40xi32, #tpu.memory_space<vmem>> -> memref<40xi32, #tpu.memory_space<vmem>>
        %dma_start3A_679 = arith.constant 0 : i32
        %dma_start3A_680 = arith.constant 0 : i32
        %dma_start3A_681 = tpu.memref_slice %arg3[%dma_start3A_679, %dma_start3A_680] : memref<1015808x16xf32, #tpu.memory_space<hbm>> -> memref<1015808x16xf32, #tpu.memory_space<hbm>>
        tpu.enqueue_indirect_dma source(%dma_start3A_681 : memref<1015808x16xf32, #tpu.memory_space<hbm>>) target(%dma_start3A_675 : memref<40x16xf32, #tpu.memory_space<vmem>>) offsets(%dma_start3A_678 : memref<40xi32, #tpu.memory_space<vmem>>) semaphore(%arg8 : memref<!tpu.dma_semaphore, #tpu.memory_space<semaphore_mem>>)
      } else {
      }
      %scan3A_619 = arith.constant 0 : i32
      scf.yield %scan3A_619 : i32
    }
    %scan3A_273 = arith.constant 32 : i32
    "tpu.region"() ({
      %run_scoped3A_274 = tpu.sem_alloc : memref<!tpu.dma_semaphore, #tpu.memory_space<semaphore_mem>>
      %dma_start3A_275 = arith.constant 0 : i32
      %dma_start3A_276 = tpu.memref_slice %arg4[%mul3A_2, %dma_start3A_275] : memref<4096x32xf32, #tpu.memory_space<hbm>> -> memref<128x32xf32, #tpu.memory_space<hbm>>
      %dma_start3A_277 = arith.constant 0 : i32
      %dma_start3A_278 = tpu.memref_slice %arg4[%mul3A_2, %dma_start3A_277] : memref<4096x32xf32, #tpu.memory_space<hbm>> -> memref<128x32xf32, #tpu.memory_space<hbm>>
      tpu.enqueue_dma source(%arg7 : memref<128x32xf32, #tpu.memory_space<vmem>>) target(%dma_start3A_278 : memref<128x32xf32, #tpu.memory_space<hbm>>) target_semaphore(%run_scoped3A_274 : memref<!tpu.dma_semaphore, #tpu.memory_space<semaphore_mem>>)
      %dma_wait3A = arith.constant 0 : i32
      %dma_wait3A_279 = tpu.memref_slice %arg4[%mul3A_2, %dma_wait3A] : memref<4096x32xf32, #tpu.memory_space<hbm>> -> memref<128x32xf32, #tpu.memory_space<hbm>>
      %dma_wait3A_280 = arith.constant 0 : i32
      %dma_wait3A_281 = tpu.memref_slice %arg4[%mul3A_2, %dma_wait3A_280] : memref<4096x32xf32, #tpu.memory_space<hbm>> -> memref<128x32xf32, #tpu.memory_space<hbm>>
      tpu.wait_dma2 semaphore(%run_scoped3A_274 : memref<!tpu.dma_semaphore, #tpu.memory_space<semaphore_mem>>) src(%arg7 : memref<128x32xf32, #tpu.memory_space<vmem>>) dst(%dma_wait3A_281 : memref<128x32xf32, #tpu.memory_space<hbm>>)
      tpu.yield
    }) : () -> ()
    return
  }
}

module attributes {stable_mosaic.version = 14 : i64} {
  func.func @body(%arg0: i32, %arg1: memref<32x16384xf32, #tpu.memory_space<vmem>>, %arg2: memref<2048x128xf32, #tpu.memory_space<vmem>>) attributes {dimension_semantics = [#tpu.dimension_semantics<arbitrary>], iteration_bounds = array<i64: 62>, scalar_prefetch = 0 : i64, scratch_operands = 0 : i64, tpu.core_type = #tpu.core_type<tc>, window_params = [{transform_indices = @transform_0, window_bounds = array<i64: 32, 16384>}, {transform_indices = @transform_1, window_bounds = array<i64: 2048, 128>}]} {
    %get3A = arith.constant 0 : index
    %get3A_0 = arith.constant 0 : index
    %get3A_1 = vector.load %arg1[%get3A, %get3A_0] : memref<32x16384xf32, #tpu.memory_space<vmem>>, vector<32x4096xf32>
    %bitcast_convert_type3A = tpu.bitcast %get3A_1 : vector<32x4096xf32> -> vector<32x4096xi32>
    %slice3A = vector.extract_strided_slice %bitcast_convert_type3A {offsets = [0, 0], sizes = [16, 4096], strides = [1, 1]} : vector<32x4096xi32> to vector<16x4096xi32>
    %add3A = arith.constant 32768 : i32
    %add3A_2 = vector.broadcast %add3A : i32 to vector<16x4096xi32>
    %add3A_3 = arith.addi %slice3A, %add3A_2 : vector<16x4096xi32>
    %shift_right_logical3A = arith.constant 16 : i32
    %shift_right_logical3A_4 = vector.broadcast %shift_right_logical3A : i32 to vector<16x4096xi32>
    %shift_right_logical3A_5 = arith.shrui %add3A_3, %shift_right_logical3A_4 : vector<16x4096xi32>
    %slice3A_6 = vector.extract_strided_slice %bitcast_convert_type3A {offsets = [16, 0], sizes = [16, 4096], strides = [1, 1]} : vector<32x4096xi32> to vector<16x4096xi32>
    %add3A_7 = arith.constant 32768 : i32
    %add3A_8 = vector.broadcast %add3A_7 : i32 to vector<16x4096xi32>
    %add3A_9 = arith.addi %slice3A_6, %add3A_8 : vector<16x4096xi32>
    %and3A = arith.constant -65536 : i32
    %and3A_10 = vector.broadcast %and3A : i32 to vector<16x4096xi32>
    %and3A_11 = arith.andi %add3A_9, %and3A_10 : vector<16x4096xi32>
    %or3A = arith.ori %shift_right_logical3A_5, %and3A_11 : vector<16x4096xi32>
    %bitcast_convert_type3A_12 = tpu.bitcast %or3A : vector<16x4096xi32> -> vector<16x4096xf32>
    %transpose3A = tpu.transpose %bitcast_convert_type3A_12, [1, 0] : vector<16x4096xf32> -> vector<4096x16xf32>
    %slice3A_13 = vector.extract_strided_slice %transpose3A {offsets = [0, 0], sizes = [2048, 16], strides = [1, 1]} : vector<4096x16xf32> to vector<2048x16xf32>
    %swap3A = arith.constant 0 : index
    %swap3A_14 = arith.constant 0 : index
    %swap3A_15 = vector.load %arg2[%swap3A, %swap3A_14] : memref<2048x128xf32, #tpu.memory_space<vmem>>, vector<2048x16xf32>
    tpu.vector_store %arg2[%swap3A, %swap3A_14], %slice3A_13 {strides = array<i32>} : memref<2048x128xf32, #tpu.memory_space<vmem>>, vector<2048x16xf32>,
    %slice3A_16 = vector.extract_strided_slice %transpose3A {offsets = [2048, 0], sizes = [2048, 16], strides = [1, 1]} : vector<4096x16xf32> to vector<2048x16xf32>
    %swap3A_17 = arith.constant 0 : index
    %swap3A_18 = arith.constant 16 : index
    %swap3A_19 = vector.load %arg2[%swap3A_17, %swap3A_18] : memref<2048x128xf32, #tpu.memory_space<vmem>>, vector<2048x16xf32>
    tpu.vector_store %arg2[%swap3A_17, %swap3A_18], %slice3A_16 {strides = array<i32>} : memref<2048x128xf32, #tpu.memory_space<vmem>>, vector<2048x16xf32>,
    %get3A_20 = arith.constant 0 : index
    %get3A_21 = arith.constant 4096 : index
    %get3A_22 = vector.load %arg1[%get3A_20, %get3A_21] : memref<32x16384xf32, #tpu.memory_space<vmem>>, vector<32x4096xf32>
    %bitcast_convert_type3A_23 = tpu.bitcast %get3A_22 : vector<32x4096xf32> -> vector<32x4096xi32>
    %slice3A_24 = vector.extract_strided_slice %bitcast_convert_type3A_23 {offsets = [0, 0], sizes = [16, 4096], strides = [1, 1]} : vector<32x4096xi32> to vector<16x4096xi32>
    %add3A_25 = arith.constant 32768 : i32
    %add3A_26 = vector.broadcast %add3A_25 : i32 to vector<16x4096xi32>
    %add3A_27 = arith.addi %slice3A_24, %add3A_26 : vector<16x4096xi32>
    %shift_right_logical3A_28 = arith.constant 16 : i32
    %shift_right_logical3A_29 = vector.broadcast %shift_right_logical3A_28 : i32 to vector<16x4096xi32>
    %shift_right_logical3A_30 = arith.shrui %add3A_27, %shift_right_logical3A_29 : vector<16x4096xi32>
    %slice3A_31 = vector.extract_strided_slice %bitcast_convert_type3A_23 {offsets = [16, 0], sizes = [16, 4096], strides = [1, 1]} : vector<32x4096xi32> to vector<16x4096xi32>
    %add3A_32 = arith.constant 32768 : i32
    %add3A_33 = vector.broadcast %add3A_32 : i32 to vector<16x4096xi32>
    %add3A_34 = arith.addi %slice3A_31, %add3A_33 : vector<16x4096xi32>
    %and3A_35 = arith.constant -65536 : i32
    %and3A_36 = vector.broadcast %and3A_35 : i32 to vector<16x4096xi32>
    %and3A_37 = arith.andi %add3A_34, %and3A_36 : vector<16x4096xi32>
    %or3A_38 = arith.ori %shift_right_logical3A_30, %and3A_37 : vector<16x4096xi32>
    %bitcast_convert_type3A_39 = tpu.bitcast %or3A_38 : vector<16x4096xi32> -> vector<16x4096xf32>
    %transpose3A_40 = tpu.transpose %bitcast_convert_type3A_39, [1, 0] : vector<16x4096xf32> -> vector<4096x16xf32>
    %slice3A_41 = vector.extract_strided_slice %transpose3A_40 {offsets = [0, 0], sizes = [2048, 16], strides = [1, 1]} : vector<4096x16xf32> to vector<2048x16xf32>
    %swap3A_42 = arith.constant 0 : index
    %swap3A_43 = arith.constant 32 : index
    %swap3A_44 = vector.load %arg2[%swap3A_42, %swap3A_43] : memref<2048x128xf32, #tpu.memory_space<vmem>>, vector<2048x16xf32>
    tpu.vector_store %arg2[%swap3A_42, %swap3A_43], %slice3A_41 {strides = array<i32>} : memref<2048x128xf32, #tpu.memory_space<vmem>>, vector<2048x16xf32>,
    %slice3A_45 = vector.extract_strided_slice %transpose3A_40 {offsets = [2048, 0], sizes = [2048, 16], strides = [1, 1]} : vector<4096x16xf32> to vector<2048x16xf32>
    %swap3A_46 = arith.constant 0 : index
    %swap3A_47 = arith.constant 48 : index
    %swap3A_48 = vector.load %arg2[%swap3A_46, %swap3A_47] : memref<2048x128xf32, #tpu.memory_space<vmem>>, vector<2048x16xf32>
    tpu.vector_store %arg2[%swap3A_46, %swap3A_47], %slice3A_45 {strides = array<i32>} : memref<2048x128xf32, #tpu.memory_space<vmem>>, vector<2048x16xf32>,
    %get3A_49 = arith.constant 0 : index
    %get3A_50 = arith.constant 8192 : index
    %get3A_51 = vector.load %arg1[%get3A_49, %get3A_50] : memref<32x16384xf32, #tpu.memory_space<vmem>>, vector<32x4096xf32>
    %bitcast_convert_type3A_52 = tpu.bitcast %get3A_51 : vector<32x4096xf32> -> vector<32x4096xi32>
    %slice3A_53 = vector.extract_strided_slice %bitcast_convert_type3A_52 {offsets = [0, 0], sizes = [16, 4096], strides = [1, 1]} : vector<32x4096xi32> to vector<16x4096xi32>
    %add3A_54 = arith.constant 32768 : i32
    %add3A_55 = vector.broadcast %add3A_54 : i32 to vector<16x4096xi32>
    %add3A_56 = arith.addi %slice3A_53, %add3A_55 : vector<16x4096xi32>
    %shift_right_logical3A_57 = arith.constant 16 : i32
    %shift_right_logical3A_58 = vector.broadcast %shift_right_logical3A_57 : i32 to vector<16x4096xi32>
    %shift_right_logical3A_59 = arith.shrui %add3A_56, %shift_right_logical3A_58 : vector<16x4096xi32>
    %slice3A_60 = vector.extract_strided_slice %bitcast_convert_type3A_52 {offsets = [16, 0], sizes = [16, 4096], strides = [1, 1]} : vector<32x4096xi32> to vector<16x4096xi32>
    %add3A_61 = arith.constant 32768 : i32
    %add3A_62 = vector.broadcast %add3A_61 : i32 to vector<16x4096xi32>
    %add3A_63 = arith.addi %slice3A_60, %add3A_62 : vector<16x4096xi32>
    %and3A_64 = arith.constant -65536 : i32
    %and3A_65 = vector.broadcast %and3A_64 : i32 to vector<16x4096xi32>
    %and3A_66 = arith.andi %add3A_63, %and3A_65 : vector<16x4096xi32>
    %or3A_67 = arith.ori %shift_right_logical3A_59, %and3A_66 : vector<16x4096xi32>
    %bitcast_convert_type3A_68 = tpu.bitcast %or3A_67 : vector<16x4096xi32> -> vector<16x4096xf32>
    %transpose3A_69 = tpu.transpose %bitcast_convert_type3A_68, [1, 0] : vector<16x4096xf32> -> vector<4096x16xf32>
    %slice3A_70 = vector.extract_strided_slice %transpose3A_69 {offsets = [0, 0], sizes = [2048, 16], strides = [1, 1]} : vector<4096x16xf32> to vector<2048x16xf32>
    %swap3A_71 = arith.constant 0 : index
    %swap3A_72 = arith.constant 64 : index
    %swap3A_73 = vector.load %arg2[%swap3A_71, %swap3A_72] : memref<2048x128xf32, #tpu.memory_space<vmem>>, vector<2048x16xf32>
    tpu.vector_store %arg2[%swap3A_71, %swap3A_72], %slice3A_70 {strides = array<i32>} : memref<2048x128xf32, #tpu.memory_space<vmem>>, vector<2048x16xf32>,
    %slice3A_74 = vector.extract_strided_slice %transpose3A_69 {offsets = [2048, 0], sizes = [2048, 16], strides = [1, 1]} : vector<4096x16xf32> to vector<2048x16xf32>
    %swap3A_75 = arith.constant 0 : index
    %swap3A_76 = arith.constant 80 : index
    %swap3A_77 = vector.load %arg2[%swap3A_75, %swap3A_76] : memref<2048x128xf32, #tpu.memory_space<vmem>>, vector<2048x16xf32>
    tpu.vector_store %arg2[%swap3A_75, %swap3A_76], %slice3A_74 {strides = array<i32>} : memref<2048x128xf32, #tpu.memory_space<vmem>>, vector<2048x16xf32>,
    %get3A_78 = arith.constant 0 : index
    %get3A_79 = arith.constant 12288 : index
    %get3A_80 = vector.load %arg1[%get3A_78, %get3A_79] : memref<32x16384xf32, #tpu.memory_space<vmem>>, vector<32x4096xf32>
    %bitcast_convert_type3A_81 = tpu.bitcast %get3A_80 : vector<32x4096xf32> -> vector<32x4096xi32>
    %slice3A_82 = vector.extract_strided_slice %bitcast_convert_type3A_81 {offsets = [0, 0], sizes = [16, 4096], strides = [1, 1]} : vector<32x4096xi32> to vector<16x4096xi32>
    %add3A_83 = arith.constant 32768 : i32
    %add3A_84 = vector.broadcast %add3A_83 : i32 to vector<16x4096xi32>
    %add3A_85 = arith.addi %slice3A_82, %add3A_84 : vector<16x4096xi32>
    %shift_right_logical3A_86 = arith.constant 16 : i32
    %shift_right_logical3A_87 = vector.broadcast %shift_right_logical3A_86 : i32 to vector<16x4096xi32>
    %shift_right_logical3A_88 = arith.shrui %add3A_85, %shift_right_logical3A_87 : vector<16x4096xi32>
    %slice3A_89 = vector.extract_strided_slice %bitcast_convert_type3A_81 {offsets = [16, 0], sizes = [16, 4096], strides = [1, 1]} : vector<32x4096xi32> to vector<16x4096xi32>
    %add3A_90 = arith.constant 32768 : i32
    %add3A_91 = vector.broadcast %add3A_90 : i32 to vector<16x4096xi32>
    %add3A_92 = arith.addi %slice3A_89, %add3A_91 : vector<16x4096xi32>
    %and3A_93 = arith.constant -65536 : i32
    %and3A_94 = vector.broadcast %and3A_93 : i32 to vector<16x4096xi32>
    %and3A_95 = arith.andi %add3A_92, %and3A_94 : vector<16x4096xi32>
    %or3A_96 = arith.ori %shift_right_logical3A_88, %and3A_95 : vector<16x4096xi32>
    %bitcast_convert_type3A_97 = tpu.bitcast %or3A_96 : vector<16x4096xi32> -> vector<16x4096xf32>
    %transpose3A_98 = tpu.transpose %bitcast_convert_type3A_97, [1, 0] : vector<16x4096xf32> -> vector<4096x16xf32>
    %slice3A_99 = vector.extract_strided_slice %transpose3A_98 {offsets = [0, 0], sizes = [2048, 16], strides = [1, 1]} : vector<4096x16xf32> to vector<2048x16xf32>
    %swap3A_100 = arith.constant 0 : index
    %swap3A_101 = arith.constant 96 : index
    %swap3A_102 = vector.load %arg2[%swap3A_100, %swap3A_101] : memref<2048x128xf32, #tpu.memory_space<vmem>>, vector<2048x16xf32>
    tpu.vector_store %arg2[%swap3A_100, %swap3A_101], %slice3A_99 {strides = array<i32>} : memref<2048x128xf32, #tpu.memory_space<vmem>>, vector<2048x16xf32>,
    %slice3A_103 = vector.extract_strided_slice %transpose3A_98 {offsets = [2048, 0], sizes = [2048, 16], strides = [1, 1]} : vector<4096x16xf32> to vector<2048x16xf32>
    %swap3A_104 = arith.constant 0 : index
    %swap3A_105 = arith.constant 112 : index
    %swap3A_106 = vector.load %arg2[%swap3A_104, %swap3A_105] : memref<2048x128xf32, #tpu.memory_space<vmem>>, vector<2048x16xf32>
    tpu.vector_store %arg2[%swap3A_104, %swap3A_105], %slice3A_103 {strides = array<i32>} : memref<2048x128xf32, #tpu.memory_space<vmem>>, vector<2048x16xf32>,
    return
  }
  func.func @transform_0(%arg0: i32) -> (i32, i32) {
    %c0_i32 = arith.constant 0 : i32
    %c0_i32_0 = arith.constant 0 : i32
    return %c0_i32, %arg0 : i32, i32
  }
  func.func @transform_1(%arg0: i32) -> (i32, i32) {
    %c0_i32 = arith.constant 0 : i32
    %c0_i32_0 = arith.constant 0 : i32
    return %arg0, %c0_i32 : i32, i32
  }
}

module attributes {stable_mosaic.version = 14 : i64} {
  func.func @mlp(%arg0: i32, %arg1: memref<512x32xf32, #tpu.memory_space<vmem>>, %arg2: memref<32x128xf32, #tpu.memory_space<vmem>>, %arg3: memref<1x128xf32, #tpu.memory_space<vmem>>, %arg4: memref<128x8xf32, #tpu.memory_space<vmem>>, %arg5: memref<1x8xf32, #tpu.memory_space<vmem>>, %arg6: memref<512x8xf32, #tpu.memory_space<vmem>>) attributes {dimension_semantics = [#tpu.dimension_semantics<arbitrary>], iteration_bounds = array<i64: 8>, scalar_prefetch = 0 : i64, scratch_operands = 0 : i64, tpu.core_type = #tpu.core_type<tc>, window_params = [{transform_indices = @transform_0, window_bounds = array<i64: 512, 32>}, {pipeline_mode = #tpu.pipeline_mode<synchronous>, transform_indices = @transform_1, window_bounds = array<i64: 32, 128>}, {pipeline_mode = #tpu.pipeline_mode<synchronous>, transform_indices = @transform_2, window_bounds = array<i64: 1, 128>}, {pipeline_mode = #tpu.pipeline_mode<synchronous>, transform_indices = @transform_3, window_bounds = array<i64: 128, 8>}, {pipeline_mode = #tpu.pipeline_mode<synchronous>, transform_indices = @transform_4, window_bounds = array<i64: 1, 8>}, {transform_indices = @transform_5, window_bounds = array<i64: 512, 8>}]} {
    %get3A = arith.constant 0 : index
    %get3A_0 = arith.constant 0 : index
    %get3A_1 = vector.load %arg1[%get3A, %get3A_0] : memref<512x32xf32, #tpu.memory_space<vmem>>, vector<512x32xf32>
    %get3A_2 = arith.constant 0 : index
    %get3A_3 = arith.constant 0 : index
    %get3A_4 = vector.load %arg2[%get3A_2, %get3A_3] : memref<32x128xf32, #tpu.memory_space<vmem>>, vector<32x128xf32>
    %dot_general3A = arith.constant dense<0.000000e+00> : vector<512x128xf32>
    %dot_general3A_5 = tpu.matmul %get3A_1, %get3A_4, %dot_general3A {dimension_numbers = #tpu.dot_dimension_numbers<[1], [0], [0], [1], [0, 0, 1, 1], [], []>, precision = #tpu.contract_precision<fp32>, transpose_lhs_hint = false} : vector<512x32xf32>, vector<32x128xf32>, vector<512x128xf32> -> vector<512x128xf32>
    %get3A_6 = arith.constant 0 : index
    %get3A_7 = arith.constant 0 : index
    %get3A_8 = vector.load %arg3[%get3A_6, %get3A_7] : memref<1x128xf32, #tpu.memory_space<vmem>>, vector<1x128xf32>
    %add3A = vector.broadcast %get3A_8 : vector<1x128xf32> to vector<512x128xf32>
    %add3A_9 = arith.addf %dot_general3A_5, %add3A : vector<512x128xf32>
    %max3A = arith.constant 0.000000e+00 : f32
    %max3A_10 = vector.broadcast %max3A : f32 to vector<512x128xf32>
    %max3A_11 = arith.maximumf %add3A_9, %max3A_10 : vector<512x128xf32>
    %get3A_12 = arith.constant 0 : index
    %get3A_13 = arith.constant 0 : index
    %get3A_14 = vector.load %arg4[%get3A_12, %get3A_13] : memref<128x8xf32, #tpu.memory_space<vmem>>, vector<128x8xf32>
    %dot_general3A_15 = arith.constant dense<0.000000e+00> : vector<512x8xf32>
    %dot_general3A_16 = tpu.matmul %max3A_11, %get3A_14, %dot_general3A_15 {dimension_numbers = #tpu.dot_dimension_numbers<[1], [0], [0], [1], [0, 0, 1, 1], [], []>, precision = #tpu.contract_precision<fp32>, transpose_lhs_hint = false} : vector<512x128xf32>, vector<128x8xf32>, vector<512x8xf32> -> vector<512x8xf32>
    %get3A_17 = arith.constant 0 : index
    %get3A_18 = arith.constant 0 : index
    %get3A_19 = vector.load %arg5[%get3A_17, %get3A_18] : memref<1x8xf32, #tpu.memory_space<vmem>>, vector<1x8xf32>
    %add3A_20 = vector.broadcast %get3A_19 : vector<1x8xf32> to vector<512x8xf32>
    %add3A_21 = arith.addf %dot_general3A_16, %add3A_20 : vector<512x8xf32>
    %swap3A = arith.constant 0 : index
    %swap3A_22 = arith.constant 0 : index
    %swap3A_23 = vector.load %arg6[%swap3A, %swap3A_22] : memref<512x8xf32, #tpu.memory_space<vmem>>, vector<512x8xf32>
    tpu.vector_store %arg6[%swap3A, %swap3A_22], %add3A_21 {strides = array<i32>} : memref<512x8xf32, #tpu.memory_space<vmem>>, vector<512x8xf32>,
    return
  }
  func.func @transform_0(%arg0: i32) -> (i32, i32) {
    %c0_i32 = arith.constant 0 : i32
    %c0_i32_0 = arith.constant 0 : i32
    return %arg0, %c0_i32 : i32, i32
  }
  func.func @transform_1(%arg0: i32) -> (i32, i32) {
    %c0_i32 = arith.constant 0 : i32
    %c0_i32_0 = arith.constant 0 : i32
    %c0_i32_1 = arith.constant 0 : i32
    return %c0_i32, %c0_i32_0 : i32, i32
  }
  func.func @transform_2(%arg0: i32) -> (i32, i32) {
    %c0_i32 = arith.constant 0 : i32
    %c0_i32_0 = arith.constant 0 : i32
    %c0_i32_1 = arith.constant 0 : i32
    return %c0_i32, %c0_i32_0 : i32, i32
  }
  func.func @transform_3(%arg0: i32) -> (i32, i32) {
    %c0_i32 = arith.constant 0 : i32
    %c0_i32_0 = arith.constant 0 : i32
    %c0_i32_1 = arith.constant 0 : i32
    return %c0_i32, %c0_i32_0 : i32, i32
  }
  func.func @transform_4(%arg0: i32) -> (i32, i32) {
    %c0_i32 = arith.constant 0 : i32
    %c0_i32_0 = arith.constant 0 : i32
    %c0_i32_1 = arith.constant 0 : i32
    return %c0_i32, %c0_i32_0 : i32, i32
  }
  func.func @transform_5(%arg0: i32) -> (i32, i32) {
    %c0_i32 = arith.constant 0 : i32
    %c0_i32_0 = arith.constant 0 : i32
    return %arg0, %c0_i32 : i32, i32
  }
}

</mosaic_0001>

<sc_bundles>
// kernel: kernel.5.cloned.1.call-start
scs
__scs_entry_jumppad:
0x0: {  	(pc) =	sbr.rel $0x88, $3  }
0x1: {  	(tag) =	ssettag $0x0;
	lr =	simm.s32 $0x1  }
0x2: {  	[smem:$0x3F9B] =	sst lr;
	_ =	strace $0xD0000000  }
0x3: {  	_ = 	snop  }
0x4: {  	_ = 	snop  }
0x5: {  	_ = 	snop  }
0x6: {  	_ = 	snop  }
0x7: {  	_ = 	snop  }
__scs_overlays_trampoline_lowered:
0x8: {  	[smem:$0x3FAA] =	sst s0  }
0x9: {  	[smem:$0x3FAB] =	sst s1  }
0xa: {  	[smem:$0x3FAC] =	sst s2  }
0xb: {  	[smem:$0x3FAD] =	sst s3  }
0xc: {  	[smem:$0x3FAE] =	sst s4  }
0xd: {  	[smem:$0x3FAF] =	sst s5  }
0xe: {  	[smem:$0x3FB0] =	sst s6  }
0xf: {  	[smem:$0x3FB1] =	sst s7  }
0x10: {  	[smem:$0x3FB2] =	sst s8  }
0x11: {  	[smem:$0x3FB3] =	sst s9;
	s0 =	simm.s32 @!p0 $0x0  }
0x12: {  	s1 =	sld [smem:$0x3F99];
	s0 =	simm.s32 @p0 $0x1  }
0x13: {  	[smem:$0x3FB4] =	sst s0;
	s0 =	simm.s32 @!p1 $0x0  }
0x14: {  	s2 =	sld [smem:$0x3F98];
	s0 =	simm.s32 @p1 $0x1  }
0x15: {  	[smem:$0x3FB5] =	sst s0;
	s0 =	simm.s32 @!p2 $0x0  }
0x16: {  	s3 =	sld [smem:$0x3FDB];
	s0 =	simm.s32 @p2 $0x1  }
0x17: {  	s4 =	simm.s32 $0x1BF5;
	[smem:$0x3FB7] =	sst s0  }
0x18: {  	s0 =	sld [smem:$0x3F9A];
	_ =	swait.ge [sflag:s4], $0x0  }
0x19: {  	s7 =	sld [smem:$0x3F9B]  }
0x1a: {  	s8 =	sadd.s32 $0xFFFFE003, lr  }
0x1b: {  	s9 =	sadd.s32 $0xFFFFFEF7, lr;
	s5 =	simm.s32 $0xFFFFFFFF;
	p2 =	slt.u32 s8, $0xFFFFF086  }
0x1c: {  	p1 =	slt.u32 s9, $0xF7A;
	s5 =	simm.s32 @!p2 $0x0  }
0x1d: {  	s5 =	simm.s32 @p1 $0x1;
	p0 =	seq.s32 s7, s2  }
0x1e: {  	s7 =	smul.u32 @!p0 $0xF7A, s2;
	p2 =	seq.s32 @!p0 s5, $0x0  }
0x1f: {  	s9 =	smul.u32 $0xF7A, s1;
	s8 =	simm.s32 @!p0 $0x1BF5;
	p2 =	por !p2, p0  }
0x20: {  	[sflag:s8] =	ssyncset.s32 @!p0 $0xFFFFF086;
	s6 =	sadd.s32 @!p0 s3, s7;
	s7 =	simm.s32 @!p0 $0x108  }
0x21: {  	s3 =	sadd.s32 s3, s9;
	s6 =	sadd.s32 @!p0 $0x88, s6;
	s7 =	simm.s32 @p2 $0x1082  }
0x22: {  	[simem:s7], [sflag:s8] =	dma.local @!p0 [hbm:s6], $0xF7A  }
0x23: {  	s9 =	sor.u32 $0xD0000000, s2;
	s6 =	simm.s32 $0x108;
	_ =	swait.ge @!p0 [sflag:s8], $0x0  }
0x24: {  	s3 =	sadd.s32 $0x88, s3;
	s6 =	simm.s32 @!p1 $0x1082;
	[sflag:s4] =	ssyncset.s32 $0xFFFFF086  }
0x25: {  	[simem:s6], [sflag:s4] =	dma.local [hbm:s3], $0xF7A  }
0x26: {  	[smem:$0x3F9B] =	sst s1;
	(tag) =	ssettag s2;
	_ =	strace s9  }
0x27: {  	s1 =	sld [smem:$0x3FAB]  }
0x28: {  	s2 =	sld [smem:$0x3FAC]  }
0x29: {  	s4 =	sld [smem:$0x3FAE]  }
0x2a: {  	p0 =	seq.s32 s5, $0x0;
	s5 =	sld [smem:$0x3FAF]  }
0x2b: {  	s6 =	sld [smem:$0x3FB0]  }
0x2c: {  	s7 =	sld [smem:$0x3FB1]  }
0x2d: {  	s3 =	simm.s32 $0x108;
	s8 =	sld [smem:$0x3FB2]  }
0x2e: {  	s3 =	simm.s32 @!p0 $0x1082;
	s9 =	sld [smem:$0x3FB3]  }
0x2f: {  	lr =	sadd.s32 s0, s3;
	s0 =	sld [smem:$0x3FAA]  }
0x30: {  	s3 =	sld [smem:$0x3FAD]  }
0x31: {  	[smem:$0x3FB6] =	sst s10  }
0x32: {  	s10 =	sld [smem:$0x3FB4];
	_ =	sdelay $0x3  }
0x33: {  	p0 =	seq.s32 s10, $0x1;
	s10 =	sld [smem:$0x3FB6];
	_ =	sdelay $0x3  }
0x34: {  	[smem:$0x3FB6] =	sst s10  }
0x35: {  	s10 =	sld [smem:$0x3FB5];
	_ =	sdelay $0x3  }
0x36: {  	p1 =	seq.s32 s10, $0x1;
	s10 =	sld [smem:$0x3FB6];
	_ =	sdelay $0x3  }
0x37: {  	[smem:$0x3FB6] =	sst s10  }
0x38: {  	s10 =	sld [smem:$0x3FB7]  }
0x39: {  	_ = 	snop;
	(pc) =	sbr.ind lr, $3  }
0x3a: {  	_ = 	snop  }
0x3b: {  	_ = 	snop  }
0x3c: {  	p2 =	seq.s32 s10, $0x1;
	s10 =	sld [smem:$0x3FB6]  }
0x3d: {  	_ =	shalt  }
0x3e: {  	_ =	shalt  }
0x3f: {  	_ =	shalt  }
0x40: {  	_ =	shalt  }
0x41: {  	_ =	shalt  }
0x42: {  	_ =	shalt  }
0x43: {  	_ =	shalt  }
0x44: {  	_ =	shalt  }
0x45: {  	_ =	shalt  }
0x46: {  	_ =	shalt  }
0x47: {  	_ =	shalt  }
0x48: {  	_ =	shalt  }
0x49: {  	_ =	shalt  }
0x4a: {  	_ =	shalt  }
0x4b: {  	_ =	shalt  }
0x4c: {  	_ =	shalt  }
0x4d: {  	_ =	shalt  }
0x4e: {  	_ =	shalt  }
0x4f: {  	_ =	shalt  }
0x50: {  	_ =	shalt  }
0x51: {  	_ =	shalt  }
0x52: {  	_ =	shalt  }
0x53: {  	_ =	shalt  }
0x54: {  	_ =	shalt  }
0x55: {  	_ =	shalt  }
0x56: {  	_ =	shalt  }
0x57: {  	_ =	shalt  }
0x58: {  	_ =	shalt  }
0x59: {  	_ =	shalt  }
0x5a: {  	_ =	shalt  }
0x5b: {  	_ =	shalt  }
0x5c: {  	_ =	shalt  }
0x5d: {  	_ =	shalt  }
0x5e: {  	_ =	shalt  }
0x5f: {  	_ =	shalt  }
0x60: {  	_ =	shalt  }
0x61: {  	_ =	shalt  }
0x62: {  	_ =	shalt  }
0x63: {  	_ =	shalt  }
0x64: {  	_ =	shalt  }
0x65: {  	_ =	shalt  }
0x66: {  	_ =	shalt  }
0x67: {  	_ =	shalt  }
0x68: {  	_ =	shalt  }
0x69: {  	_ =	shalt  }
0x6a: {  	_ =	shalt  }
0x6b: {  	_ =	shalt  }
0x6c: {  	_ =	shalt  }
0x6d: {  	_ =	shalt  }
0x6e: {  	_ =	shalt  }
0x6f: {  	_ =	shalt  }
0x70: {  	_ =	shalt  }
0x71: {  	_ =	shalt  }
0x72: {  	_ =	shalt  }
0x73: {  	_ =	shalt  }
0x74: {  	_ =	shalt  }
0x75: {  	_ =	shalt  }
0x76: {  	_ =	shalt  }
0x77: {  	_ =	shalt  }
0x78: {  	_ =	shalt  }
0x79: {  	_ =	shalt  }
0x7a: {  	_ =	shalt  }
0x7b: {  	_ =	shalt  }
0x7c: {  	_ =	shalt  }
0x7d: {  	_ =	shalt  }
0x7e: {  	_ =	shalt  }
0x7f: {  	_ =	shalt  }
0x80: {  	_ =	shalt  }
0x81: {  	_ =	shalt  }
0x82: {  	_ =	shalt  }
0x83: {  	_ =	shalt  }
0x84: {  	_ =	shalt  }
0x85: {  	_ =	shalt  }
0x86: {  	_ =	shalt  }
0x87: {  	_ =	shalt  }
.Lfunc_end0:
.L_simem_size_0:
called_computation_lowered:
.L_overlay_start_0:
0x88: {  	s2 =	sld [smem:$0x3FD9]  }
0x89: {  	s3 =	sld [smem:$0x3FFE];
	_ =	sdelay $0x1  }
0x8a: {  	s1 =	srdreg.scid  }
0x8b: {  	s0 =	sand.u32 $0x1, s1  }
0x8c: {  	s16 =	sshll.u32 s0, $0xA;
	s2 =	sadd.s32 s3, s2  }
0x8d: {  	s2 =	sadd.s32 s2, s16  }
0x8e: {  	[smem:$0x3FC2] =	sst s2  }
0x8f: {  	_ = 	snop  }
0x90: {  	(tm) =	ssettm $0x1  }
0x91: {  	s17 =	sld [smem:$0x3FFB];
	_ =	sdelay $0x3  }
0x92: {  	_ =	strace s17  }
0x93: {  	s2 =	sld [smem:$0x3FFC];
	_ =	sdelay $0x3  }
0x94: {  	_ =	strace s2  }
0x95: {  	s2 =	sld [smem:$0x3FFD];
	_ =	sdelay $0x3  }
0x96: {  	_ =	strace s2  }
0x97: {  	_ =	strace $0x8FFFFFFF  }
0x98: {  	s18 =	sld [smem:$0x3FDB];
	_ =	sdelay $0x1  }
0x99: {  	s19 =	simm.s32 $_scs_section_size  }
0x9a: {  	s4 =	simm.s32 $_size__tile_overlayer_lowered;
	s5 =	simm.s32 $_tile_overlayer_lowered  }
0x9b: {  	s22 =	simm.s32 $0x1BFF;
	s21 =	sshll.u32 s5, $0x1;
	s2 =	sadd.s32 s19, s18  }
0x9c: {  	s6 =	simm.s32 $0x0;
	s20 =	sshll.u32 s4, $0x1;
	s4 =	sadd.s32 s21, s2  }
0x9d: {  	[timem:s6], [sflag:s22] =	dma.local [hbm:s4], s20  }
0x9e: {  	_ =	swait.ge [sflag:s22], s20  }
0x9f: {  	s3 =	ssub.s32 $0x0, s20;
	[sflag:s22] =	ssyncset.done $0x0  }
0xa0: {  	[sflag:s22] =	ssyncadd.s32 s3;
	_ =	sdelay $0x1  }
0xa1: {  	s23 =	simm.s32 $0x1B8B  }
0xa2: {  	_ =	swait.ge [sflag:s23], $0x1  }
0xa3: {  	[sflag:s23] =	ssyncset.done $0x0  }
0xa4: {  	s25 =	simm.s32 $0x1B8E;
	s24 =	sld [smem:$0x3FFE];
	[sflag:s23] =	ssyncadd.s32 $0xFFFFFFFF  }
0xa5: {  	s26 =	simm.s32 $execute0_lowered;
	[smem:$0x3FD2] =	sst s25  }
0xa6: {  	s4 =	sshll.u32 s26, $0x1;
	_ =	strace $0x80000046;
	[dreg:$0x1] =	wrdreg $0xFFFFFFFF  }
0xa7: {  	s28 =	simm.s32 $_size_execute0_lowered;
	s2 =	sadd.s32 s2, s4;
	[dreg:$0x0] =	wrdreg $0x0  }
0xa8: {  	s4 =	sshll.u32 s28, $0x1;
	[dreg:$0x2] =	wrdreg s2  }
0xa9: {  	[dreg:$0x3] =	wrdreg s4  }
0xaa: {  	[dreg:$0x4] =	wrdreg $0xC0  }
0xab: {  	_ =	task [dreg:s6], $0x5FFFF  }
0xac: {  	[dreg:$0x1] =	wrdreg $0xFFFFFFFF  }
0xad: {  	[dreg:$0x0] =	wrdreg $0x60  }
0xae: {  	[dreg:$0x2] =	wrdreg s24  }
0xaf: {  	[dreg:$0x3] =	wrdreg $0x9  }
0xb0: {  	_ =	task.clear_ibuf [dreg:s6], $0x4FFFF;
	_ =	strace $0x90000046  }
0xb1: {  	s29 =	simm.s32 $0x9;
	_ =	strace $0x80000048  }
0xb2: {  	_ =	swait.ge [sflag:s29], $0x1  }
0xb3: {  	[sflag:s29] =	ssyncadd.s32 $0xFFFFFFFF  }
0xb4: {  	_ =	strace $0x90000048  }
0xb5: {  	_ =	sfence  }
0xb6: {  	s30 =	sld [smem:$0x0];
	_ =	sdelay $0x2  }
0xb7: {  	s31 =	sshll.u32 s1, $0xD;
	s1 =	sshrl.u32 s1, $0x2  }
0xb8: {  	s3 =	sand.u32 $0x4000, s31;
	s1 =	sadd.s32 s1, s30  }
0xb9: {  	s0 =	sor.u32 s3, s0;
	s1 =	sshll.u32 s1, $0x11  }
0xba: {  	s0 =	sor.u32 s1, s0  }
0xbb: {  	s0 =	sadd.s32 $0x8F2B, s0  }
0xbc: {  	[sflag:s0] =	ssyncadd.remote.s32 $0x1  }
0xbd: {  	_ =	sfence.sel $0xFFFF  }
0xbe: {  	[dreg:$0x0] =	wrdreg $0xFFFFFFFF;
	(pc) =	sbr.abs _section_cstart, $3  }
0xbf: {  	[dreg:$0x1] =	wrdreg $0xFFFFFFFF  }
0xc0: {  	_ =	task.clear_ibuf [dreg:s6], $0x2FFFF;
	_ =	strace $0x9FFFFFFF  }
0xc1: {  	(tm) =	ssettm $0x7FFFFFFF  }
tec
execute0_lowered:
.L_overlay_start_1:
0x0: {  	(tag) =	ssettag $0x1  }
0x1: {  	s0 =	srdreg.scid  }
0x2: {  	s2 =	stileid.u32;
	s1 =	rddreg [dreg:$0x0]  }
0x3: {  	s11 =	simm.s32 $0x2;
	s12 =	simm.s32 $0x28;
	s20 =	simm.s32 $0x8700  }
0x4: {  	s21 =	simm.s32 $0x258;
	s22 =	simm.s32 $0x8980;
	s23 =	simm.s32 $0x280  }
0x5: {  	s24 =	simm.s32 $0x8C00;
	s28 =	simm.s32 $0x2D0;
	s29 =	simm.s32 $0x9100  }
0x6: {  	s30 =	simm.s32 $0x2F8;
	s31 =	simm.s32 $0x9380;
	s13 =	simm.s32 $0x0  }
0x7: {  	s0 =	sand.u32 $0x1, s0;
	s3 =	sshll.u32 s2, $0x8;
	s2 =	simm.s32 $0x0  }
0x8: {  	s4 =	sshll.u32 s0, $0x7;
	[smem:$0x7FF] =	sst s2;
	s0 =	ssub.s32 $0x2, s0  }
0x9: {  	s3 =	sor.u32 s4, s3;
	_ =	strace $0x80000047;
	s26 =	sshrl.u32 s0, $0x1  }
0xa: {  	s4 =	smul.u32 $0x19, s3;
	s25 =	sshll.u32 s3, $0x2;
	s3 =	sadd.s32 $0x19800, s1  }
.Ltmp0:
0xb: {  	s0 =	ssub.s32 s0, s26;
	s26 =	simm.s32 $0x8E80;
	(pc) =	sbr.rel .LBB2_1-.Ltmp0, $4  }
0xc: {  	s10 =	smax.u32 s0, $0x1;
	s0 =	simm.s32 $0x9600;
	s8 =	sadd.s32 s4, s1  }
0xd: {  	s1 =	sadd.s32 s25, s1;
	s25 =	simm.s32 $0x2A8;
	s4 =	sadd.s32 $0x800, s8  }
0xe: {  	s5 =	sadd.s32 $0x805, s8;
	s6 =	sadd.s32 $0x80A, s8;
	s7 =	sadd.s32 $0x80F, s8  }
0xf: {  	s8 =	sadd.s32 $0x814, s8;
	s9 =	sadd.s32 $0x209800, s1;
	s1 =	simm.s32 $0x1  }
.LBB2_22:
0x10: {  	s13 =	sadd.s32 $0x1, s13  }
0x11: {  	p0 =	sne.s32 s13, s10  }
.Ltmp1:
0x12: {  	_ = 	snop;
	(pc) =	sbr.rel @!p0 .LBB2_23-.Ltmp1, $4  }
0x13: {  	[hbm4b:s9+s2] =	stream.linear.scatter [tilespmem:s0], [sflag:$0x2], $0x1000, $0x38;
	[tilespmem:$0xA600] =	vst v63  }
0x14: {  	_ =	swait.ge [sflag:s11], $0x1000  }
0x15: {  	[sflag:s11] =	ssyncset.done $0x0  }
0x16: {  	[sflag:s11] =	ssyncadd.s32 $0xFFFFF000  }
.LBB2_1:
0x17: {  	s14 =	simm.s32 $0x19  }
0x18: {  	s17 =	sadd.s32 $0x0, s4;
	s15 =	simm.s32 $0xC8;
	s16 =	simm.s32 $0x0  }
.LBB2_2:
0x19: {  	[tilespmem:s16], [sflag:$0x2] =	stream.linear.gather [hbm4b:s17+s2], $0x28, $0x38;
	[tilespmem:$0xA600] =	vst v63  }
0x1a: {  	s17 =	smov.u32 s14;
	s16 =	smov.u32 s15;
	p0 =	sne.s32 s14, $0xC67  }
.Ltmp2:
0x1b: {  	s14 =	sadd.s32 $0x19, s14;
	(pc) =	sbr.rel @p0 .LBB2_2-.Ltmp2, $2  }
0x1c: {  	_ =	sdelay $0x2  }
0x1d: {  	s15 =	sadd.s32 $0xC8, s15;
	s17 =	sadd.s32 s17, s4  }
0x1e: {  	[tilespmem:s16], [sflag:$0x2] =	stream.linear.gather [hbm4b:s17+s2], $0x28, $0x38;
	[tilespmem:$0xA600] =	vst v63  }
0x1f: {  	_ =	swait.ge [sflag:s11], $0x1400  }
0x20: {  	s14 =	simm.s32 $0x28;
	s15 =	simm.s32 $0x19;
	[sflag:s11] =	ssyncset.done $0x0  }
0x21: {  	s17 =	sadd.s32 $0x0, s5;
	s16 =	simm.s32 $0xF0;
	[sflag:s11] =	ssyncadd.s32 $0xFFFFEC00  }
.LBB2_4:
0x22: {  	[tilespmem:s14], [sflag:$0x2] =	stream.linear.gather [hbm4b:s17+s2], $0x28, $0x38;
	[tilespmem:$0xA600] =	vst v63  }
0x23: {  	s17 =	smov.u32 s15;
	s14 =	smov.u32 s16;
	p0 =	sne.s32 s15, $0xC67  }
.Ltmp3:
0x24: {  	s15 =	sadd.s32 $0x19, s15;
	(pc) =	sbr.rel @p0 .LBB2_4-.Ltmp3, $2  }
0x25: {  	_ =	sdelay $0x2  }
0x26: {  	s16 =	sadd.s32 $0xC8, s16;
	s17 =	sadd.s32 s17, s5  }
0x27: {  	[tilespmem:s14], [sflag:$0x2] =	stream.linear.gather [hbm4b:s17+s2], $0x28, $0x38;
	[tilespmem:$0xA600] =	vst v63  }
0x28: {  	_ =	swait.ge [sflag:s11], $0x1400  }
0x29: {  	s14 =	simm.s32 $0x50;
	s15 =	simm.s32 $0x19;
	[sflag:s11] =	ssyncset.done $0x0  }
0x2a: {  	s17 =	sadd.s32 $0x0, s6;
	s16 =	simm.s32 $0x118;
	[sflag:s11] =	ssyncadd.s32 $0xFFFFEC00  }
.LBB2_6:
0x2b: {  	[tilespmem:s14], [sflag:$0x2] =	stream.linear.gather [hbm4b:s17+s2], $0x28, $0x38;
	[tilespmem:$0xA600] =	vst v63  }
0x2c: {  	s17 =	smov.u32 s15;
	s14 =	smov.u32 s16;
	p0 =	sne.s32 s15, $0xC67  }
.Ltmp4:
0x2d: {  	s15 =	sadd.s32 $0x19, s15;
	(pc) =	sbr.rel @p0 .LBB2_6-.Ltmp4, $2  }
0x2e: {  	_ =	sdelay $0x2  }
0x2f: {  	s16 =	sadd.s32 $0xC8, s16;
	s17 =	sadd.s32 s17, s6  }
0x30: {  	[tilespmem:s14], [sflag:$0x2] =	stream.linear.gather [hbm4b:s17+s2], $0x28, $0x38;
	[tilespmem:$0xA600] =	vst v63  }
0x31: {  	_ =	swait.ge [sflag:s11], $0x1400  }
0x32: {  	s14 =	simm.s32 $0x78;
	s15 =	simm.s32 $0x19;
	[sflag:s11] =	ssyncset.done $0x0  }
0x33: {  	s17 =	sadd.s32 $0x0, s7;
	s16 =	simm.s32 $0x140;
	[sflag:s11] =	ssyncadd.s32 $0xFFFFEC00  }
.LBB2_8:
0x34: {  	[tilespmem:s14], [sflag:$0x2] =	stream.linear.gather [hbm4b:s17+s2], $0x28, $0x38;
	[tilespmem:$0xA600] =	vst v63  }
0x35: {  	s17 =	smov.u32 s15;
	s14 =	smov.u32 s16;
	p0 =	sne.s32 s15, $0xC67  }
.Ltmp5:
0x36: {  	s15 =	sadd.s32 $0x19, s15;
	(pc) =	sbr.rel @p0 .LBB2_8-.Ltmp5, $2  }
0x37: {  	_ =	sdelay $0x2  }
0x38: {  	s16 =	sadd.s32 $0xC8, s16;
	s17 =	sadd.s32 s17, s7  }
0x39: {  	[tilespmem:s14], [sflag:$0x2] =	stream.linear.gather [hbm4b:s17+s2], $0x28, $0x38;
	[tilespmem:$0xA600] =	vst v63  }
0x3a: {  	_ =	swait.ge [sflag:s11], $0x1400  }
0x3b: {  	s14 =	simm.s32 $0xA0;
	s15 =	simm.s32 $0x19;
	[sflag:s11] =	ssyncset.done $0x0  }
0x3c: {  	s17 =	sadd.s32 $0x0, s8;
	s16 =	simm.s32 $0x168;
	[sflag:s11] =	ssyncadd.s32 $0xFFFFEC00  }
.LBB2_10:
0x3d: {  	[tilespmem:s14], [sflag:$0x2] =	stream.linear.gather [hbm4b:s17+s2], $0x28, $0x38;
	[tilespmem:$0xA600] =	vst v63  }
0x3e: {  	s17 =	smov.u32 s15;
	s14 =	smov.u32 s16;
	p0 =	sne.s32 s15, $0xC67  }
.Ltmp6:
0x3f: {  	s15 =	sadd.s32 $0x19, s15;
	(pc) =	sbr.rel @p0 .LBB2_10-.Ltmp6, $2  }
0x40: {  	_ =	sdelay $0x2  }
0x41: {  	s16 =	sadd.s32 $0xC8, s16;
	s17 =	sadd.s32 s17, s8  }
0x42: {  	[tilespmem:s14], [sflag:$0x2] =	stream.linear.gather [hbm4b:s17+s2], $0x28, $0x38;
	[tilespmem:$0xA600] =	vst v63  }
0x43: {  	_ =	swait.ge [sflag:s11], $0x1400  }
0x44: {  	[sflag:s11] =	ssyncset.done $0x0  }
0x45: {  	s14 =	simm.s32 $0x0;
	s15 =	simm.s32 $0x6400;
	[sflag:s11] =	ssyncadd.s32 $0xFFFFEC00  }
0x46: {  	[tilespmem:s15], [sflag:$0x1] =	stream.indirect.gather [hbm4b:s3+s12], $0x10, s14, s12, $0xb8;
	[tilespmem:$0xA600] =	vst v63  }
0x47: {  	s18 =	simm.s32 $0x6680  }
0x48: {  	[tilespmem:s18], [sflag:$0x1] =	stream.indirect.gather [hbm4b:s3+s12], $0x10, s12, s12, $0xb8;
	[tilespmem:$0xA600] =	vst v63  }
0x49: {  	s19 =	simm.s32 $0x50;
	s16 =	simm.s32 $0x6900  }
0x4a: {  	[tilespmem:s16], [sflag:$0x1] =	stream.indirect.gather [hbm4b:s3+s12], $0x10, s19, s12, $0xb8;
	[tilespmem:$0xA600] =	vst v63  }
0x4b: {  	s17 =	simm.s32 $0x6B80;
	s16 =	simm.s32 $0x78  }
0x4c: {  	[tilespmem:s17], [sflag:$0x1] =	stream.indirect.gather [hbm4b:s3+s12], $0x10, s16, s12, $0xb8;
	[tilespmem:$0xA600] =	vst v63  }
0x4d: {  	s18 =	simm.s32 $0xA0;
	s19 =	simm.s32 $0x6E00  }
0x4e: {  	[tilespmem:s19], [sflag:$0x1] =	stream.indirect.gather [hbm4b:s3+s12], $0x10, s18, s12, $0xb8;
	[tilespmem:$0xA600] =	vst v63  }
0x4f: {  	s16 =	simm.s32 $0xC8;
	s17 =	simm.s32 $0x7080  }
0x50: {  	[tilespmem:s17], [sflag:$0x1] =	stream.indirect.gather [hbm4b:s3+s12], $0x10, s16, s12, $0xb8;
	[tilespmem:$0xA600] =	vst v63  }
0x51: {  	s18 =	simm.s32 $0xF0;
	s19 =	simm.s32 $0x7300  }
0x52: {  	[tilespmem:s19], [sflag:$0x1] =	stream.indirect.gather [hbm4b:s3+s12], $0x10, s18, s12, $0xb8;
	[tilespmem:$0xA600] =	vst v63  }
0x53: {  	s16 =	simm.s32 $0x118;
	s17 =	simm.s32 $0x7580  }
0x54: {  	[tilespmem:s17], [sflag:$0x1] =	stream.indirect.gather [hbm4b:s3+s12], $0x10, s16, s12, $0xb8;
	[tilespmem:$0xA600] =	vst v63  }
0x55: {  	s18 =	simm.s32 $0x140;
	s19 =	simm.s32 $0x7800  }
0x56: {  	[tilespmem:s19], [sflag:$0x1] =	stream.indirect.gather [hbm4b:s3+s12], $0x10, s18, s12, $0xb8;
	[tilespmem:$0xA600] =	vst v63  }
0x57: {  	s16 =	simm.s32 $0x168;
	s17 =	simm.s32 $0x7A80  }
0x58: {  	[tilespmem:s17], [sflag:$0x1] =	stream.indirect.gather [hbm4b:s3+s12], $0x10, s16, s12, $0xb8;
	[tilespmem:$0xA600] =	vst v63  }
0x59: {  	s18 =	simm.s32 $0x190;
	s19 =	simm.s32 $0x7D00  }
0x5a: {  	[tilespmem:s19], [sflag:$0x1] =	stream.indirect.gather [hbm4b:s3+s12], $0x10, s18, s12, $0xb8;
	[tilespmem:$0xA600] =	vst v63  }
0x5b: {  	s16 =	simm.s32 $0x1B8;
	s17 =	simm.s32 $0x7F80  }
0x5c: {  	[tilespmem:s17], [sflag:$0x1] =	stream.indirect.gather [hbm4b:s3+s12], $0x10, s16, s12, $0xb8;
	[tilespmem:$0xA600] =	vst v63  }
0x5d: {  	s18 =	simm.s32 $0x1E0;
	s19 =	simm.s32 $0x8200  }
0x5e: {  	[tilespmem:s19], [sflag:$0x1] =	stream.indirect.gather [hbm4b:s3+s12], $0x10, s18, s12, $0xb8;
	[tilespmem:$0xA600] =	vst v63  }
0x5f: {  	s17 =	simm.s32 $0x208;
	s18 =	simm.s32 $0x8480  }
0x60: {  	[tilespmem:s18], [sflag:$0x1] =	stream.indirect.gather [hbm4b:s3+s12], $0x10, s17, s12, $0xb8;
	[tilespmem:$0xA600] =	vst v63  }
0x61: {  	s19 =	simm.s32 $0x230  }
0x62: {  	[tilespmem:s20], [sflag:$0x1] =	stream.indirect.gather [hbm4b:s3+s12], $0x10, s19, s12, $0xb8;
	[tilespmem:$0xA600] =	vst v63  }
0x63: {  	_ = 	snop  }
0x64: {  	[tilespmem:s22], [sflag:$0x1] =	stream.indirect.gather [hbm4b:s3+s12], $0x10, s21, s12, $0xb8;
	[tilespmem:$0xA600] =	vst v63  }
0x65: {  	_ = 	snop  }
0x66: {  	[tilespmem:s24], [sflag:$0x1] =	stream.indirect.gather [hbm4b:s3+s12], $0x10, s23, s12, $0xb8;
	[tilespmem:$0xA600] =	vst v63  }
0x67: {  	_ = 	snop  }
0x68: {  	[tilespmem:s26], [sflag:$0x1] =	stream.indirect.gather [hbm4b:s3+s12], $0x10, s25, s12, $0xb8;
	[tilespmem:$0xA600] =	vst v63  }
0x69: {  	_ = 	snop  }
0x6a: {  	[tilespmem:s29], [sflag:$0x1] =	stream.indirect.gather [hbm4b:s3+s12], $0x10, s28, s12, $0xb8;
	[tilespmem:$0xA600] =	vst v63  }
0x6b: {  	_ = 	snop  }
0x6c: {  	[tilespmem:s31], [sflag:$0x1] =	stream.indirect.gather [hbm4b:s3+s12], $0x10, s30, s12, $0xb8;
	[tilespmem:$0xA600] =	vst v63  }
.LBB2_12:
0x6d: {  	_ =	swait.ge [sflag:s1], $0x280  }
0x6e: {  	[sflag:s1] =	ssyncset.done $0x0  }
0x6f: {  	[sflag:s1] =	ssyncadd.s32 $0xFFFFFD80  }
0x70: {  	_ =	swait.ge [sflag:s1], $0x280  }
0x71: {  	[sflag:s1] =	ssyncset.done $0x0  }
0x72: {  	[sflag:s1] =	ssyncadd.s32 $0xFFFFFD80  }
0x73: {  	_ =	swait.ge [sflag:s1], $0x280  }
0x74: {  	[sflag:s1] =	ssyncset.done $0x0  }
0x75: {  	[sflag:s1] =	ssyncadd.s32 $0xFFFFFD80  }
0x76: {  	_ =	swait.ge [sflag:s1], $0x280  }
0x77: {  	[sflag:s1] =	ssyncset.done $0x0  }
0x78: {  	[sflag:s1] =	ssyncadd.s32 $0xFFFFFD80  }
0x79: {  	_ =	swait.ge [sflag:s1], $0x280  }
0x7a: {  	[sflag:s1] =	ssyncset.done $0x0  }
0x7b: {  	s16 =	simm.s32 $0x6440;
	[sflag:s1] =	ssyncadd.s32 $0xFFFFFD80  }
0x7c: {  	v0 =	vld [tilespmem:s16+$0xFFFFFFC0];
	_ =	sdelay $0x1  }
0x7d: {  	v1 =	vld [tilespmem:s16+$0xFFFFFFD0];
	_ =	sdelay $0x1  }
0x7e: {  	v2 =	vld [tilespmem:s16+$0xFFFFFFE0]  }
0x7f: {  	v3 =	vimm.f32 $0.0e+00;
	v4 =	vunpack.i.l.bf16.f32 v0;
	v0 =	vunpack.i.u.bf16.f32 v0  }
0x80: {  	v5 =	vld [tilespmem:s16+$0xFFFFFFF0];
	v4 =	vadd.f32 v4, v3;
	v0 =	vadd.f32 v0, v3  }
0x81: {  	v3 =	vunpack.i.l.bf16.f32 v1;
	v1 =	vunpack.i.u.bf16.f32 v1  }
0x82: {  	v3 =	vadd.f32 v3, v4;
	v4 =	vld [tilespmem:s16+$0x0];
	v0 =	vadd.f32 v1, v0  }
0x83: {  	v1 =	vunpack.i.l.bf16.f32 v2;
	v2 =	vunpack.i.u.bf16.f32 v2  }
0x84: {  	v6 =	vld [tilespmem:s16+$0x10];
	v1 =	vadd.f32 v1, v3;
	v0 =	vadd.f32 v2, v0  }
0x85: {  	v2 =	vunpack.i.l.bf16.f32 v5;
	v3 =	vunpack.i.u.bf16.f32 v5  }
0x86: {  	v1 =	vadd.f32 v2, v1;
	v3 =	vadd.f32 v3, v0;
	v0 =	vld [tilespmem:s16+$0x20]  }
0x87: {  	v2 =	vunpack.i.l.bf16.f32 v4;
	v4 =	vunpack.i.u.bf16.f32 v4  }
0x88: {  	v2 =	vadd.f32 v2, v1;
	v3 =	vadd.f32 v4, v3;
	v1 =	vld [tilespmem:s16+$0x30]  }
0x89: {  	s15 =	simm.s32 $0x0;
	v5 =	vunpack.i.l.bf16.f32 v6;
	v4 =	vunpack.i.u.bf16.f32 v6;
	s16 =	simm.s32 $0x64C0  }
.LBB2_13:
0x8a: {  	v6 =	vld [tilespmem:s16+$0xFFFFFFC0];
	s15 =	sadd.s32 $0x8, s15;
	v2 =	vadd.f32 v5, v2;
	v3 =	vadd.f32 v4, v3  }
0x8b: {  	p0 =	slt.u32 s15, $0xC0;
	v4 =	vunpack.i.u.bf16.f32 v0;
	v0 =	vunpack.i.l.bf16.f32 v0  }
0x8c: {  	v5 =	vld [tilespmem:s16+$0xFFFFFFD0];
	v0 =	vadd.f32 v0, v2;
	v2 =	vadd.f32 v4, v3  }
0x8d: {  	v3 =	vunpack.i.u.bf16.f32 v1;
	v1 =	vunpack.i.l.bf16.f32 v1  }
0x8e: {  	v4 =	vld [tilespmem:s16+$0xFFFFFFE0];
	v0 =	vadd.f32 v1, v0;
	v1 =	vadd.f32 v3, v2  }
0x8f: {  	v2 =	vunpack.i.u.bf16.f32 v6;
	v3 =	vunpack.i.l.bf16.f32 v6  }
0x90: {  	v0 =	vadd.f32 v3, v0;
	v1 =	vadd.f32 v2, v1;
	v2 =	vld [tilespmem:s16+$0xFFFFFFF0]  }
0x91: {  	v3 =	vunpack.i.u.bf16.f32 v5;
	v5 =	vunpack.i.l.bf16.f32 v5  }
0x92: {  	v0 =	vadd.f32 v5, v0;
	v1 =	vadd.f32 v3, v1;
	v3 =	vld [tilespmem:s16+$0x0]  }
0x93: {  	v5 =	vunpack.i.u.bf16.f32 v4;
	v4 =	vunpack.i.l.bf16.f32 v4  }
0x94: {  	v0 =	vadd.f32 v4, v0;
	v1 =	vadd.f32 v5, v1;
	v5 =	vld [tilespmem:s16+$0x10]  }
.Ltmp7:
0x95: {  	v4 =	vunpack.i.u.bf16.f32 v2;
	v2 =	vunpack.i.l.bf16.f32 v2;
	(pc) =	sbr.rel @p0 .LBB2_13-.Ltmp7, $4  }
0x96: {  	v2 =	vadd.f32 v2, v0;
	v1 =	vadd.f32 v4, v1;
	v0 =	vld [tilespmem:s16+$0x20]  }
0x97: {  	v4 =	vunpack.i.u.bf16.f32 v3;
	v3 =	vunpack.i.l.bf16.f32 v3  }
0x98: {  	v2 =	vadd.f32 v3, v2;
	v3 =	vadd.f32 v4, v1;
	v1 =	vld [tilespmem:s16+$0x30]  }
0x99: {  	s16 =	sadd.s32 $0x80, s16;
	v4 =	vunpack.i.u.bf16.f32 v5;
	v5 =	vunpack.i.l.bf16.f32 v5  }
0x9a: {  	v2 =	vadd.f32 v5, v2  }
0x9b: {  	v3 =	vadd.f32 v4, v3;
	v4 =	vunpack.i.l.bf16.f32 v0  }
0x9c: {  	v0 =	vunpack.i.u.bf16.f32 v0;
	v2 =	vadd.f32 v4, v2  }
0x9d: {  	v0 =	vadd.f32 v0, v3;
	v3 =	vunpack.i.l.bf16.f32 v1  }
0x9e: {  	v1 =	vunpack.i.u.bf16.f32 v1;
	v2 =	vadd.f32 v3, v2  }
0x9f: {  	p0 =	seq.s32 s14, $0x1F;
	v0 =	vadd.f32 v1, v0  }
0xa0: {  	s15 =	sshll.u32 s14, $0x7;
	s16 =	smul.u32 @!p0 $0xC80, s14;
	v1 =	vmul.f32 $4.999999890e-03, v2  }
0xa1: {  	s15 =	sand.u32 $0x3FFFFF80, s15;
	v0 =	vmul.f32 $4.999999890e-03, v0  }
0xa2: {  	s16 =	sshra.s32 @!p0 s16, $0x2;
	[tilespmem:s15+$0x9600] =	vst v1  }
0xa3: {  	s18 =	simm.s32 @!p0 $0x28;
	s19 =	simm.s32 @!p0 $0x6400;
	s17 =	sadd.s32 @!p0 $0x320, s16;
	[tilespmem:s15+$0x9610] =	vst v0  }
0xa4: {  	[tilespmem:s19], [sflag:$0x1] =	stream.indirect.gather @!p0 [hbm4b:s3+s18], $0x10, s17, s18, $0xb8;
	[tilespmem:$0xA600] =	vst v63  }
0xa5: {  	s17 =	sadd.s32 @!p0 $0x348, s16;
	s19 =	simm.s32 @!p0 $0x6680  }
0xa6: {  	[tilespmem:s19], [sflag:$0x1] =	stream.indirect.gather @!p0 [hbm4b:s3+s18], $0x10, s17, s18, $0xb8;
	[tilespmem:$0xA600] =	vst v63  }
0xa7: {  	s17 =	sadd.s32 @!p0 $0x370, s16;
	s19 =	simm.s32 @!p0 $0x6900  }
0xa8: {  	[tilespmem:s19], [sflag:$0x1] =	stream.indirect.gather @!p0 [hbm4b:s3+s18], $0x10, s17, s18, $0xb8;
	[tilespmem:$0xA600] =	vst v63  }
0xa9: {  	s17 =	sadd.s32 @!p0 $0x398, s16;
	s19 =	simm.s32 @!p0 $0x6B80  }
0xaa: {  	[tilespmem:s19], [sflag:$0x1] =	stream.indirect.gather @!p0 [hbm4b:s3+s18], $0x10, s17, s18, $0xb8;
	[tilespmem:$0xA600] =	vst v63  }
0xab: {  	s17 =	sadd.s32 @!p0 $0x3C0, s16;
	s19 =	simm.s32 @!p0 $0x6E00  }
0xac: {  	[tilespmem:s19], [sflag:$0x1] =	stream.indirect.gather @!p0 [hbm4b:s3+s18], $0x10, s17, s18, $0xb8;
	[tilespmem:$0xA600] =	vst v63  }
0xad: {  	_ =	swait.ge [sflag:s1], $0x280  }
0xae: {  	[sflag:s1] =	ssyncset.done $0x0  }
0xaf: {  	[sflag:s1] =	ssyncadd.s32 $0xFFFFFD80  }
0xb0: {  	_ =	swait.ge [sflag:s1], $0x280  }
0xb1: {  	[sflag:s1] =	ssyncset.done $0x0  }
0xb2: {  	[sflag:s1] =	ssyncadd.s32 $0xFFFFFD80  }
0xb3: {  	_ =	swait.ge [sflag:s1], $0x280  }
0xb4: {  	[sflag:s1] =	ssyncset.done $0x0  }
0xb5: {  	[sflag:s1] =	ssyncadd.s32 $0xFFFFFD80  }
0xb6: {  	_ =	swait.ge [sflag:s1], $0x280  }
0xb7: {  	[sflag:s1] =	ssyncset.done $0x0  }
0xb8: {  	[sflag:s1] =	ssyncadd.s32 $0xFFFFFD80  }
0xb9: {  	_ =	swait.ge [sflag:s1], $0x280  }
0xba: {  	[sflag:s1] =	ssyncset.done $0x0  }
0xbb: {  	s19 =	simm.s32 $0x70F0;
	[sflag:s1] =	ssyncadd.s32 $0xFFFFFD80  }
0xbc: {  	v0 =	vld [tilespmem:s19+$0xFFFFFF90];
	_ =	sdelay $0x1  }
0xbd: {  	v1 =	vld [tilespmem:s19+$0xFFFFFFA0];
	_ =	sdelay $0x1  }
0xbe: {  	v2 =	vld [tilespmem:s19+$0xFFFFFFB0]  }
0xbf: {  	v3 =	vimm.f32 $0.0e+00;
	v4 =	vunpack.i.l.bf16.f32 v0;
	v0 =	vunpack.i.u.bf16.f32 v0  }
0xc0: {  	v5 =	vld [tilespmem:s19+$0xFFFFFFC0];
	v4 =	vadd.f32 v4, v3;
	v0 =	vadd.f32 v0, v3  }
0xc1: {  	v3 =	vunpack.i.l.bf16.f32 v1;
	v1 =	vunpack.i.u.bf16.f32 v1  }
0xc2: {  	v3 =	vadd.f32 v3, v4;
	v4 =	vld [tilespmem:s19+$0xFFFFFFD0];
	v0 =	vadd.f32 v1, v0  }
0xc3: {  	v1 =	vunpack.i.l.bf16.f32 v2;
	v2 =	vunpack.i.u.bf16.f32 v2  }
0xc4: {  	v6 =	vld [tilespmem:s19+$0xFFFFFFE0];
	v1 =	vadd.f32 v1, v3;
	v0 =	vadd.f32 v2, v0  }
0xc5: {  	v2 =	vunpack.i.l.bf16.f32 v5;
	v3 =	vunpack.i.u.bf16.f32 v5  }
0xc6: {  	v1 =	vadd.f32 v2, v1;
	v3 =	vadd.f32 v3, v0;
	v0 =	vld [tilespmem:s19+$0xFFFFFFF0]  }
0xc7: {  	v2 =	vunpack.i.l.bf16.f32 v4;
	v4 =	vunpack.i.u.bf16.f32 v4  }
0xc8: {  	v2 =	vadd.f32 v2, v1;
	v3 =	vadd.f32 v4, v3;
	v1 =	vld [tilespmem:s19+$0x0]  }
0xc9: {  	s17 =	simm.s32 $0x0;
	s18 =	simm.s32 $0x7170;
	v5 =	vunpack.i.l.bf16.f32 v6;
	v4 =	vunpack.i.u.bf16.f32 v6  }
.LBB2_15:
0xca: {  	v6 =	vld [tilespmem:s18+$0xFFFFFF90];
	s17 =	sadd.s32 $0x8, s17;
	v2 =	vadd.f32 v5, v2;
	v3 =	vadd.f32 v4, v3  }
0xcb: {  	p1 =	slt.u32 s17, $0xC0;
	v4 =	vunpack.i.u.bf16.f32 v0;
	v0 =	vunpack.i.l.bf16.f32 v0  }
0xcc: {  	v5 =	vld [tilespmem:s18+$0xFFFFFFA0];
	v0 =	vadd.f32 v0, v2;
	v2 =	vadd.f32 v4, v3  }
0xcd: {  	v3 =	vunpack.i.u.bf16.f32 v1;
	v1 =	vunpack.i.l.bf16.f32 v1  }
0xce: {  	v4 =	vld [tilespmem:s18+$0xFFFFFFB0];
	v0 =	vadd.f32 v1, v0;
	v1 =	vadd.f32 v3, v2  }
0xcf: {  	v2 =	vunpack.i.u.bf16.f32 v6;
	v3 =	vunpack.i.l.bf16.f32 v6  }
0xd0: {  	v0 =	vadd.f32 v3, v0;
	v1 =	vadd.f32 v2, v1;
	v2 =	vld [tilespmem:s18+$0xFFFFFFC0]  }
0xd1: {  	v3 =	vunpack.i.u.bf16.f32 v5;
	v5 =	vunpack.i.l.bf16.f32 v5  }
0xd2: {  	v0 =	vadd.f32 v5, v0;
	v1 =	vadd.f32 v3, v1;
	v3 =	vld [tilespmem:s18+$0xFFFFFFD0]  }
0xd3: {  	v5 =	vunpack.i.u.bf16.f32 v4;
	v4 =	vunpack.i.l.bf16.f32 v4  }
0xd4: {  	v0 =	vadd.f32 v4, v0;
	v1 =	vadd.f32 v5, v1;
	v5 =	vld [tilespmem:s18+$0xFFFFFFE0]  }
.Ltmp8:
0xd5: {  	v4 =	vunpack.i.u.bf16.f32 v2;
	v2 =	vunpack.i.l.bf16.f32 v2;
	(pc) =	sbr.rel @p1 .LBB2_15-.Ltmp8, $4  }
0xd6: {  	v2 =	vadd.f32 v2, v0;
	v1 =	vadd.f32 v4, v1;
	v0 =	vld [tilespmem:s18+$0xFFFFFFF0]  }
0xd7: {  	v4 =	vunpack.i.u.bf16.f32 v3;
	v3 =	vunpack.i.l.bf16.f32 v3  }
0xd8: {  	v2 =	vadd.f32 v3, v2;
	v3 =	vadd.f32 v4, v1;
	v1 =	vld [tilespmem:s18+$0x0]  }
0xd9: {  	s18 =	sadd.s32 $0x80, s18;
	v4 =	vunpack.i.u.bf16.f32 v5;
	v5 =	vunpack.i.l.bf16.f32 v5  }
0xda: {  	v2 =	vadd.f32 v5, v2  }
0xdb: {  	v3 =	vadd.f32 v4, v3;
	v4 =	vunpack.i.l.bf16.f32 v0  }
0xdc: {  	v0 =	vunpack.i.u.bf16.f32 v0;
	v2 =	vadd.f32 v4, v2  }
0xdd: {  	v0 =	vadd.f32 v0, v3;
	v3 =	vunpack.i.l.bf16.f32 v1  }
0xde: {  	v1 =	vunpack.i.u.bf16.f32 v1;
	v2 =	vadd.f32 v3, v2  }
0xdf: {  	v0 =	vadd.f32 v1, v0  }
0xe0: {  	v1 =	vmul.f32 $4.999999890e-03, v2  }
0xe1: {  	v0 =	vmul.f32 $4.999999890e-03, v0  }
0xe2: {  	[tilespmem:s15+$0x9620] =	vst v1  }
0xe3: {  	s17 =	sadd.s32 @!p0 $0x3E8, s16;
	s18 =	simm.s32 @!p0 $0x28;
	s19 =	simm.s32 @!p0 $0x7080;
	[tilespmem:s15+$0x9630] =	vst v0  }
0xe4: {  	[tilespmem:s19], [sflag:$0x1] =	stream.indirect.gather @!p0 [hbm4b:s3+s18], $0x10, s17, s18, $0xb8;
	[tilespmem:$0xA600] =	vst v63  }
0xe5: {  	s17 =	sadd.s32 @!p0 $0x410, s16;
	s19 =	simm.s32 @!p0 $0x7300  }
0xe6: {  	[tilespmem:s19], [sflag:$0x1] =	stream.indirect.gather @!p0 [hbm4b:s3+s18], $0x10, s17, s18, $0xb8;
	[tilespmem:$0xA600] =	vst v63  }
0xe7: {  	s17 =	sadd.s32 @!p0 $0x438, s16;
	s19 =	simm.s32 @!p0 $0x7580  }
0xe8: {  	[tilespmem:s19], [sflag:$0x1] =	stream.indirect.gather @!p0 [hbm4b:s3+s18], $0x10, s17, s18, $0xb8;
	[tilespmem:$0xA600] =	vst v63  }
0xe9: {  	s17 =	sadd.s32 @!p0 $0x460, s16;
	s19 =	simm.s32 @!p0 $0x7800  }
0xea: {  	[tilespmem:s19], [sflag:$0x1] =	stream.indirect.gather @!p0 [hbm4b:s3+s18], $0x10, s17, s18, $0xb8;
	[tilespmem:$0xA600] =	vst v63  }
0xeb: {  	s17 =	sadd.s32 @!p0 $0x488, s16;
	s19 =	simm.s32 @!p0 $0x7A80  }
0xec: {  	[tilespmem:s19], [sflag:$0x1] =	stream.indirect.gather @!p0 [hbm4b:s3+s18], $0x10, s17, s18, $0xb8;
	[tilespmem:$0xA600] =	vst v63  }
0xed: {  	_ =	swait.ge [sflag:s1], $0x280  }
0xee: {  	[sflag:s1] =	ssyncset.done $0x0  }
0xef: {  	[sflag:s1] =	ssyncadd.s32 $0xFFFFFD80  }
0xf0: {  	_ =	swait.ge [sflag:s1], $0x280  }
0xf1: {  	[sflag:s1] =	ssyncset.done $0x0  }
0xf2: {  	[sflag:s1] =	ssyncadd.s32 $0xFFFFFD80  }
0xf3: {  	_ =	swait.ge [sflag:s1], $0x280  }
0xf4: {  	[sflag:s1] =	ssyncset.done $0x0  }
0xf5: {  	[sflag:s1] =	ssyncadd.s32 $0xFFFFFD80  }
0xf6: {  	_ =	swait.ge [sflag:s1], $0x280  }
0xf7: {  	[sflag:s1] =	ssyncset.done $0x0  }
0xf8: {  	[sflag:s1] =	ssyncadd.s32 $0xFFFFFD80  }
0xf9: {  	_ =	swait.ge [sflag:s1], $0x280  }
0xfa: {  	[sflag:s1] =	ssyncset.done $0x0  }
0xfb: {  	s19 =	simm.s32 $0x7D70;
	[sflag:s1] =	ssyncadd.s32 $0xFFFFFD80  }
0xfc: {  	v0 =	vld [tilespmem:s19+$0xFFFFFF90];
	_ =	sdelay $0x1  }
0xfd: {  	v1 =	vld [tilespmem:s19+$0xFFFFFFA0];
	_ =	sdelay $0x1  }
0xfe: {  	v2 =	vld [tilespmem:s19+$0xFFFFFFB0]  }
0xff: {  	v3 =	vimm.f32 $0.0e+00;
	v4 =	vunpack.i.l.bf16.f32 v0;
	v0 =	vunpack.i.u.bf16.f32 v0  }
0x100: {  	v5 =	vld [tilespmem:s19+$0xFFFFFFC0];
	v4 =	vadd.f32 v4, v3;
	v0 =	vadd.f32 v0, v3  }
0x101: {  	v3 =	vunpack.i.l.bf16.f32 v1;
	v1 =	vunpack.i.u.bf16.f32 v1  }
0x102: {  	v3 =	vadd.f32 v3, v4;
	v4 =	vld [tilespmem:s19+$0xFFFFFFD0];
	v0 =	vadd.f32 v1, v0  }
0x103: {  	v1 =	vunpack.i.l.bf16.f32 v2;
	v2 =	vunpack.i.u.bf16.f32 v2  }
0x104: {  	v6 =	vld [tilespmem:s19+$0xFFFFFFE0];
	v1 =	vadd.f32 v1, v3;
	v0 =	vadd.f32 v2, v0  }
0x105: {  	v2 =	vunpack.i.l.bf16.f32 v5;
	v3 =	vunpack.i.u.bf16.f32 v5  }
0x106: {  	v1 =	vadd.f32 v2, v1;
	v3 =	vadd.f32 v3, v0;
	v0 =	vld [tilespmem:s19+$0xFFFFFFF0]  }
0x107: {  	v2 =	vunpack.i.l.bf16.f32 v4;
	v4 =	vunpack.i.u.bf16.f32 v4  }
0x108: {  	v2 =	vadd.f32 v2, v1;
	v3 =	vadd.f32 v4, v3;
	v1 =	vld [tilespmem:s19+$0x0]  }
0x109: {  	s17 =	simm.s32 $0x0;
	s18 =	simm.s32 $0x7DF0;
	v5 =	vunpack.i.l.bf16.f32 v6;
	v4 =	vunpack.i.u.bf16.f32 v6  }
.LBB2_17:
0x10a: {  	v6 =	vld [tilespmem:s18+$0xFFFFFF90];
	s17 =	sadd.s32 $0x8, s17;
	v2 =	vadd.f32 v5, v2;
	v3 =	vadd.f32 v4, v3  }
0x10b: {  	p1 =	slt.u32 s17, $0xC0;
	v4 =	vunpack.i.u.bf16.f32 v0;
	v0 =	vunpack.i.l.bf16.f32 v0  }
0x10c: {  	v5 =	vld [tilespmem:s18+$0xFFFFFFA0];
	v0 =	vadd.f32 v0, v2;
	v2 =	vadd.f32 v4, v3  }
0x10d: {  	v3 =	vunpack.i.u.bf16.f32 v1;
	v1 =	vunpack.i.l.bf16.f32 v1  }
0x10e: {  	v4 =	vld [tilespmem:s18+$0xFFFFFFB0];
	v0 =	vadd.f32 v1, v0;
	v1 =	vadd.f32 v3, v2  }
0x10f: {  	v2 =	vunpack.i.u.bf16.f32 v6;
	v3 =	vunpack.i.l.bf16.f32 v6  }
0x110: {  	v0 =	vadd.f32 v3, v0;
	v1 =	vadd.f32 v2, v1;
	v2 =	vld [tilespmem:s18+$0xFFFFFFC0]  }
0x111: {  	v3 =	vunpack.i.u.bf16.f32 v5;
	v5 =	vunpack.i.l.bf16.f32 v5  }
0x112: {  	v0 =	vadd.f32 v5, v0;
	v1 =	vadd.f32 v3, v1;
	v3 =	vld [tilespmem:s18+$0xFFFFFFD0]  }
0x113: {  	v5 =	vunpack.i.u.bf16.f32 v4;
	v4 =	vunpack.i.l.bf16.f32 v4  }
0x114: {  	v0 =	vadd.f32 v4, v0;
	v1 =	vadd.f32 v5, v1;
	v5 =	vld [tilespmem:s18+$0xFFFFFFE0]  }
.Ltmp9:
0x115: {  	v4 =	vunpack.i.u.bf16.f32 v2;
	v2 =	vunpack.i.l.bf16.f32 v2;
	(pc) =	sbr.rel @p1 .LBB2_17-.Ltmp9, $4  }
0x116: {  	v2 =	vadd.f32 v2, v0;
	v1 =	vadd.f32 v4, v1;
	v0 =	vld [tilespmem:s18+$0xFFFFFFF0]  }
0x117: {  	v4 =	vunpack.i.u.bf16.f32 v3;
	v3 =	vunpack.i.l.bf16.f32 v3  }
0x118: {  	v2 =	vadd.f32 v3, v2;
	v3 =	vadd.f32 v4, v1;
	v1 =	vld [tilespmem:s18+$0x0]  }
0x119: {  	s18 =	sadd.s32 $0x80, s18;
	v4 =	vunpack.i.u.bf16.f32 v5;
	v5 =	vunpack.i.l.bf16.f32 v5  }
0x11a: {  	v2 =	vadd.f32 v5, v2  }
0x11b: {  	v3 =	vadd.f32 v4, v3;
	v4 =	vunpack.i.l.bf16.f32 v0  }
0x11c: {  	v0 =	vunpack.i.u.bf16.f32 v0;
	v2 =	vadd.f32 v4, v2  }
0x11d: {  	v0 =	vadd.f32 v0, v3;
	v3 =	vunpack.i.l.bf16.f32 v1  }
0x11e: {  	v1 =	vunpack.i.u.bf16.f32 v1;
	v2 =	vadd.f32 v3, v2  }
0x11f: {  	v0 =	vadd.f32 v1, v0  }
0x120: {  	v1 =	vmul.f32 $4.999999890e-03, v2  }
0x121: {  	v0 =	vmul.f32 $4.999999890e-03, v0  }
0x122: {  	[tilespmem:s15+$0x9640] =	vst v1  }
0x123: {  	s17 =	sadd.s32 @!p0 $0x4B0, s16;
	s18 =	simm.s32 @!p0 $0x28;
	s19 =	simm.s32 @!p0 $0x7D00;
	[tilespmem:s15+$0x9650] =	vst v0  }
0x124: {  	[tilespmem:s19], [sflag:$0x1] =	stream.indirect.gather @!p0 [hbm4b:s3+s18], $0x10, s17, s18, $0xb8;
	[tilespmem:$0xA600] =	vst v63  }
0x125: {  	s17 =	sadd.s32 @!p0 $0x4D8, s16;
	s19 =	simm.s32 @!p0 $0x7F80  }
0x126: {  	[tilespmem:s19], [sflag:$0x1] =	stream.indirect.gather @!p0 [hbm4b:s3+s18], $0x10, s17, s18, $0xb8;
	[tilespmem:$0xA600] =	vst v63  }
0x127: {  	s17 =	sadd.s32 @!p0 $0x500, s16;
	s19 =	simm.s32 @!p0 $0x8200  }
0x128: {  	[tilespmem:s19], [sflag:$0x1] =	stream.indirect.gather @!p0 [hbm4b:s3+s18], $0x10, s17, s18, $0xb8;
	[tilespmem:$0xA600] =	vst v63  }
0x129: {  	s17 =	sadd.s32 @!p0 $0x528, s16;
	s19 =	simm.s32 @!p0 $0x8480  }
0x12a: {  	[tilespmem:s19], [sflag:$0x1] =	stream.indirect.gather @!p0 [hbm4b:s3+s18], $0x10, s17, s18, $0xb8;
	[tilespmem:$0xA600] =	vst v63  }
0x12b: {  	s16 =	sadd.s32 @!p0 $0x550, s16;
	s17 =	simm.s32 @!p0 $0x8700  }
0x12c: {  	[tilespmem:s17], [sflag:$0x1] =	stream.indirect.gather @!p0 [hbm4b:s3+s18], $0x10, s16, s18, $0xb8;
	[tilespmem:$0xA600] =	vst v63  }
0x12d: {  	_ =	swait.ge [sflag:s1], $0x280  }
0x12e: {  	[sflag:s1] =	ssyncset.done $0x0  }
0x12f: {  	[sflag:s1] =	ssyncadd.s32 $0xFFFFFD80  }
0x130: {  	_ =	swait.ge [sflag:s1], $0x280  }
0x131: {  	[sflag:s1] =	ssyncset.done $0x0  }
0x132: {  	[sflag:s1] =	ssyncadd.s32 $0xFFFFFD80  }
0x133: {  	_ =	swait.ge [sflag:s1], $0x280  }
0x134: {  	[sflag:s1] =	ssyncset.done $0x0  }
0x135: {  	[sflag:s1] =	ssyncadd.s32 $0xFFFFFD80  }
0x136: {  	_ =	swait.ge [sflag:s1], $0x280  }
0x137: {  	[sflag:s1] =	ssyncset.done $0x0  }
0x138: {  	[sflag:s1] =	ssyncadd.s32 $0xFFFFFD80  }
0x139: {  	_ =	swait.ge [sflag:s1], $0x280  }
0x13a: {  	[sflag:s1] =	ssyncset.done $0x0  }
0x13b: {  	s19 =	simm.s32 $0x89F0;
	[sflag:s1] =	ssyncadd.s32 $0xFFFFFD80  }
0x13c: {  	v0 =	vld [tilespmem:s19+$0xFFFFFF90];
	_ =	sdelay $0x1  }
0x13d: {  	v1 =	vld [tilespmem:s19+$0xFFFFFFA0];
	_ =	sdelay $0x1  }
0x13e: {  	v2 =	vld [tilespmem:s19+$0xFFFFFFB0]  }
0x13f: {  	v3 =	vimm.f32 $0.0e+00;
	v4 =	vunpack.i.l.bf16.f32 v0;
	v0 =	vunpack.i.u.bf16.f32 v0  }
0x140: {  	v5 =	vld [tilespmem:s19+$0xFFFFFFC0];
	v4 =	vadd.f32 v4, v3;
	v0 =	vadd.f32 v0, v3  }
0x141: {  	v3 =	vunpack.i.l.bf16.f32 v1;
	v1 =	vunpack.i.u.bf16.f32 v1  }
0x142: {  	v3 =	vadd.f32 v3, v4;
	v4 =	vld [tilespmem:s19+$0xFFFFFFD0];
	v0 =	vadd.f32 v1, v0  }
0x143: {  	v1 =	vunpack.i.l.bf16.f32 v2;
	v2 =	vunpack.i.u.bf16.f32 v2  }
0x144: {  	v6 =	vld [tilespmem:s19+$0xFFFFFFE0];
	v1 =	vadd.f32 v1, v3;
	v0 =	vadd.f32 v2, v0  }
0x145: {  	v2 =	vunpack.i.l.bf16.f32 v5;
	v3 =	vunpack.i.u.bf16.f32 v5  }
0x146: {  	v1 =	vadd.f32 v2, v1;
	v3 =	vadd.f32 v3, v0;
	v0 =	vld [tilespmem:s19+$0xFFFFFFF0]  }
0x147: {  	v2 =	vunpack.i.l.bf16.f32 v4;
	v4 =	vunpack.i.u.bf16.f32 v4  }
0x148: {  	v2 =	vadd.f32 v2, v1;
	v3 =	vadd.f32 v4, v3;
	v1 =	vld [tilespmem:s19+$0x0]  }
0x149: {  	s16 =	simm.s32 $0x0;
	s17 =	simm.s32 $0x8A70;
	v5 =	vunpack.i.l.bf16.f32 v6;
	v4 =	vunpack.i.u.bf16.f32 v6  }
.LBB2_19:
0x14a: {  	v6 =	vld [tilespmem:s17+$0xFFFFFF90];
	s16 =	sadd.s32 $0x8, s16;
	v2 =	vadd.f32 v5, v2;
	v3 =	vadd.f32 v4, v3  }
0x14b: {  	p1 =	slt.u32 s16, $0xC0;
	v4 =	vunpack.i.u.bf16.f32 v0;
	v0 =	vunpack.i.l.bf16.f32 v0  }
0x14c: {  	v5 =	vld [tilespmem:s17+$0xFFFFFFA0];
	v0 =	vadd.f32 v0, v2;
	v2 =	vadd.f32 v4, v3  }
0x14d: {  	v3 =	vunpack.i.u.bf16.f32 v1;
	v1 =	vunpack.i.l.bf16.f32 v1  }
0x14e: {  	v4 =	vld [tilespmem:s17+$0xFFFFFFB0];
	v0 =	vadd.f32 v1, v0;
	v1 =	vadd.f32 v3, v2  }
0x14f: {  	v2 =	vunpack.i.u.bf16.f32 v6;
	v3 =	vunpack.i.l.bf16.f32 v6  }
0x150: {  	v0 =	vadd.f32 v3, v0;
	v1 =	vadd.f32 v2, v1;
	v2 =	vld [tilespmem:s17+$0xFFFFFFC0]  }
0x151: {  	v3 =	vunpack.i.u.bf16.f32 v5;
	v5 =	vunpack.i.l.bf16.f32 v5  }
0x152: {  	v0 =	vadd.f32 v5, v0;
	v1 =	vadd.f32 v3, v1;
	v3 =	vld [tilespmem:s17+$0xFFFFFFD0]  }
0x153: {  	v5 =	vunpack.i.u.bf16.f32 v4;
	v4 =	vunpack.i.l.bf16.f32 v4  }
0x154: {  	v0 =	vadd.f32 v4, v0;
	v1 =	vadd.f32 v5, v1;
	v5 =	vld [tilespmem:s17+$0xFFFFFFE0]  }
.Ltmp10:
0x155: {  	v4 =	vunpack.i.u.bf16.f32 v2;
	v2 =	vunpack.i.l.bf16.f32 v2;
	(pc) =	sbr.rel @p1 .LBB2_19-.Ltmp10, $4  }
0x156: {  	v2 =	vadd.f32 v2, v0;
	v1 =	vadd.f32 v4, v1;
	v0 =	vld [tilespmem:s17+$0xFFFFFFF0]  }
0x157: {  	v4 =	vunpack.i.u.bf16.f32 v3;
	v3 =	vunpack.i.l.bf16.f32 v3  }
0x158: {  	v2 =	vadd.f32 v3, v2;
	v3 =	vadd.f32 v4, v1;
	v1 =	vld [tilespmem:s17+$0x0]  }
0x159: {  	s17 =	sadd.s32 $0x80, s17;
	v4 =	vunpack.i.u.bf16.f32 v5;
	v5 =	vunpack.i.l.bf16.f32 v5  }
0x15a: {  	v2 =	vadd.f32 v5, v2  }
0x15b: {  	v3 =	vadd.f32 v4, v3;
	v59 =	vunpack.i.l.bf16.f32 v0  }
0x15c: {  	v60 =	vunpack.i.u.bf16.f32 v0;
	v2 =	vadd.f32 v59, v2  }
0x15d: {  	v0 =	vadd.f32 v60, v3;
	v61 =	vunpack.i.l.bf16.f32 v1  }
0x15e: {  	v62 =	vunpack.i.u.bf16.f32 v1;
	v2 =	vadd.f32 v61, v2  }
.Ltmp11:
0x15f: {  	v0 =	vadd.f32 v62, v0;
	(pc) =	sbr.rel @p0 .LBB2_22-.Ltmp11, $4  }
0x160: {  	v63 =	vmul.f32 $4.999999890e-03, v2  }
0x161: {  	v0 =	vmul.f32 $4.999999890e-03, v0  }
0x162: {  	[tilespmem:s15+$0x9660] =	vst v63  }
0x163: {  	[tilespmem:s15+$0x9670] =	vst v0  }
0x164: {  	s15 =	smul.u32 $0xC80, s14;
	_ =	sdelay $0x1  }
0x165: {  	s15 =	sshra.s32 s15, $0x2  }
0x166: {  	s16 =	sadd.s32 $0x578, s15  }
0x167: {  	[tilespmem:s22], [sflag:$0x1] =	stream.indirect.gather [hbm4b:s3+s12], $0x10, s16, s12, $0xb8;
	[tilespmem:$0xA600] =	vst v63  }
0x168: {  	s17 =	sadd.s32 $0x5A0, s15  }
0x169: {  	[tilespmem:s24], [sflag:$0x1] =	stream.indirect.gather [hbm4b:s3+s12], $0x10, s17, s12, $0xb8;
	[tilespmem:$0xA600] =	vst v63  }
0x16a: {  	s18 =	sadd.s32 $0x5C8, s15  }
0x16b: {  	[tilespmem:s26], [sflag:$0x1] =	stream.indirect.gather [hbm4b:s3+s12], $0x10, s18, s12, $0xb8;
	[tilespmem:$0xA600] =	vst v63  }
.Ltmp12:
0x16c: {  	_ = 	snop;
	(pc) =	sbr.rel .LBB2_12-.Ltmp12, $4  }
0x16d: {  	s19 =	sadd.s32 $0x5F0, s15  }
0x16e: {  	[tilespmem:s29], [sflag:$0x1] =	stream.indirect.gather [hbm4b:s3+s12], $0x10, s19, s12, $0xb8;
	[tilespmem:$0xA600] =	vst v63  }
0x16f: {  	s14 =	sadd.s32 $0x1, s14;
	s15 =	sadd.s32 $0x618, s15  }
0x170: {  	[tilespmem:s31], [sflag:$0x1] =	stream.indirect.gather [hbm4b:s3+s12], $0x10, s15, s12, $0xb8;
	[tilespmem:$0xA600] =	vst v63  }
.LBB2_23:
0x171: {  	_ =	sfence.sel $0x180000  }
0x172: {  	[bflag:$0x0] =	sbarrier.arrive $0xFFFF  }
0x173: {  	_ =	strace $0x90000047  }
0x174: {  	s0 =	stileid.u32;
	[bflag:$0x2] =	sbarrier.arrive $0xFFFF  }
0x175: {  	p0 =	sne.s32 s0, $0x0;
	s0 =	rddreg [dreg:$0x1]  }
0x176: {  	s0 =	sadd.s32 @!p0 $0x100000, s0  }
0x177: {  	[sflag:s0] =	ssyncadd.tile.s32 @!p0 $0x1;
	_ =	shalt  }
.Lfunc_end2:
_tile_overlayer_lowered:
.L_overlay_start_2:
0x178: {  	(tag) =	ssettag $0x2  }
0x179: {  	s0 =	rddreg [dreg:$0x0];
	s2 =	stileid.u32  }
0x17a: {  	s1 =	rddreg [dreg:$0x1];
	p0 =	sne.s32 s2, $0x0  }
0x17b: {  	s3 =	rddreg [dreg:$0x2];
	[bflag:$0x3] =	sbarrier.arrive $0xFFFF;
	s2 =	simm.s32 @!p0 $0x1C02  }
0x17c: {  	[timem:s3], [sflag:s2] =	dma.local @!p0 [hbm:s0], s1  }
0x17d: {  	s0 =	simm.s32 @!p0 $0x2  }
0x17e: {  	_ =	swait.ge @!p0 [sflag:s0], s1  }
0x17f: {  	s1 =	ssub.s32 @!p0 $0x0, s1;
	[sflag:s0] =	ssyncset.done @!p0 $0x0  }
0x180: {  	[sflag:s0] =	ssyncadd.s32 @!p0 s1  }
0x181: {  	[bflag:$0x3] =	sbarrier.arrive $0xFFFF  }
0x182: {  	_ =	shalt  }

</sc_bundles>
